<compile_context>
chip_gen: v7x
topology: tpu7x:2x2x1
jax: 0.10.2.dev20260603
libtpu: 0.0.44.dev20260713+nightly
codegen_flags: <defaults>
</compile_context>

<pallas_src>
import functools

import jax
import jax.numpy as jnp
from jax import lax
from jax.experimental import pallas as pl
from jax.experimental.pallas import tpu as pltpu
from jax.experimental.pallas import tpu_sc as plsc

_ALPHA = 0.5
_NEG_LAMBDA = 1.0

_BSC = 1024
_NW = 32
_W = _BSC // _NW


def _tc_main_body(x_ref, y_ref, m_ref, out_ref, *, Bb, K, L, CH):
    x = x_ref[...]
    yb = y_ref[0]

    e16 = jnp.exp(-x).astype(jnp.bfloat16)
    e2 = e16.reshape(Bb * K, L)
    m = m_ref[...]
    s = jnp.concatenate(
        [jax.lax.dot_general(m, e2[c * CH * K:(c + 1) * CH * K],
                             (((1,), (0,)), ((), ())),
                             preferred_element_type=jnp.float32)
         for c in range(Bb // CH)], axis=0)

    col3 = jax.lax.broadcasted_iota(jnp.int32, (Bb, K, L), 2)
    xsel = jnp.where(col3 == yb.reshape(Bb, 1, 1), x, jnp.inf)
    posk = jnp.min(xsel, axis=2)
    pos = jnp.min(posk, axis=1, keepdims=True)

    col = jax.lax.broadcasted_iota(jnp.int32, (Bb, L), 1)
    tmask = col == yb

    t = jnp.maximum(_ALPHA + pos + _NEG_LAMBDA * jnp.log(s), 0.0)
    partial = jnp.sum(jnp.where(tmask, 0.0, t))

    @pl.when(pl.program_id(0) == 0)
    def _init():
        out_ref[0, 0] = 0.0

    out_ref[0, 0] += partial


def _tc_tail_body(s_ref, xmin_ref, y_ref, p1_ref, out_ref, *, Bsc, L,
                  inv_count):
    s = s_ref[...]
    xmin = xmin_ref[...]
    yb = y_ref[0]
    col = jax.lax.broadcasted_iota(jnp.int32, (Bsc, L), 1)
    tmask = col == yb
    pos = jnp.min(jnp.where(tmask, xmin, jnp.inf), axis=1, keepdims=True)
    t = jnp.maximum(_ALPHA + pos + _NEG_LAMBDA * jnp.log(s), 0.0)
    p2 = jnp.sum(jnp.where(tmask, 0.0, t))
    out_ref[0, 0] = (p1_ref[0, 0] + p2) * inv_count


def _sc_body(x_hbm, s_hbm, xmin_hbm, xbuf, sbuf, mbuf, *, BT, K, L):
    wid = lax.axis_index("s") * 2 + lax.axis_index("c")
    base = BT + wid * _W
    ob = wid * _W
    pltpu.sync_copy(x_hbm.at[pl.ds(base, _W)], xbuf)

    def row_fn(r, carry):
        for j in range(L // 16):
            acc = jnp.zeros((16,), jnp.float32)
            mn = jnp.full((16,), jnp.inf, jnp.float32)
            for k in range(K):
                chunk = xbuf[r, k, pl.ds(j * 16, 16)]
                acc = acc + jnp.exp(-chunk)
                mn = jnp.minimum(mn, chunk)
            sbuf[r, pl.ds(j * 16, 16)] = acc
            mbuf[r, pl.ds(j * 16, 16)] = mn
        return carry

    lax.fori_loop(0, _W, row_fn, 0)

    pltpu.sync_copy(sbuf, s_hbm.at[pl.ds(ob, _W)])
    pltpu.sync_copy(mbuf, xmin_hbm.at[pl.ds(ob, _W)])


def kernel(y_hat, y):
    B, L, K = y_hat.shape
    BT = B - _BSC
    Bb = 1024
    CH = 64
    G = BT // Bb
    x_t = jnp.transpose(y_hat, (0, 2, 1))

    mesh = plsc.VectorSubcoreMesh(core_axis_name="c", subcore_axis_name="s")
    sc_call = pl.kernel(
        functools.partial(_sc_body, BT=BT, K=K, L=L),
        mesh=mesh,
        out_type=[
            jax.ShapeDtypeStruct((_BSC, L), jnp.float32),
            jax.ShapeDtypeStruct((_BSC, L), jnp.float32),
        ],
        scratch_types=[
            pltpu.VMEM((_W, K, L), jnp.float32),
            pltpu.VMEM((_W, L), jnp.float32),
            pltpu.VMEM((_W, L), jnp.float32),
        ],
    )
    s_sc, xmin_sc = sc_call(x_t)

    y3 = y[:BT].reshape(G, Bb, 1)
    m = (jnp.arange(CH * K, dtype=jnp.int32)[None, :] // K
         == jnp.arange(CH, dtype=jnp.int32)[:, None]).astype(jnp.bfloat16)
    p1 = pl.pallas_call(
        functools.partial(_tc_main_body, Bb=Bb, K=K, L=L, CH=CH),
        grid=(G,),
        in_specs=[
            pl.BlockSpec((Bb, K, L), lambda i: (i, 0, 0)),
            pl.BlockSpec((1, Bb, 1), lambda i: (i, 0, 0)),
            pl.BlockSpec((CH, CH * K), lambda i: (0, 0)),
        ],
        out_specs=pl.BlockSpec(memory_space=pltpu.SMEM),
        out_shape=jax.ShapeDtypeStruct((1, 1), jnp.float32),
    )(x_t, y3, m)

    out = pl.pallas_call(
        functools.partial(_tc_tail_body, Bsc=_BSC, L=L,
                          inv_count=1.0 / (B * (L - 1))),
        in_specs=[
            pl.BlockSpec((_BSC, L), lambda: (0, 0)),
            pl.BlockSpec((_BSC, L), lambda: (0, 0)),
            pl.BlockSpec((1, _BSC, 1), lambda: (0, 0, 0)),
            pl.BlockSpec(memory_space=pltpu.SMEM),
        ],
        out_specs=pl.BlockSpec(memory_space=pltpu.SMEM),
        out_shape=jax.ShapeDtypeStruct((1, 1), jnp.float32),
    )(s_sc, xmin_sc, y[BT:].reshape(1, _BSC, 1), p1)

    return out[0, 0]

# --- scband reference (transcript-rebuilt; emitter-appended) ---
"""Pipeline reference for scband-loss-66288525246938 (READ-ONLY COPY).

The authoritative reference and input builder live on the scoring server;
editing this copy changes nothing except your own understanding.
"""

import jax, jax.numpy as jnp
import numpy as np

ALPHA = 0.5
NEG_LAMBDA = 1.0
B, L, K = 4096, 256, 8


def setup_inputs(seed: int = 0) -> dict:
    key = jax.random.key(seed)
    k1, k2 = jax.random.split(key)
    y_hat = jax.random.uniform(k1, (B, L, K), dtype=jnp.float32)
    y = jax.random.randint(k2, (B,), 0, L, dtype=jnp.int32)
    return {"y_hat": y_hat, "y": y}


def reference(y_hat, y):
    # Magnet loss, split_loss=True branch.
    Bq, Lq, Kq = y_hat.shape
    # positive: min distance to own-class clusters, repeated across L-1 negatives
    pos = jnp.min(y_hat[jnp.arange(Bq), y, :], axis=-1)  # [B]
    loss = ALPHA + jnp.tile(pos[:, None], (1, Lq - 1))   # [B, L-1]
    # gather the L-1 non-target classes per row (jit-friendly equivalent of
    # boolean-mask y_hat[notc_mask].reshape(B, L-1, K))
    j = jnp.arange(Lq - 1)[None, :]                       # [1, L-1]
    neg_idx = j + (j >= y[:, None]).astype(jnp.int32)     # [B, L-1]
    y_hat_not = jnp.take_along_axis(y_hat, neg_idx[:, :, None], axis=1)  # [B, L-1, K]
    loss = loss + NEG_LAMBDA * jax.scipy.special.logsumexp(-y_hat_not, axis=-1)
    loss = jnp.maximum(loss, 0.0).mean()
    return loss

if __name__ == "__main__":
    import jax
    _d = setup_inputs()
    print(jax.jit(kernel)(*tuple(_d.values())))

</pallas_src>

<mosaic_0001>
#map = affine_map<(d0, d1) -> (0, 0, 0)>
#map1 = affine_map<(d0, d1) -> (0, 0)>
module attributes {stable_mosaic.version = 14 : i64} {
  func.func @_sc_body(%arg0: i32, %arg1: i32, %arg2: memref<4096x8x256xf32, #tpu.memory_space<hbm>>, %arg3: memref<1024x256xf32, #tpu.memory_space<hbm>>, %arg4: memref<1024x256xf32, #tpu.memory_space<hbm>>, %arg5: memref<32x8x256xf32, #tpu.memory_space<vmem>>, %arg6: memref<32x256xf32, #tpu.memory_space<vmem>>, %arg7: memref<32x256xf32, #tpu.memory_space<vmem>>) attributes {dimension_semantics = [#tpu.dimension_semantics<core_parallel>, #tpu.dimension_semantics<subcore_parallel>], iteration_bounds = array<i64: 2, 16>, scalar_prefetch = 0 : i64, scratch_operands = 3 : i64, tpu.core_type = #tpu.core_type<sc_vector_subcore>, window_params = [{transform_indices = #map}, {transform_indices = #map1}, {transform_indices = #map1}]} {
    %mul3A = arith.constant 2 : i32
    %mul3A_0 = arith.muli %arg1, %mul3A : i32
    %add3A = arith.addi %mul3A_0, %arg0 : i32
    %mul3A_1 = arith.constant 32 : i32
    %mul3A_2 = arith.muli %add3A, %mul3A_1 : i32
    %add3A_3 = arith.constant 3072 : i32
    %add3A_4 = arith.addi %add3A_3, %mul3A_2 : i32
    %mul3A_5 = arith.constant 32 : i32
    %mul3A_6 = arith.muli %add3A, %mul3A_5 : i32
    "tpu.region"() ({
      %run_scoped3A = tpu.sem_alloc : memref<!tpu.dma_semaphore, #tpu.memory_space<semaphore_mem>>
      %dma_start3A = arith.constant 0 : i32
      %dma_start3A_12 = arith.constant 0 : i32
      %dma_start3A_13 = tpu.memref_slice %arg2[%add3A_4, %dma_start3A, %dma_start3A_12] : memref<4096x8x256xf32, #tpu.memory_space<hbm>> -> memref<32x8x256xf32, #tpu.memory_space<hbm>>
      %dma_start3A_14 = arith.constant 0 : i32
      %dma_start3A_15 = arith.constant 0 : i32
      %dma_start3A_16 = tpu.memref_slice %arg2[%add3A_4, %dma_start3A_14, %dma_start3A_15] : memref<4096x8x256xf32, #tpu.memory_space<hbm>> -> memref<32x8x256xf32, #tpu.memory_space<hbm>>
      tpu.enqueue_dma source(%dma_start3A_16 : memref<32x8x256xf32, #tpu.memory_space<hbm>>) target(%arg5 : memref<32x8x256xf32, #tpu.memory_space<vmem>>) target_semaphore(%run_scoped3A : memref<!tpu.dma_semaphore, #tpu.memory_space<semaphore_mem>>)
      %dma_wait3A = arith.constant 0 : i32
      %dma_wait3A_17 = arith.constant 0 : i32
      %dma_wait3A_18 = tpu.memref_slice %arg2[%add3A_4, %dma_wait3A, %dma_wait3A_17] : memref<4096x8x256xf32, #tpu.memory_space<hbm>> -> memref<32x8x256xf32, #tpu.memory_space<hbm>>
      %dma_wait3A_19 = arith.constant 0 : i32
      %dma_wait3A_20 = arith.constant 0 : i32
      %dma_wait3A_21 = tpu.memref_slice %arg2[%add3A_4, %dma_wait3A_19, %dma_wait3A_20] : memref<4096x8x256xf32, #tpu.memory_space<hbm>> -> memref<32x8x256xf32, #tpu.memory_space<hbm>>
      tpu.wait_dma2 semaphore(%run_scoped3A : memref<!tpu.dma_semaphore, #tpu.memory_space<semaphore_mem>>) src(%dma_wait3A_21 : memref<32x8x256xf32, #tpu.memory_space<hbm>>) dst(%arg5 : memref<32x8x256xf32, #tpu.memory_space<vmem>>)
      tpu.yield
    }) : () -> ()
    %scan3A = arith.constant 0 : i32
    %scan3A_7 = arith.constant 0 : i32
    %scan3A_8 = arith.constant 32 : i32
    %scan3A_9 = arith.addi %scan3A_7, %scan3A_8 : i32
    %scan3A_10 = arith.constant 1 : i32
    scf.for %scan3A_12 = %scan3A_7 to %scan3A_9 step %scan3A_10  : i32 {
      %broadcast_in_dim3A = arith.constant 0.000000e+00 : f32
      %broadcast_in_dim3A_13 = vector.broadcast %broadcast_in_dim3A : f32 to vector<16xf32>
      %broadcast_in_dim3A_14 = arith.constant 0x7F800000 : f32
      %broadcast_in_dim3A_15 = vector.broadcast %broadcast_in_dim3A_14 : f32 to vector<16xf32>
      %get3A = arith.constant 0 : i32
      %get3A_16 = arith.index_cast %scan3A_12 : i32 to index
      %get3A_17 = arith.index_cast %get3A : i32 to index
      %get3A_18 = arith.constant 0 : index
      %get3A_19 = tpu.vector_load %arg5[%get3A_16, %get3A_17, %get3A_18] {strides = array<i32>} : memref<32x8x256xf32, #tpu.memory_space<vmem>>, vector<1x1x16xf32>,
      %get3A_20 = vector.shape_cast %get3A_19 : vector<1x1x16xf32> to vector<16xf32>
      %neg3A = arith.constant 0.000000e+00 : f32
      %neg3A_21 = vector.broadcast %neg3A : f32 to vector<16xf32>
      %neg3A_22 = arith.subf %neg3A_21, %get3A_20 : vector<16xf32>
      %exp3A = math.exp %neg3A_22 : vector<16xf32>
      %add3A_23 = arith.addf %broadcast_in_dim3A_13, %exp3A : vector<16xf32>
      %min3A = arith.minimumf %broadcast_in_dim3A_15, %get3A_20 : vector<16xf32>
      %get3A_24 = arith.constant 1 : i32
      %get3A_25 = arith.index_cast %scan3A_12 : i32 to index
      %get3A_26 = arith.index_cast %get3A_24 : i32 to index
      %get3A_27 = arith.constant 0 : index
      %get3A_28 = tpu.vector_load %arg5[%get3A_25, %get3A_26, %get3A_27] {strides = array<i32>} : memref<32x8x256xf32, #tpu.memory_space<vmem>>, vector<1x1x16xf32>,
      %get3A_29 = vector.shape_cast %get3A_28 : vector<1x1x16xf32> to vector<16xf32>
      %neg3A_30 = arith.constant 0.000000e+00 : f32
      %neg3A_31 = vector.broadcast %neg3A_30 : f32 to vector<16xf32>
      %neg3A_32 = arith.subf %neg3A_31, %get3A_29 : vector<16xf32>
      %exp3A_33 = math.exp %neg3A_32 : vector<16xf32>
      %add3A_34 = arith.addf %add3A_23, %exp3A_33 : vector<16xf32>
      %min3A_35 = arith.minimumf %min3A, %get3A_29 : vector<16xf32>
      %get3A_36 = arith.constant 2 : i32
      %get3A_37 = arith.index_cast %scan3A_12 : i32 to index
      %get3A_38 = arith.index_cast %get3A_36 : i32 to index
      %get3A_39 = arith.constant 0 : index
      %get3A_40 = tpu.vector_load %arg5[%get3A_37, %get3A_38, %get3A_39] {strides = array<i32>} : memref<32x8x256xf32, #tpu.memory_space<vmem>>, vector<1x1x16xf32>,
      %get3A_41 = vector.shape_cast %get3A_40 : vector<1x1x16xf32> to vector<16xf32>
      %neg3A_42 = arith.constant 0.000000e+00 : f32
      %neg3A_43 = vector.broadcast %neg3A_42 : f32 to vector<16xf32>
      %neg3A_44 = arith.subf %neg3A_43, %get3A_41 : vector<16xf32>
      %exp3A_45 = math.exp %neg3A_44 : vector<16xf32>
      %add3A_46 = arith.addf %add3A_34, %exp3A_45 : vector<16xf32>
      %min3A_47 = arith.minimumf %min3A_35, %get3A_41 : vector<16xf32>
      %get3A_48 = arith.constant 3 : i32
      %get3A_49 = arith.index_cast %scan3A_12 : i32 to index
      %get3A_50 = arith.index_cast %get3A_48 : i32 to index
      %get3A_51 = arith.constant 0 : index
      %get3A_52 = tpu.vector_load %arg5[%get3A_49, %get3A_50, %get3A_51] {strides = array<i32>} : memref<32x8x256xf32, #tpu.memory_space<vmem>>, vector<1x1x16xf32>,
      %get3A_53 = vector.shape_cast %get3A_52 : vector<1x1x16xf32> to vector<16xf32>
      %neg3A_54 = arith.constant 0.000000e+00 : f32
      %neg3A_55 = vector.broadcast %neg3A_54 : f32 to vector<16xf32>
      %neg3A_56 = arith.subf %neg3A_55, %get3A_53 : vector<16xf32>
      %exp3A_57 = math.exp %neg3A_56 : vector<16xf32>
      %add3A_58 = arith.addf %add3A_46, %exp3A_57 : vector<16xf32>
      %min3A_59 = arith.minimumf %min3A_47, %get3A_53 : vector<16xf32>
      %get3A_60 = arith.constant 4 : i32
      %get3A_61 = arith.index_cast %scan3A_12 : i32 to index
      %get3A_62 = arith.index_cast %get3A_60 : i32 to index
      %get3A_63 = arith.constant 0 : index
      %get3A_64 = tpu.vector_load %arg5[%get3A_61, %get3A_62, %get3A_63] {strides = array<i32>} : memref<32x8x256xf32, #tpu.memory_space<vmem>>, vector<1x1x16xf32>,
      %get3A_65 = vector.shape_cast %get3A_64 : vector<1x1x16xf32> to vector<16xf32>
      %neg3A_66 = arith.constant 0.000000e+00 : f32
      %neg3A_67 = vector.broadcast %neg3A_66 : f32 to vector<16xf32>
      %neg3A_68 = arith.subf %neg3A_67, %get3A_65 : vector<16xf32>
      %exp3A_69 = math.exp %neg3A_68 : vector<16xf32>
      %add3A_70 = arith.addf %add3A_58, %exp3A_69 : vector<16xf32>
      %min3A_71 = arith.minimumf %min3A_59, %get3A_65 : vector<16xf32>
      %get3A_72 = arith.constant 5 : i32
      %get3A_73 = arith.index_cast %scan3A_12 : i32 to index
      %get3A_74 = arith.index_cast %get3A_72 : i32 to index
      %get3A_75 = arith.constant 0 : index
      %get3A_76 = tpu.vector_load %arg5[%get3A_73, %get3A_74, %get3A_75] {strides = array<i32>} : memref<32x8x256xf32, #tpu.memory_space<vmem>>, vector<1x1x16xf32>,
      %get3A_77 = vector.shape_cast %get3A_76 : vector<1x1x16xf32> to vector<16xf32>
      %neg3A_78 = arith.constant 0.000000e+00 : f32
      %neg3A_79 = vector.broadcast %neg3A_78 : f32 to vector<16xf32>
      %neg3A_80 = arith.subf %neg3A_79, %get3A_77 : vector<16xf32>
      %exp3A_81 = math.exp %neg3A_80 : vector<16xf32>
      %add3A_82 = arith.addf %add3A_70, %exp3A_81 : vector<16xf32>
      %min3A_83 = arith.minimumf %min3A_71, %get3A_77 : vector<16xf32>
      %get3A_84 = arith.constant 6 : i32
      %get3A_85 = arith.index_cast %scan3A_12 : i32 to index
      %get3A_86 = arith.index_cast %get3A_84 : i32 to index
      %get3A_87 = arith.constant 0 : index
      %get3A_88 = tpu.vector_load %arg5[%get3A_85, %get3A_86, %get3A_87] {strides = array<i32>} : memref<32x8x256xf32, #tpu.memory_space<vmem>>, vector<1x1x16xf32>,
      %get3A_89 = vector.shape_cast %get3A_88 : vector<1x1x16xf32> to vector<16xf32>
      %neg3A_90 = arith.constant 0.000000e+00 : f32
      %neg3A_91 = vector.broadcast %neg3A_90 : f32 to vector<16xf32>
      %neg3A_92 = arith.subf %neg3A_91, %get3A_89 : vector<16xf32>
      %exp3A_93 = math.exp %neg3A_92 : vector<16xf32>
      %add3A_94 = arith.addf %add3A_82, %exp3A_93 : vector<16xf32>
      %min3A_95 = arith.minimumf %min3A_83, %get3A_89 : vector<16xf32>
      %get3A_96 = arith.constant 7 : i32
      %get3A_97 = arith.index_cast %scan3A_12 : i32 to index
      %get3A_98 = arith.index_cast %get3A_96 : i32 to index
      %get3A_99 = arith.constant 0 : index
      %get3A_100 = tpu.vector_load %arg5[%get3A_97, %get3A_98, %get3A_99] {strides = array<i32>} : memref<32x8x256xf32, #tpu.memory_space<vmem>>, vector<1x1x16xf32>,
      %get3A_101 = vector.shape_cast %get3A_100 : vector<1x1x16xf32> to vector<16xf32>
      %neg3A_102 = arith.constant 0.000000e+00 : f32
      %neg3A_103 = vector.broadcast %neg3A_102 : f32 to vector<16xf32>
      %neg3A_104 = arith.subf %neg3A_103, %get3A_101 : vector<16xf32>
      %exp3A_105 = math.exp %neg3A_104 : vector<16xf32>
      %add3A_106 = arith.addf %add3A_94, %exp3A_105 : vector<16xf32>
      %min3A_107 = arith.minimumf %min3A_95, %get3A_101 : vector<16xf32>
      %swap3A = arith.index_cast %scan3A_12 : i32 to index
      %swap3A_108 = arith.constant 0 : index
      %swap3A_109 = tpu.vector_load %arg6[%swap3A, %swap3A_108] {strides = array<i32>} : memref<32x256xf32, #tpu.memory_space<vmem>>, vector<1x16xf32>,
      %swap3A_110 = vector.shape_cast %swap3A_109 : vector<1x16xf32> to vector<16xf32>
      %swap3A_111 = vector.shape_cast %add3A_106 : vector<16xf32> to vector<1x16xf32>
      tpu.vector_store %arg6[%swap3A, %swap3A_108], %swap3A_111 {strides = array<i32>} : memref<32x256xf32, #tpu.memory_space<vmem>>, vector<1x16xf32>,
      %swap3A_112 = arith.index_cast %scan3A_12 : i32 to index
      %swap3A_113 = arith.constant 0 : index
      %swap3A_114 = tpu.vector_load %arg7[%swap3A_112, %swap3A_113] {strides = array<i32>} : memref<32x256xf32, #tpu.memory_space<vmem>>, vector<1x16xf32>,
      %swap3A_115 = vector.shape_cast %swap3A_114 : vector<1x16xf32> to vector<16xf32>
      %swap3A_116 = vector.shape_cast %min3A_107 : vector<16xf32> to vector<1x16xf32>
      tpu.vector_store %arg7[%swap3A_112, %swap3A_113], %swap3A_116 {strides = array<i32>} : memref<32x256xf32, #tpu.memory_space<vmem>>, vector<1x16xf32>,
      %broadcast_in_dim3A_117 = arith.constant 0.000000e+00 : f32
      %broadcast_in_dim3A_118 = vector.broadcast %broadcast_in_dim3A_117 : f32 to vector<16xf32>
      %broadcast_in_dim3A_119 = arith.constant 0x7F800000 : f32
      %broadcast_in_dim3A_120 = vector.broadcast %broadcast_in_dim3A_119 : f32 to vector<16xf32>
      %get3A_121 = arith.constant 0 : i32
      %get3A_122 = arith.index_cast %scan3A_12 : i32 to index
      %get3A_123 = arith.index_cast %get3A_121 : i32 to index
      %get3A_124 = arith.constant 16 : index
      %get3A_125 = tpu.vector_load %arg5[%get3A_122, %get3A_123, %get3A_124] {strides = array<i32>} : memref<32x8x256xf32, #tpu.memory_space<vmem>>, vector<1x1x16xf32>,
      %get3A_126 = vector.shape_cast %get3A_125 : vector<1x1x16xf32> to vector<16xf32>
      %neg3A_127 = arith.constant 0.000000e+00 : f32
      %neg3A_128 = vector.broadcast %neg3A_127 : f32 to vector<16xf32>
      %neg3A_129 = arith.subf %neg3A_128, %get3A_126 : vector<16xf32>
      %exp3A_130 = math.exp %neg3A_129 : vector<16xf32>
      %add3A_131 = arith.addf %broadcast_in_dim3A_118, %exp3A_130 : vector<16xf32>
      %min3A_132 = arith.minimumf %broadcast_in_dim3A_120, %get3A_126 : vector<16xf32>
      %get3A_133 = arith.constant 1 : i32
      %get3A_134 = arith.index_cast %scan3A_12 : i32 to index
      %get3A_135 = arith.index_cast %get3A_133 : i32 to index
      %get3A_136 = arith.constant 16 : index
      %get3A_137 = tpu.vector_load %arg5[%get3A_134, %get3A_135, %get3A_136] {strides = array<i32>} : memref<32x8x256xf32, #tpu.memory_space<vmem>>, vector<1x1x16xf32>,
      %get3A_138 = vector.shape_cast %get3A_137 : vector<1x1x16xf32> to vector<16xf32>
      %neg3A_139 = arith.constant 0.000000e+00 : f32
      %neg3A_140 = vector.broadcast %neg3A_139 : f32 to vector<16xf32>
      %neg3A_141 = arith.subf %neg3A_140, %get3A_138 : vector<16xf32>
      %exp3A_142 = math.exp %neg3A_141 : vector<16xf32>
      %add3A_143 = arith.addf %add3A_131, %exp3A_142 : vector<16xf32>
      %min3A_144 = arith.minimumf %min3A_132, %get3A_138 : vector<16xf32>
      %get3A_145 = arith.constant 2 : i32
      %get3A_146 = arith.index_cast %scan3A_12 : i32 to index
      %get3A_147 = arith.index_cast %get3A_145 : i32 to index
      %get3A_148 = arith.constant 16 : index
      %get3A_149 = tpu.vector_load %arg5[%get3A_146, %get3A_147, %get3A_148] {strides = array<i32>} : memref<32x8x256xf32, #tpu.memory_space<vmem>>, vector<1x1x16xf32>,
      %get3A_150 = vector.shape_cast %get3A_149 : vector<1x1x16xf32> to vector<16xf32>
      %neg3A_151 = arith.constant 0.000000e+00 : f32
      %neg3A_152 = vector.broadcast %neg3A_151 : f32 to vector<16xf32>
      %neg3A_153 = arith.subf %neg3A_152, %get3A_150 : vector<16xf32>
      %exp3A_154 = math.exp %neg3A_153 : vector<16xf32>
      %add3A_155 = arith.addf %add3A_143, %exp3A_154 : vector<16xf32>
      %min3A_156 = arith.minimumf %min3A_144, %get3A_150 : vector<16xf32>
      %get3A_157 = arith.constant 3 : i32
      %get3A_158 = arith.index_cast %scan3A_12 : i32 to index
      %get3A_159 = arith.index_cast %get3A_157 : i32 to index
      %get3A_160 = arith.constant 16 : index
      %get3A_161 = tpu.vector_load %arg5[%get3A_158, %get3A_159, %get3A_160] {strides = array<i32>} : memref<32x8x256xf32, #tpu.memory_space<vmem>>, vector<1x1x16xf32>,
      %get3A_162 = vector.shape_cast %get3A_161 : vector<1x1x16xf32> to vector<16xf32>
      %neg3A_163 = arith.constant 0.000000e+00 : f32
      %neg3A_164 = vector.broadcast %neg3A_163 : f32 to vector<16xf32>
      %neg3A_165 = arith.subf %neg3A_164, %get3A_162 : vector<16xf32>
      %exp3A_166 = math.exp %neg3A_165 : vector<16xf32>
      %add3A_167 = arith.addf %add3A_155, %exp3A_166 : vector<16xf32>
      %min3A_168 = arith.minimumf %min3A_156, %get3A_162 : vector<16xf32>
      %get3A_169 = arith.constant 4 : i32
      %get3A_170 = arith.index_cast %scan3A_12 : i32 to index
      %get3A_171 = arith.index_cast %get3A_169 : i32 to index
      %get3A_172 = arith.constant 16 : index
      %get3A_173 = tpu.vector_load %arg5[%get3A_170, %get3A_171, %get3A_172] {strides = array<i32>} : memref<32x8x256xf32, #tpu.memory_space<vmem>>, vector<1x1x16xf32>,
      %get3A_174 = vector.shape_cast %get3A_173 : vector<1x1x16xf32> to vector<16xf32>
      %neg3A_175 = arith.constant 0.000000e+00 : f32
      %neg3A_176 = vector.broadcast %neg3A_175 : f32 to vector<16xf32>
      %neg3A_177 = arith.subf %neg3A_176, %get3A_174 : vector<16xf32>
      %exp3A_178 = math.exp %neg3A_177 : vector<16xf32>
      %add3A_179 = arith.addf %add3A_167, %exp3A_178 : vector<16xf32>
      %min3A_180 = arith.minimumf %min3A_168, %get3A_174 : vector<16xf32>
      %get3A_181 = arith.constant 5 : i32
      %get3A_182 = arith.index_cast %scan3A_12 : i32 to index
      %get3A_183 = arith.index_cast %get3A_181 : i32 to index
      %get3A_184 = arith.constant 16 : index
      %get3A_185 = tpu.vector_load %arg5[%get3A_182, %get3A_183, %get3A_184] {strides = array<i32>} : memref<32x8x256xf32, #tpu.memory_space<vmem>>, vector<1x1x16xf32>,
      %get3A_186 = vector.shape_cast %get3A_185 : vector<1x1x16xf32> to vector<16xf32>
      %neg3A_187 = arith.constant 0.000000e+00 : f32
      %neg3A_188 = vector.broadcast %neg3A_187 : f32 to vector<16xf32>
      %neg3A_189 = arith.subf %neg3A_188, %get3A_186 : vector<16xf32>
      %exp3A_190 = math.exp %neg3A_189 : vector<16xf32>
      %add3A_191 = arith.addf %add3A_179, %exp3A_190 : vector<16xf32>
      %min3A_192 = arith.minimumf %min3A_180, %get3A_186 : vector<16xf32>
      %get3A_193 = arith.constant 6 : i32
      %get3A_194 = arith.index_cast %scan3A_12 : i32 to index
      %get3A_195 = arith.index_cast %get3A_193 : i32 to index
      %get3A_196 = arith.constant 16 : index
      %get3A_197 = tpu.vector_load %arg5[%get3A_194, %get3A_195, %get3A_196] {strides = array<i32>} : memref<32x8x256xf32, #tpu.memory_space<vmem>>, vector<1x1x16xf32>,
      %get3A_198 = vector.shape_cast %get3A_197 : vector<1x1x16xf32> to vector<16xf32>
      %neg3A_199 = arith.constant 0.000000e+00 : f32
      %neg3A_200 = vector.broadcast %neg3A_199 : f32 to vector<16xf32>
      %neg3A_201 = arith.subf %neg3A_200, %get3A_198 : vector<16xf32>
      %exp3A_202 = math.exp %neg3A_201 : vector<16xf32>
      %add3A_203 = arith.addf %add3A_191, %exp3A_202 : vector<16xf32>
      %min3A_204 = arith.minimumf %min3A_192, %get3A_198 : vector<16xf32>
      %get3A_205 = arith.constant 7 : i32
      %get3A_206 = arith.index_cast %scan3A_12 : i32 to index
      %get3A_207 = arith.index_cast %get3A_205 : i32 to index
      %get3A_208 = arith.constant 16 : index
      %get3A_209 = tpu.vector_load %arg5[%get3A_206, %get3A_207, %get3A_208] {strides = array<i32>} : memref<32x8x256xf32, #tpu.memory_space<vmem>>, vector<1x1x16xf32>,
      %get3A_210 = vector.shape_cast %get3A_209 : vector<1x1x16xf32> to vector<16xf32>
      %neg3A_211 = arith.constant 0.000000e+00 : f32
      %neg3A_212 = vector.broadcast %neg3A_211 : f32 to vector<16xf32>
      %neg3A_213 = arith.subf %neg3A_212, %get3A_210 : vector<16xf32>
      %exp3A_214 = math.exp %neg3A_213 : vector<16xf32>
      %add3A_215 = arith.addf %add3A_203, %exp3A_214 : vector<16xf32>
      %min3A_216 = arith.minimumf %min3A_204, %get3A_210 : vector<16xf32>
      %swap3A_217 = arith.index_cast %scan3A_12 : i32 to index
      %swap3A_218 = arith.constant 16 : index
      %swap3A_219 = tpu.vector_load %arg6[%swap3A_217, %swap3A_218] {strides = array<i32>} : memref<32x256xf32, #tpu.memory_space<vmem>>, vector<1x16xf32>,
      %swap3A_220 = vector.shape_cast %swap3A_219 : vector<1x16xf32> to vector<16xf32>
      %swap3A_221 = vector.shape_cast %add3A_215 : vector<16xf32> to vector<1x16xf32>
      tpu.vector_store %arg6[%swap3A_217, %swap3A_218], %swap3A_221 {strides = array<i32>} : memref<32x256xf32, #tpu.memory_space<vmem>>, vector<1x16xf32>,
      %swap3A_222 = arith.index_cast %scan3A_12 : i32 to index
      %swap3A_223 = arith.constant 16 : index
      %swap3A_224 = tpu.vector_load %arg7[%swap3A_222, %swap3A_223] {strides = array<i32>} : memref<32x256xf32, #tpu.memory_space<vmem>>, vector<1x16xf32>,
      %swap3A_225 = vector.shape_cast %swap3A_224 : vector<1x16xf32> to vector<16xf32>
      %swap3A_226 = vector.shape_cast %min3A_216 : vector<16xf32> to vector<1x16xf32>
      tpu.vector_store %arg7[%swap3A_222, %swap3A_223], %swap3A_226 {strides = array<i32>} : memref<32x256xf32, #tpu.memory_space<vmem>>, vector<1x16xf32>,
      %broadcast_in_dim3A_227 = arith.constant 0.000000e+00 : f32
      %broadcast_in_dim3A_228 = vector.broadcast %broadcast_in_dim3A_227 : f32 to vector<16xf32>
      %broadcast_in_dim3A_229 = arith.constant 0x7F800000 : f32
      %broadcast_in_dim3A_230 = vector.broadcast %broadcast_in_dim3A_229 : f32 to vector<16xf32>
      %get3A_231 = arith.constant 0 : i32
      %get3A_232 = arith.index_cast %scan3A_12 : i32 to index
      %get3A_233 = arith.index_cast %get3A_231 : i32 to index
      %get3A_234 = arith.constant 32 : index
      %get3A_235 = tpu.vector_load %arg5[%get3A_232, %get3A_233, %get3A_234] {strides = array<i32>} : memref<32x8x256xf32, #tpu.memory_space<vmem>>, vector<1x1x16xf32>,
      %get3A_236 = vector.shape_cast %get3A_235 : vector<1x1x16xf32> to vector<16xf32>
      %neg3A_237 = arith.constant 0.000000e+00 : f32
      %neg3A_238 = vector.broadcast %neg3A_237 : f32 to vector<16xf32>
      %neg3A_239 = arith.subf %neg3A_238, %get3A_236 : vector<16xf32>
      %exp3A_240 = math.exp %neg3A_239 : vector<16xf32>
      %add3A_241 = arith.addf %broadcast_in_dim3A_228, %exp3A_240 : vector<16xf32>
      %min3A_242 = arith.minimumf %broadcast_in_dim3A_230, %get3A_236 : vector<16xf32>
      %get3A_243 = arith.constant 1 : i32
      %get3A_244 = arith.index_cast %scan3A_12 : i32 to index
      %get3A_245 = arith.index_cast %get3A_243 : i32 to index
      %get3A_246 = arith.constant 32 : index
      %get3A_247 = tpu.vector_load %arg5[%get3A_244, %get3A_245, %get3A_246] {strides = array<i32>} : memref<32x8x256xf32, #tpu.memory_space<vmem>>, vector<1x1x16xf32>,
      %get3A_248 = vector.shape_cast %get3A_247 : vector<1x1x16xf32> to vector<16xf32>
      %neg3A_249 = arith.constant 0.000000e+00 : f32
      %neg3A_250 = vector.broadcast %neg3A_249 : f32 to vector<16xf32>
      %neg3A_251 = arith.subf %neg3A_250, %get3A_248 : vector<16xf32>
      %exp3A_252 = math.exp %neg3A_251 : vector<16xf32>
      %add3A_253 = arith.addf %add3A_241, %exp3A_252 : vector<16xf32>
      %min3A_254 = arith.minimumf %min3A_242, %get3A_248 : vector<16xf32>
      %get3A_255 = arith.constant 2 : i32
      %get3A_256 = arith.index_cast %scan3A_12 : i32 to index
      %get3A_257 = arith.index_cast %get3A_255 : i32 to index
      %get3A_258 = arith.constant 32 : index
      %get3A_259 = tpu.vector_load %arg5[%get3A_256, %get3A_257, %get3A_258] {strides = array<i32>} : memref<32x8x256xf32, #tpu.memory_space<vmem>>, vector<1x1x16xf32>,
      %get3A_260 = vector.shape_cast %get3A_259 : vector<1x1x16xf32> to vector<16xf32>
      %neg3A_261 = arith.constant 0.000000e+00 : f32
      %neg3A_262 = vector.broadcast %neg3A_261 : f32 to vector<16xf32>
      %neg3A_263 = arith.subf %neg3A_262, %get3A_260 : vector<16xf32>
      %exp3A_264 = math.exp %neg3A_263 : vector<16xf32>
      %add3A_265 = arith.addf %add3A_253, %exp3A_264 : vector<16xf32>
      %min3A_266 = arith.minimumf %min3A_254, %get3A_260 : vector<16xf32>
      %get3A_267 = arith.constant 3 : i32
      %get3A_268 = arith.index_cast %scan3A_12 : i32 to index
      %get3A_269 = arith.index_cast %get3A_267 : i32 to index
      %get3A_270 = arith.constant 32 : index
      %get3A_271 = tpu.vector_load %arg5[%get3A_268, %get3A_269, %get3A_270] {strides = array<i32>} : memref<32x8x256xf32, #tpu.memory_space<vmem>>, vector<1x1x16xf32>,
      %get3A_272 = vector.shape_cast %get3A_271 : vector<1x1x16xf32> to vector<16xf32>
      %neg3A_273 = arith.constant 0.000000e+00 : f32
      %neg3A_274 = vector.broadcast %neg3A_273 : f32 to vector<16xf32>
      %neg3A_275 = arith.subf %neg3A_274, %get3A_272 : vector<16xf32>
      %exp3A_276 = math.exp %neg3A_275 : vector<16xf32>
      %add3A_277 = arith.addf %add3A_265, %exp3A_276 : vector<16xf32>
      %min3A_278 = arith.minimumf %min3A_266, %get3A_272 : vector<16xf32>
      %get3A_279 = arith.constant 4 : i32
      %get3A_280 = arith.index_cast %scan3A_12 : i32 to index
      %get3A_281 = arith.index_cast %get3A_279 : i32 to index
      %get3A_282 = arith.constant 32 : index
      %get3A_283 = tpu.vector_load %arg5[%get3A_280, %get3A_281, %get3A_282] {strides = array<i32>} : memref<32x8x256xf32, #tpu.memory_space<vmem>>, vector<1x1x16xf32>,
      %get3A_284 = vector.shape_cast %get3A_283 : vector<1x1x16xf32> to vector<16xf32>
      %neg3A_285 = arith.constant 0.000000e+00 : f32
      %neg3A_286 = vector.broadcast %neg3A_285 : f32 to vector<16xf32>
      %neg3A_287 = arith.subf %neg3A_286, %get3A_284 : vector<16xf32>
      %exp3A_288 = math.exp %neg3A_287 : vector<16xf32>
      %add3A_289 = arith.addf %add3A_277, %exp3A_288 : vector<16xf32>
      %min3A_290 = arith.minimumf %min3A_278, %get3A_284 : vector<16xf32>
      %get3A_291 = arith.constant 5 : i32
      %get3A_292 = arith.index_cast %scan3A_12 : i32 to index
      %get3A_293 = arith.index_cast %get3A_291 : i32 to index
      %get3A_294 = arith.constant 32 : index
      %get3A_295 = tpu.vector_load %arg5[%get3A_292, %get3A_293, %get3A_294] {strides = array<i32>} : memref<32x8x256xf32, #tpu.memory_space<vmem>>, vector<1x1x16xf32>,
      %get3A_296 = vector.shape_cast %get3A_295 : vector<1x1x16xf32> to vector<16xf32>
      %neg3A_297 = arith.constant 0.000000e+00 : f32
      %neg3A_298 = vector.broadcast %neg3A_297 : f32 to vector<16xf32>
      %neg3A_299 = arith.subf %neg3A_298, %get3A_296 : vector<16xf32>
      %exp3A_300 = math.exp %neg3A_299 : vector<16xf32>
      %add3A_301 = arith.addf %add3A_289, %exp3A_300 : vector<16xf32>
      %min3A_302 = arith.minimumf %min3A_290, %get3A_296 : vector<16xf32>
      %get3A_303 = arith.constant 6 : i32
      %get3A_304 = arith.index_cast %scan3A_12 : i32 to index
      %get3A_305 = arith.index_cast %get3A_303 : i32 to index
      %get3A_306 = arith.constant 32 : index
      %get3A_307 = tpu.vector_load %arg5[%get3A_304, %get3A_305, %get3A_306] {strides = array<i32>} : memref<32x8x256xf32, #tpu.memory_space<vmem>>, vector<1x1x16xf32>,
      %get3A_308 = vector.shape_cast %get3A_307 : vector<1x1x16xf32> to vector<16xf32>
      %neg3A_309 = arith.constant 0.000000e+00 : f32
      %neg3A_310 = vector.broadcast %neg3A_309 : f32 to vector<16xf32>
      %neg3A_311 = arith.subf %neg3A_310, %get3A_308 : vector<16xf32>
      %exp3A_312 = math.exp %neg3A_311 : vector<16xf32>
      %add3A_313 = arith.addf %add3A_301, %exp3A_312 : vector<16xf32>
      %min3A_314 = arith.minimumf %min3A_302, %get3A_308 : vector<16xf32>
      %get3A_315 = arith.constant 7 : i32
      %get3A_316 = arith.index_cast %scan3A_12 : i32 to index
      %get3A_317 = arith.index_cast %get3A_315 : i32 to index
      %get3A_318 = arith.constant 32 : index
      %get3A_319 = tpu.vector_load %arg5[%get3A_316, %get3A_317, %get3A_318] {strides = array<i32>} : memref<32x8x256xf32, #tpu.memory_space<vmem>>, vector<1x1x16xf32>,
      %get3A_320 = vector.shape_cast %get3A_319 : vector<1x1x16xf32> to vector<16xf32>
      %neg3A_321 = arith.constant 0.000000e+00 : f32
      %neg3A_322 = vector.broadcast %neg3A_321 : f32 to vector<16xf32>
      %neg3A_323 = arith.subf %neg3A_322, %get3A_320 : vector<16xf32>
      %exp3A_324 = math.exp %neg3A_323 : vector<16xf32>
      %add3A_325 = arith.addf %add3A_313, %exp3A_324 : vector<16xf32>
      %min3A_326 = arith.minimumf %min3A_314, %get3A_320 : vector<16xf32>
      %swap3A_327 = arith.index_cast %scan3A_12 : i32 to index
      %swap3A_328 = arith.constant 32 : index
      %swap3A_329 = tpu.vector_load %arg6[%swap3A_327, %swap3A_328] {strides = array<i32>} : memref<32x256xf32, #tpu.memory_space<vmem>>, vector<1x16xf32>,
      %swap3A_330 = vector.shape_cast %swap3A_329 : vector<1x16xf32> to vector<16xf32>
      %swap3A_331 = vector.shape_cast %add3A_325 : vector<16xf32> to vector<1x16xf32>
      tpu.vector_store %arg6[%swap3A_327, %swap3A_328], %swap3A_331 {strides = array<i32>} : memref<32x256xf32, #tpu.memory_space<vmem>>, vector<1x16xf32>,
      %swap3A_332 = arith.index_cast %scan3A_12 : i32 to index
      %swap3A_333 = arith.constant 32 : index
      %swap3A_334 = tpu.vector_load %arg7[%swap3A_332, %swap3A_333] {strides = array<i32>} : memref<32x256xf32, #tpu.memory_space<vmem>>, vector<1x16xf32>,
      %swap3A_335 = vector.shape_cast %swap3A_334 : vector<1x16xf32> to vector<16xf32>
      %swap3A_336 = vector.shape_cast %min3A_326 : vector<16xf32> to vector<1x16xf32>
      tpu.vector_store %arg7[%swap3A_332, %swap3A_333], %swap3A_336 {strides = array<i32>} : memref<32x256xf32, #tpu.memory_space<vmem>>, vector<1x16xf32>,
      %broadcast_in_dim3A_337 = arith.constant 0.000000e+00 : f32
      %broadcast_in_dim3A_338 = vector.broadcast %broadcast_in_dim3A_337 : f32 to vector<16xf32>
      %broadcast_in_dim3A_339 = arith.constant 0x7F800000 : f32
      %broadcast_in_dim3A_340 = vector.broadcast %broadcast_in_dim3A_339 : f32 to vector<16xf32>
      %get3A_341 = arith.constant 0 : i32
      %get3A_342 = arith.index_cast %scan3A_12 : i32 to index
      %get3A_343 = arith.index_cast %get3A_341 : i32 to index
      %get3A_344 = arith.constant 48 : index
      %get3A_345 = tpu.vector_load %arg5[%get3A_342, %get3A_343, %get3A_344] {strides = array<i32>} : memref<32x8x256xf32, #tpu.memory_space<vmem>>, vector<1x1x16xf32>,
      %get3A_346 = vector.shape_cast %get3A_345 : vector<1x1x16xf32> to vector<16xf32>
      %neg3A_347 = arith.constant 0.000000e+00 : f32
      %neg3A_348 = vector.broadcast %neg3A_347 : f32 to vector<16xf32>
      %neg3A_349 = arith.subf %neg3A_348, %get3A_346 : vector<16xf32>
      %exp3A_350 = math.exp %neg3A_349 : vector<16xf32>
      %add3A_351 = arith.addf %broadcast_in_dim3A_338, %exp3A_350 : vector<16xf32>
      %min3A_352 = arith.minimumf %broadcast_in_dim3A_340, %get3A_346 : vector<16xf32>
      %get3A_353 = arith.constant 1 : i32
      %get3A_354 = arith.index_cast %scan3A_12 : i32 to index
      %get3A_355 = arith.index_cast %get3A_353 : i32 to index
      %get3A_356 = arith.constant 48 : index
      %get3A_357 = tpu.vector_load %arg5[%get3A_354, %get3A_355, %get3A_356] {strides = array<i32>} : memref<32x8x256xf32, #tpu.memory_space<vmem>>, vector<1x1x16xf32>,
      %get3A_358 = vector.shape_cast %get3A_357 : vector<1x1x16xf32> to vector<16xf32>
      %neg3A_359 = arith.constant 0.000000e+00 : f32
      %neg3A_360 = vector.broadcast %neg3A_359 : f32 to vector<16xf32>
      %neg3A_361 = arith.subf %neg3A_360, %get3A_358 : vector<16xf32>
      %exp3A_362 = math.exp %neg3A_361 : vector<16xf32>
      %add3A_363 = arith.addf %add3A_351, %exp3A_362 : vector<16xf32>
      %min3A_364 = arith.minimumf %min3A_352, %get3A_358 : vector<16xf32>
      %get3A_365 = arith.constant 2 : i32
      %get3A_366 = arith.index_cast %scan3A_12 : i32 to index
      %get3A_367 = arith.index_cast %get3A_365 : i32 to index
      %get3A_368 = arith.constant 48 : index
      %get3A_369 = tpu.vector_load %arg5[%get3A_366, %get3A_367, %get3A_368] {strides = array<i32>} : memref<32x8x256xf32, #tpu.memory_space<vmem>>, vector<1x1x16xf32>,
      %get3A_370 = vector.shape_cast %get3A_369 : vector<1x1x16xf32> to vector<16xf32>
      %neg3A_371 = arith.constant 0.000000e+00 : f32
      %neg3A_372 = vector.broadcast %neg3A_371 : f32 to vector<16xf32>
      %neg3A_373 = arith.subf %neg3A_372, %get3A_370 : vector<16xf32>
      %exp3A_374 = math.exp %neg3A_373 : vector<16xf32>
      %add3A_375 = arith.addf %add3A_363, %exp3A_374 : vector<16xf32>
      %min3A_376 = arith.minimumf %min3A_364, %get3A_370 : vector<16xf32>
      %get3A_377 = arith.constant 3 : i32
      %get3A_378 = arith.index_cast %scan3A_12 : i32 to index
      %get3A_379 = arith.index_cast %get3A_377 : i32 to index
      %get3A_380 = arith.constant 48 : index
      %get3A_381 = tpu.vector_load %arg5[%get3A_378, %get3A_379, %get3A_380] {strides = array<i32>} : memref<32x8x256xf32, #tpu.memory_space<vmem>>, vector<1x1x16xf32>,
      %get3A_382 = vector.shape_cast %get3A_381 : vector<1x1x16xf32> to vector<16xf32>
      %neg3A_383 = arith.constant 0.000000e+00 : f32
      %neg3A_384 = vector.broadcast %neg3A_383 : f32 to vector<16xf32>
      %neg3A_385 = arith.subf %neg3A_384, %get3A_382 : vector<16xf32>
      %exp3A_386 = math.exp %neg3A_385 : vector<16xf32>
      %add3A_387 = arith.addf %add3A_375, %exp3A_386 : vector<16xf32>
      %min3A_388 = arith.minimumf %min3A_376, %get3A_382 : vector<16xf32>
      %get3A_389 = arith.constant 4 : i32
      %get3A_390 = arith.index_cast %scan3A_12 : i32 to index
      %get3A_391 = arith.index_cast %get3A_389 : i32 to index
      %get3A_392 = arith.constant 48 : index
      %get3A_393 = tpu.vector_load %arg5[%get3A_390, %get3A_391, %get3A_392] {strides = array<i32>} : memref<32x8x256xf32, #tpu.memory_space<vmem>>, vector<1x1x16xf32>,
      %get3A_394 = vector.shape_cast %get3A_393 : vector<1x1x16xf32> to vector<16xf32>
      %neg3A_395 = arith.constant 0.000000e+00 : f32
      %neg3A_396 = vector.broadcast %neg3A_395 : f32 to vector<16xf32>
      %neg3A_397 = arith.subf %neg3A_396, %get3A_394 : vector<16xf32>
      %exp3A_398 = math.exp %neg3A_397 : vector<16xf32>
      %add3A_399 = arith.addf %add3A_387, %exp3A_398 : vector<16xf32>
      %min3A_400 = arith.minimumf %min3A_388, %get3A_394 : vector<16xf32>
      %get3A_401 = arith.constant 5 : i32
      %get3A_402 = arith.index_cast %scan3A_12 : i32 to index
      %get3A_403 = arith.index_cast %get3A_401 : i32 to index
      %get3A_404 = arith.constant 48 : index
      %get3A_405 = tpu.vector_load %arg5[%get3A_402, %get3A_403, %get3A_404] {strides = array<i32>} : memref<32x8x256xf32, #tpu.memory_space<vmem>>, vector<1x1x16xf32>,
      %get3A_406 = vector.shape_cast %get3A_405 : vector<1x1x16xf32> to vector<16xf32>
      %neg3A_407 = arith.constant 0.000000e+00 : f32
      %neg3A_408 = vector.broadcast %neg3A_407 : f32 to vector<16xf32>
      %neg3A_409 = arith.subf %neg3A_408, %get3A_406 : vector<16xf32>
      %exp3A_410 = math.exp %neg3A_409 : vector<16xf32>
      %add3A_411 = arith.addf %add3A_399, %exp3A_410 : vector<16xf32>
      %min3A_412 = arith.minimumf %min3A_400, %get3A_406 : vector<16xf32>
      %get3A_413 = arith.constant 6 : i32
      %get3A_414 = arith.index_cast %scan3A_12 : i32 to index
      %get3A_415 = arith.index_cast %get3A_413 : i32 to index
      %get3A_416 = arith.constant 48 : index
      %get3A_417 = tpu.vector_load %arg5[%get3A_414, %get3A_415, %get3A_416] {strides = array<i32>} : memref<32x8x256xf32, #tpu.memory_space<vmem>>, vector<1x1x16xf32>,
      %get3A_418 = vector.shape_cast %get3A_417 : vector<1x1x16xf32> to vector<16xf32>
      %neg3A_419 = arith.constant 0.000000e+00 : f32
      %neg3A_420 = vector.broadcast %neg3A_419 : f32 to vector<16xf32>
      %neg3A_421 = arith.subf %neg3A_420, %get3A_418 : vector<16xf32>
      %exp3A_422 = math.exp %neg3A_421 : vector<16xf32>
      %add3A_423 = arith.addf %add3A_411, %exp3A_422 : vector<16xf32>
      %min3A_424 = arith.minimumf %min3A_412, %get3A_418 : vector<16xf32>
      %get3A_425 = arith.constant 7 : i32
      %get3A_426 = arith.index_cast %scan3A_12 : i32 to index
      %get3A_427 = arith.index_cast %get3A_425 : i32 to index
      %get3A_428 = arith.constant 48 : index
      %get3A_429 = tpu.vector_load %arg5[%get3A_426, %get3A_427, %get3A_428] {strides = array<i32>} : memref<32x8x256xf32, #tpu.memory_space<vmem>>, vector<1x1x16xf32>,
      %get3A_430 = vector.shape_cast %get3A_429 : vector<1x1x16xf32> to vector<16xf32>
      %neg3A_431 = arith.constant 0.000000e+00 : f32
      %neg3A_432 = vector.broadcast %neg3A_431 : f32 to vector<16xf32>
      %neg3A_433 = arith.subf %neg3A_432, %get3A_430 : vector<16xf32>
      %exp3A_434 = math.exp %neg3A_433 : vector<16xf32>
      %add3A_435 = arith.addf %add3A_423, %exp3A_434 : vector<16xf32>
      %min3A_436 = arith.minimumf %min3A_424, %get3A_430 : vector<16xf32>
      %swap3A_437 = arith.index_cast %scan3A_12 : i32 to index
      %swap3A_438 = arith.constant 48 : index
      %swap3A_439 = tpu.vector_load %arg6[%swap3A_437, %swap3A_438] {strides = array<i32>} : memref<32x256xf32, #tpu.memory_space<vmem>>, vector<1x16xf32>,
      %swap3A_440 = vector.shape_cast %swap3A_439 : vector<1x16xf32> to vector<16xf32>
      %swap3A_441 = vector.shape_cast %add3A_435 : vector<16xf32> to vector<1x16xf32>
      tpu.vector_store %arg6[%swap3A_437, %swap3A_438], %swap3A_441 {strides = array<i32>} : memref<32x256xf32, #tpu.memory_space<vmem>>, vector<1x16xf32>,
      %swap3A_442 = arith.index_cast %scan3A_12 : i32 to index
      %swap3A_443 = arith.constant 48 : index
      %swap3A_444 = tpu.vector_load %arg7[%swap3A_442, %swap3A_443] {strides = array<i32>} : memref<32x256xf32, #tpu.memory_space<vmem>>, vector<1x16xf32>,
      %swap3A_445 = vector.shape_cast %swap3A_444 : vector<1x16xf32> to vector<16xf32>
      %swap3A_446 = vector.shape_cast %min3A_436 : vector<16xf32> to vector<1x16xf32>
      tpu.vector_store %arg7[%swap3A_442, %swap3A_443], %swap3A_446 {strides = array<i32>} : memref<32x256xf32, #tpu.memory_space<vmem>>, vector<1x16xf32>,
      %broadcast_in_dim3A_447 = arith.constant 0.000000e+00 : f32
      %broadcast_in_dim3A_448 = vector.broadcast %broadcast_in_dim3A_447 : f32 to vector<16xf32>
      %broadcast_in_dim3A_449 = arith.constant 0x7F800000 : f32
      %broadcast_in_dim3A_450 = vector.broadcast %broadcast_in_dim3A_449 : f32 to vector<16xf32>
      %get3A_451 = arith.constant 0 : i32
      %get3A_452 = arith.index_cast %scan3A_12 : i32 to index
      %get3A_453 = arith.index_cast %get3A_451 : i32 to index
      %get3A_454 = arith.constant 64 : index
      %get3A_455 = tpu.vector_load %arg5[%get3A_452, %get3A_453, %get3A_454] {strides = array<i32>} : memref<32x8x256xf32, #tpu.memory_space<vmem>>, vector<1x1x16xf32>,
      %get3A_456 = vector.shape_cast %get3A_455 : vector<1x1x16xf32> to vector<16xf32>
      %neg3A_457 = arith.constant 0.000000e+00 : f32
      %neg3A_458 = vector.broadcast %neg3A_457 : f32 to vector<16xf32>
      %neg3A_459 = arith.subf %neg3A_458, %get3A_456 : vector<16xf32>
      %exp3A_460 = math.exp %neg3A_459 : vector<16xf32>
      %add3A_461 = arith.addf %broadcast_in_dim3A_448, %exp3A_460 : vector<16xf32>
      %min3A_462 = arith.minimumf %broadcast_in_dim3A_450, %get3A_456 : vector<16xf32>
      %get3A_463 = arith.constant 1 : i32
      %get3A_464 = arith.index_cast %scan3A_12 : i32 to index
      %get3A_465 = arith.index_cast %get3A_463 : i32 to index
      %get3A_466 = arith.constant 64 : index
      %get3A_467 = tpu.vector_load %arg5[%get3A_464, %get3A_465, %get3A_466] {strides = array<i32>} : memref<32x8x256xf32, #tpu.memory_space<vmem>>, vector<1x1x16xf32>,
      %get3A_468 = vector.shape_cast %get3A_467 : vector<1x1x16xf32> to vector<16xf32>
      %neg3A_469 = arith.constant 0.000000e+00 : f32
      %neg3A_470 = vector.broadcast %neg3A_469 : f32 to vector<16xf32>
      %neg3A_471 = arith.subf %neg3A_470, %get3A_468 : vector<16xf32>
      %exp3A_472 = math.exp %neg3A_471 : vector<16xf32>
      %add3A_473 = arith.addf %add3A_461, %exp3A_472 : vector<16xf32>
      %min3A_474 = arith.minimumf %min3A_462, %get3A_468 : vector<16xf32>
      %get3A_475 = arith.constant 2 : i32
      %get3A_476 = arith.index_cast %scan3A_12 : i32 to index
      %get3A_477 = arith.index_cast %get3A_475 : i32 to index
      %get3A_478 = arith.constant 64 : index
      %get3A_479 = tpu.vector_load %arg5[%get3A_476, %get3A_477, %get3A_478] {strides = array<i32>} : memref<32x8x256xf32, #tpu.memory_space<vmem>>, vector<1x1x16xf32>,
      %get3A_480 = vector.shape_cast %get3A_479 : vector<1x1x16xf32> to vector<16xf32>
      %neg3A_481 = arith.constant 0.000000e+00 : f32
      %neg3A_482 = vector.broadcast %neg3A_481 : f32 to vector<16xf32>
      %neg3A_483 = arith.subf %neg3A_482, %get3A_480 : vector<16xf32>
      %exp3A_484 = math.exp %neg3A_483 : vector<16xf32>
      %add3A_485 = arith.addf %add3A_473, %exp3A_484 : vector<16xf32>
      %min3A_486 = arith.minimumf %min3A_474, %get3A_480 : vector<16xf32>
      %get3A_487 = arith.constant 3 : i32
      %get3A_488 = arith.index_cast %scan3A_12 : i32 to index
      %get3A_489 = arith.index_cast %get3A_487 : i32 to index
      %get3A_490 = arith.constant 64 : index
      %get3A_491 = tpu.vector_load %arg5[%get3A_488, %get3A_489, %get3A_490] {strides = array<i32>} : memref<32x8x256xf32, #tpu.memory_space<vmem>>, vector<1x1x16xf32>,
      %get3A_492 = vector.shape_cast %get3A_491 : vector<1x1x16xf32> to vector<16xf32>
      %neg3A_493 = arith.constant 0.000000e+00 : f32
      %neg3A_494 = vector.broadcast %neg3A_493 : f32 to vector<16xf32>
      %neg3A_495 = arith.subf %neg3A_494, %get3A_492 : vector<16xf32>
      %exp3A_496 = math.exp %neg3A_495 : vector<16xf32>
      %add3A_497 = arith.addf %add3A_485, %exp3A_496 : vector<16xf32>
      %min3A_498 = arith.minimumf %min3A_486, %get3A_492 : vector<16xf32>
      %get3A_499 = arith.constant 4 : i32
      %get3A_500 = arith.index_cast %scan3A_12 : i32 to index
      %get3A_501 = arith.index_cast %get3A_499 : i32 to index
      %get3A_502 = arith.constant 64 : index
      %get3A_503 = tpu.vector_load %arg5[%get3A_500, %get3A_501, %get3A_502] {strides = array<i32>} : memref<32x8x256xf32, #tpu.memory_space<vmem>>, vector<1x1x16xf32>,
      %get3A_504 = vector.shape_cast %get3A_503 : vector<1x1x16xf32> to vector<16xf32>
      %neg3A_505 = arith.constant 0.000000e+00 : f32
      %neg3A_506 = vector.broadcast %neg3A_505 : f32 to vector<16xf32>
      %neg3A_507 = arith.subf %neg3A_506, %get3A_504 : vector<16xf32>
      %exp3A_508 = math.exp %neg3A_507 : vector<16xf32>
      %add3A_509 = arith.addf %add3A_497, %exp3A_508 : vector<16xf32>
      %min3A_510 = arith.minimumf %min3A_498, %get3A_504 : vector<16xf32>
      %get3A_511 = arith.constant 5 : i32
      %get3A_512 = arith.index_cast %scan3A_12 : i32 to index
      %get3A_513 = arith.index_cast %get3A_511 : i32 to index
      %get3A_514 = arith.constant 64 : index
      %get3A_515 = tpu.vector_load %arg5[%get3A_512, %get3A_513, %get3A_514] {strides = array<i32>} : memref<32x8x256xf32, #tpu.memory_space<vmem>>, vector<1x1x16xf32>,
      %get3A_516 = vector.shape_cast %get3A_515 : vector<1x1x16xf32> to vector<16xf32>
      %neg3A_517 = arith.constant 0.000000e+00 : f32
      %neg3A_518 = vector.broadcast %neg3A_517 : f32 to vector<16xf32>
      %neg3A_519 = arith.subf %neg3A_518, %get3A_516 : vector<16xf32>
      %exp3A_520 = math.exp %neg3A_519 : vector<16xf32>
      %add3A_521 = arith.addf %add3A_509, %exp3A_520 : vector<16xf32>
      %min3A_522 = arith.minimumf %min3A_510, %get3A_516 : vector<16xf32>
      %get3A_523 = arith.constant 6 : i32
      %get3A_524 = arith.index_cast %scan3A_12 : i32 to index
      %get3A_525 = arith.index_cast %get3A_523 : i32 to index
      %get3A_526 = arith.constant 64 : index
      %get3A_527 = tpu.vector_load %arg5[%get3A_524, %get3A_525, %get3A_526] {strides = array<i32>} : memref<32x8x256xf32, #tpu.memory_space<vmem>>, vector<1x1x16xf32>,
      %get3A_528 = vector.shape_cast %get3A_527 : vector<1x1x16xf32> to vector<16xf32>
      %neg3A_529 = arith.constant 0.000000e+00 : f32
      %neg3A_530 = vector.broadcast %neg3A_529 : f32 to vector<16xf32>
      %neg3A_531 = arith.subf %neg3A_530, %get3A_528 : vector<16xf32>
      %exp3A_532 = math.exp %neg3A_531 : vector<16xf32>
      %add3A_533 = arith.addf %add3A_521, %exp3A_532 : vector<16xf32>
      %min3A_534 = arith.minimumf %min3A_522, %get3A_528 : vector<16xf32>
      %get3A_535 = arith.constant 7 : i32
      %get3A_536 = arith.index_cast %scan3A_12 : i32 to index
      %get3A_537 = arith.index_cast %get3A_535 : i32 to index
      %get3A_538 = arith.constant 64 : index
      %get3A_539 = tpu.vector_load %arg5[%get3A_536, %get3A_537, %get3A_538] {strides = array<i32>} : memref<32x8x256xf32, #tpu.memory_space<vmem>>, vector<1x1x16xf32>,
      %get3A_540 = vector.shape_cast %get3A_539 : vector<1x1x16xf32> to vector<16xf32>
      %neg3A_541 = arith.constant 0.000000e+00 : f32
      %neg3A_542 = vector.broadcast %neg3A_541 : f32 to vector<16xf32>
      %neg3A_543 = arith.subf %neg3A_542, %get3A_540 : vector<16xf32>
      %exp3A_544 = math.exp %neg3A_543 : vector<16xf32>
      %add3A_545 = arith.addf %add3A_533, %exp3A_544 : vector<16xf32>
      %min3A_546 = arith.minimumf %min3A_534, %get3A_540 : vector<16xf32>
      %swap3A_547 = arith.index_cast %scan3A_12 : i32 to index
      %swap3A_548 = arith.constant 64 : index
      %swap3A_549 = tpu.vector_load %arg6[%swap3A_547, %swap3A_548] {strides = array<i32>} : memref<32x256xf32, #tpu.memory_space<vmem>>, vector<1x16xf32>,
      %swap3A_550 = vector.shape_cast %swap3A_549 : vector<1x16xf32> to vector<16xf32>
      %swap3A_551 = vector.shape_cast %add3A_545 : vector<16xf32> to vector<1x16xf32>
      tpu.vector_store %arg6[%swap3A_547, %swap3A_548], %swap3A_551 {strides = array<i32>} : memref<32x256xf32, #tpu.memory_space<vmem>>, vector<1x16xf32>,
      %swap3A_552 = arith.index_cast %scan3A_12 : i32 to index
      %swap3A_553 = arith.constant 64 : index
      %swap3A_554 = tpu.vector_load %arg7[%swap3A_552, %swap3A_553] {strides = array<i32>} : memref<32x256xf32, #tpu.memory_space<vmem>>, vector<1x16xf32>,
      %swap3A_555 = vector.shape_cast %swap3A_554 : vector<1x16xf32> to vector<16xf32>
      %swap3A_556 = vector.shape_cast %min3A_546 : vector<16xf32> to vector<1x16xf32>
      tpu.vector_store %arg7[%swap3A_552, %swap3A_553], %swap3A_556 {strides = array<i32>} : memref<32x256xf32, #tpu.memory_space<vmem>>, vector<1x16xf32>,
      %broadcast_in_dim3A_557 = arith.constant 0.000000e+00 : f32
      %broadcast_in_dim3A_558 = vector.broadcast %broadcast_in_dim3A_557 : f32 to vector<16xf32>
      %broadcast_in_dim3A_559 = arith.constant 0x7F800000 : f32
      %broadcast_in_dim3A_560 = vector.broadcast %broadcast_in_dim3A_559 : f32 to vector<16xf32>
      %get3A_561 = arith.constant 0 : i32
      %get3A_562 = arith.index_cast %scan3A_12 : i32 to index
      %get3A_563 = arith.index_cast %get3A_561 : i32 to index
      %get3A_564 = arith.constant 80 : index
      %get3A_565 = tpu.vector_load %arg5[%get3A_562, %get3A_563, %get3A_564] {strides = array<i32>} : memref<32x8x256xf32, #tpu.memory_space<vmem>>, vector<1x1x16xf32>,
      %get3A_566 = vector.shape_cast %get3A_565 : vector<1x1x16xf32> to vector<16xf32>
      %neg3A_567 = arith.constant 0.000000e+00 : f32
      %neg3A_568 = vector.broadcast %neg3A_567 : f32 to vector<16xf32>
      %neg3A_569 = arith.subf %neg3A_568, %get3A_566 : vector<16xf32>
      %exp3A_570 = math.exp %neg3A_569 : vector<16xf32>
      %add3A_571 = arith.addf %broadcast_in_dim3A_558, %exp3A_570 : vector<16xf32>
      %min3A_572 = arith.minimumf %broadcast_in_dim3A_560, %get3A_566 : vector<16xf32>
      %get3A_573 = arith.constant 1 : i32
      %get3A_574 = arith.index_cast %scan3A_12 : i32 to index
      %get3A_575 = arith.index_cast %get3A_573 : i32 to index
      %get3A_576 = arith.constant 80 : index
      %get3A_577 = tpu.vector_load %arg5[%get3A_574, %get3A_575, %get3A_576] {strides = array<i32>} : memref<32x8x256xf32, #tpu.memory_space<vmem>>, vector<1x1x16xf32>,
      %get3A_578 = vector.shape_cast %get3A_577 : vector<1x1x16xf32> to vector<16xf32>
      %neg3A_579 = arith.constant 0.000000e+00 : f32
      %neg3A_580 = vector.broadcast %neg3A_579 : f32 to vector<16xf32>
      %neg3A_581 = arith.subf %neg3A_580, %get3A_578 : vector<16xf32>
      %exp3A_582 = math.exp %neg3A_581 : vector<16xf32>
      %add3A_583 = arith.addf %add3A_571, %exp3A_582 : vector<16xf32>
      %min3A_584 = arith.minimumf %min3A_572, %get3A_578 : vector<16xf32>
      %get3A_585 = arith.constant 2 : i32
      %get3A_586 = arith.index_cast %scan3A_12 : i32 to index
      %get3A_587 = arith.index_cast %get3A_585 : i32 to index
      %get3A_588 = arith.constant 80 : index
      %get3A_589 = tpu.vector_load %arg5[%get3A_586, %get3A_587, %get3A_588] {strides = array<i32>} : memref<32x8x256xf32, #tpu.memory_space<vmem>>, vector<1x1x16xf32>,
      %get3A_590 = vector.shape_cast %get3A_589 : vector<1x1x16xf32> to vector<16xf32>
      %neg3A_591 = arith.constant 0.000000e+00 : f32
      %neg3A_592 = vector.broadcast %neg3A_591 : f32 to vector<16xf32>
      %neg3A_593 = arith.subf %neg3A_592, %get3A_590 : vector<16xf32>
      %exp3A_594 = math.exp %neg3A_593 : vector<16xf32>
      %add3A_595 = arith.addf %add3A_583, %exp3A_594 : vector<16xf32>
      %min3A_596 = arith.minimumf %min3A_584, %get3A_590 : vector<16xf32>
      %get3A_597 = arith.constant 3 : i32
      %get3A_598 = arith.index_cast %scan3A_12 : i32 to index
      %get3A_599 = arith.index_cast %get3A_597 : i32 to index
      %get3A_600 = arith.constant 80 : index
      %get3A_601 = tpu.vector_load %arg5[%get3A_598, %get3A_599, %get3A_600] {strides = array<i32>} : memref<32x8x256xf32, #tpu.memory_space<vmem>>, vector<1x1x16xf32>,
      %get3A_602 = vector.shape_cast %get3A_601 : vector<1x1x16xf32> to vector<16xf32>
      %neg3A_603 = arith.constant 0.000000e+00 : f32
      %neg3A_604 = vector.broadcast %neg3A_603 : f32 to vector<16xf32>
      %neg3A_605 = arith.subf %neg3A_604, %get3A_602 : vector<16xf32>
      %exp3A_606 = math.exp %neg3A_605 : vector<16xf32>
      %add3A_607 = arith.addf %add3A_595, %exp3A_606 : vector<16xf32>
      %min3A_608 = arith.minimumf %min3A_596, %get3A_602 : vector<16xf32>
      %get3A_609 = arith.constant 4 : i32
      %get3A_610 = arith.index_cast %scan3A_12 : i32 to index
      %get3A_611 = arith.index_cast %get3A_609 : i32 to index
      %get3A_612 = arith.constant 80 : index
      %get3A_613 = tpu.vector_load %arg5[%get3A_610, %get3A_611, %get3A_612] {strides = array<i32>} : memref<32x8x256xf32, #tpu.memory_space<vmem>>, vector<1x1x16xf32>,
      %get3A_614 = vector.shape_cast %get3A_613 : vector<1x1x16xf32> to vector<16xf32>
      %neg3A_615 = arith.constant 0.000000e+00 : f32
      %neg3A_616 = vector.broadcast %neg3A_615 : f32 to vector<16xf32>
      %neg3A_617 = arith.subf %neg3A_616, %get3A_614 : vector<16xf32>
      %exp3A_618 = math.exp %neg3A_617 : vector<16xf32>
      %add3A_619 = arith.addf %add3A_607, %exp3A_618 : vector<16xf32>
      %min3A_620 = arith.minimumf %min3A_608, %get3A_614 : vector<16xf32>
      %get3A_621 = arith.constant 5 : i32
      %get3A_622 = arith.index_cast %scan3A_12 : i32 to index
      %get3A_623 = arith.index_cast %get3A_621 : i32 to index
      %get3A_624 = arith.constant 80 : index
      %get3A_625 = tpu.vector_load %arg5[%get3A_622, %get3A_623, %get3A_624] {strides = array<i32>} : memref<32x8x256xf32, #tpu.memory_space<vmem>>, vector<1x1x16xf32>,
      %get3A_626 = vector.shape_cast %get3A_625 : vector<1x1x16xf32> to vector<16xf32>
      %neg3A_627 = arith.constant 0.000000e+00 : f32
      %neg3A_628 = vector.broadcast %neg3A_627 : f32 to vector<16xf32>
      %neg3A_629 = arith.subf %neg3A_628, %get3A_626 : vector<16xf32>
      %exp3A_630 = math.exp %neg3A_629 : vector<16xf32>
      %add3A_631 = arith.addf %add3A_619, %exp3A_630 : vector<16xf32>
      %min3A_632 = arith.minimumf %min3A_620, %get3A_626 : vector<16xf32>
      %get3A_633 = arith.constant 6 : i32
      %get3A_634 = arith.index_cast %scan3A_12 : i32 to index
      %get3A_635 = arith.index_cast %get3A_633 : i32 to index
      %get3A_636 = arith.constant 80 : index
      %get3A_637 = tpu.vector_load %arg5[%get3A_634, %get3A_635, %get3A_636] {strides = array<i32>} : memref<32x8x256xf32, #tpu.memory_space<vmem>>, vector<1x1x16xf32>,
      %get3A_638 = vector.shape_cast %get3A_637 : vector<1x1x16xf32> to vector<16xf32>
      %neg3A_639 = arith.constant 0.000000e+00 : f32
      %neg3A_640 = vector.broadcast %neg3A_639 : f32 to vector<16xf32>
      %neg3A_641 = arith.subf %neg3A_640, %get3A_638 : vector<16xf32>
      %exp3A_642 = math.exp %neg3A_641 : vector<16xf32>
      %add3A_643 = arith.addf %add3A_631, %exp3A_642 : vector<16xf32>
      %min3A_644 = arith.minimumf %min3A_632, %get3A_638 : vector<16xf32>
      %get3A_645 = arith.constant 7 : i32
      %get3A_646 = arith.index_cast %scan3A_12 : i32 to index
      %get3A_647 = arith.index_cast %get3A_645 : i32 to index
      %get3A_648 = arith.constant 80 : index
      %get3A_649 = tpu.vector_load %arg5[%get3A_646, %get3A_647, %get3A_648] {strides = array<i32>} : memref<32x8x256xf32, #tpu.memory_space<vmem>>, vector<1x1x16xf32>,
      %get3A_650 = vector.shape_cast %get3A_649 : vector<1x1x16xf32> to vector<16xf32>
      %neg3A_651 = arith.constant 0.000000e+00 : f32
      %neg3A_652 = vector.broadcast %neg3A_651 : f32 to vector<16xf32>
      %neg3A_653 = arith.subf %neg3A_652, %get3A_650 : vector<16xf32>
      %exp3A_654 = math.exp %neg3A_653 : vector<16xf32>
      %add3A_655 = arith.addf %add3A_643, %exp3A_654 : vector<16xf32>
      %min3A_656 = arith.minimumf %min3A_644, %get3A_650 : vector<16xf32>
      %swap3A_657 = arith.index_cast %scan3A_12 : i32 to index
      %swap3A_658 = arith.constant 80 : index
      %swap3A_659 = tpu.vector_load %arg6[%swap3A_657, %swap3A_658] {strides = array<i32>} : memref<32x256xf32, #tpu.memory_space<vmem>>, vector<1x16xf32>,
      %swap3A_660 = vector.shape_cast %swap3A_659 : vector<1x16xf32> to vector<16xf32>
      %swap3A_661 = vector.shape_cast %add3A_655 : vector<16xf32> to vector<1x16xf32>
      tpu.vector_store %arg6[%swap3A_657, %swap3A_658], %swap3A_661 {strides = array<i32>} : memref<32x256xf32, #tpu.memory_space<vmem>>, vector<1x16xf32>,
      %swap3A_662 = arith.index_cast %scan3A_12 : i32 to index
      %swap3A_663 = arith.constant 80 : index
      %swap3A_664 = tpu.vector_load %arg7[%swap3A_662, %swap3A_663] {strides = array<i32>} : memref<32x256xf32, #tpu.memory_space<vmem>>, vector<1x16xf32>,
      %swap3A_665 = vector.shape_cast %swap3A_664 : vector<1x16xf32> to vector<16xf32>
      %swap3A_666 = vector.shape_cast %min3A_656 : vector<16xf32> to vector<1x16xf32>
      tpu.vector_store %arg7[%swap3A_662, %swap3A_663], %swap3A_666 {strides = array<i32>} : memref<32x256xf32, #tpu.memory_space<vmem>>, vector<1x16xf32>,
      %broadcast_in_dim3A_667 = arith.constant 0.000000e+00 : f32
      %broadcast_in_dim3A_668 = vector.broadcast %broadcast_in_dim3A_667 : f32 to vector<16xf32>
      %broadcast_in_dim3A_669 = arith.constant 0x7F800000 : f32
      %broadcast_in_dim3A_670 = vector.broadcast %broadcast_in_dim3A_669 : f32 to vector<16xf32>
      %get3A_671 = arith.constant 0 : i32
      %get3A_672 = arith.index_cast %scan3A_12 : i32 to index
      %get3A_673 = arith.index_cast %get3A_671 : i32 to index
      %get3A_674 = arith.constant 96 : index
      %get3A_675 = tpu.vector_load %arg5[%get3A_672, %get3A_673, %get3A_674] {strides = array<i32>} : memref<32x8x256xf32, #tpu.memory_space<vmem>>, vector<1x1x16xf32>,
      %get3A_676 = vector.shape_cast %get3A_675 : vector<1x1x16xf32> to vector<16xf32>
      %neg3A_677 = arith.constant 0.000000e+00 : f32
      %neg3A_678 = vector.broadcast %neg3A_677 : f32 to vector<16xf32>
      %neg3A_679 = arith.subf %neg3A_678, %get3A_676 : vector<16xf32>
      %exp3A_680 = math.exp %neg3A_679 : vector<16xf32>
      %add3A_681 = arith.addf %broadcast_in_dim3A_668, %exp3A_680 : vector<16xf32>
      %min3A_682 = arith.minimumf %broadcast_in_dim3A_670, %get3A_676 : vector<16xf32>
      %get3A_683 = arith.constant 1 : i32
      %get3A_684 = arith.index_cast %scan3A_12 : i32 to index
      %get3A_685 = arith.index_cast %get3A_683 : i32 to index
      %get3A_686 = arith.constant 96 : index
      %get3A_687 = tpu.vector_load %arg5[%get3A_684, %get3A_685, %get3A_686] {strides = array<i32>} : memref<32x8x256xf32, #tpu.memory_space<vmem>>, vector<1x1x16xf32>,
      %get3A_688 = vector.shape_cast %get3A_687 : vector<1x1x16xf32> to vector<16xf32>
      %neg3A_689 = arith.constant 0.000000e+00 : f32
      %neg3A_690 = vector.broadcast %neg3A_689 : f32 to vector<16xf32>
      %neg3A_691 = arith.subf %neg3A_690, %get3A_688 : vector<16xf32>
      %exp3A_692 = math.exp %neg3A_691 : vector<16xf32>
      %add3A_693 = arith.addf %add3A_681, %exp3A_692 : vector<16xf32>
      %min3A_694 = arith.minimumf %min3A_682, %get3A_688 : vector<16xf32>
      %get3A_695 = arith.constant 2 : i32
      %get3A_696 = arith.index_cast %scan3A_12 : i32 to index
      %get3A_697 = arith.index_cast %get3A_695 : i32 to index
      %get3A_698 = arith.constant 96 : index
      %get3A_699 = tpu.vector_load %arg5[%get3A_696, %get3A_697, %get3A_698] {strides = array<i32>} : memref<32x8x256xf32, #tpu.memory_space<vmem>>, vector<1x1x16xf32>,
      %get3A_700 = vector.shape_cast %get3A_699 : vector<1x1x16xf32> to vector<16xf32>
      %neg3A_701 = arith.constant 0.000000e+00 : f32
      %neg3A_702 = vector.broadcast %neg3A_701 : f32 to vector<16xf32>
      %neg3A_703 = arith.subf %neg3A_702, %get3A_700 : vector<16xf32>
      %exp3A_704 = math.exp %neg3A_703 : vector<16xf32>
      %add3A_705 = arith.addf %add3A_693, %exp3A_704 : vector<16xf32>
      %min3A_706 = arith.minimumf %min3A_694, %get3A_700 : vector<16xf32>
      %get3A_707 = arith.constant 3 : i32
      %get3A_708 = arith.index_cast %scan3A_12 : i32 to index
      %get3A_709 = arith.index_cast %get3A_707 : i32 to index
      %get3A_710 = arith.constant 96 : index
      %get3A_711 = tpu.vector_load %arg5[%get3A_708, %get3A_709, %get3A_710] {strides = array<i32>} : memref<32x8x256xf32, #tpu.memory_space<vmem>>, vector<1x1x16xf32>,
      %get3A_712 = vector.shape_cast %get3A_711 : vector<1x1x16xf32> to vector<16xf32>
      %neg3A_713 = arith.constant 0.000000e+00 : f32
      %neg3A_714 = vector.broadcast %neg3A_713 : f32 to vector<16xf32>
      %neg3A_715 = arith.subf %neg3A_714, %get3A_712 : vector<16xf32>
      %exp3A_716 = math.exp %neg3A_715 : vector<16xf32>
      %add3A_717 = arith.addf %add3A_705, %exp3A_716 : vector<16xf32>
      %min3A_718 = arith.minimumf %min3A_706, %get3A_712 : vector<16xf32>
      %get3A_719 = arith.constant 4 : i32
      %get3A_720 = arith.index_cast %scan3A_12 : i32 to index
      %get3A_721 = arith.index_cast %get3A_719 : i32 to index
      %get3A_722 = arith.constant 96 : index
      %get3A_723 = tpu.vector_load %arg5[%get3A_720, %get3A_721, %get3A_722] {strides = array<i32>} : memref<32x8x256xf32, #tpu.memory_space<vmem>>, vector<1x1x16xf32>,
      %get3A_724 = vector.shape_cast %get3A_723 : vector<1x1x16xf32> to vector<16xf32>
      %neg3A_725 = arith.constant 0.000000e+00 : f32
      %neg3A_726 = vector.broadcast %neg3A_725 : f32 to vector<16xf32>
      %neg3A_727 = arith.subf %neg3A_726, %get3A_724 : vector<16xf32>
      %exp3A_728 = math.exp %neg3A_727 : vector<16xf32>
      %add3A_729 = arith.addf %add3A_717, %exp3A_728 : vector<16xf32>
      %min3A_730 = arith.minimumf %min3A_718, %get3A_724 : vector<16xf32>
      %get3A_731 = arith.constant 5 : i32
      %get3A_732 = arith.index_cast %scan3A_12 : i32 to index
      %get3A_733 = arith.index_cast %get3A_731 : i32 to index
      %get3A_734 = arith.constant 96 : index
      %get3A_735 = tpu.vector_load %arg5[%get3A_732, %get3A_733, %get3A_734] {strides = array<i32>} : memref<32x8x256xf32, #tpu.memory_space<vmem>>, vector<1x1x16xf32>,
      %get3A_736 = vector.shape_cast %get3A_735 : vector<1x1x16xf32> to vector<16xf32>
      %neg3A_737 = arith.constant 0.000000e+00 : f32
      %neg3A_738 = vector.broadcast %neg3A_737 : f32 to vector<16xf32>
      %neg3A_739 = arith.subf %neg3A_738, %get3A_736 : vector<16xf32>
      %exp3A_740 = math.exp %neg3A_739 : vector<16xf32>
      %add3A_741 = arith.addf %add3A_729, %exp3A_740 : vector<16xf32>
      %min3A_742 = arith.minimumf %min3A_730, %get3A_736 : vector<16xf32>
      %get3A_743 = arith.constant 6 : i32
      %get3A_744 = arith.index_cast %scan3A_12 : i32 to index
      %get3A_745 = arith.index_cast %get3A_743 : i32 to index
      %get3A_746 = arith.constant 96 : index
      %get3A_747 = tpu.vector_load %arg5[%get3A_744, %get3A_745, %get3A_746] {strides = array<i32>} : memref<32x8x256xf32, #tpu.memory_space<vmem>>, vector<1x1x16xf32>,
      %get3A_748 = vector.shape_cast %get3A_747 : vector<1x1x16xf32> to vector<16xf32>
      %neg3A_749 = arith.constant 0.000000e+00 : f32
      %neg3A_750 = vector.broadcast %neg3A_749 : f32 to vector<16xf32>
      %neg3A_751 = arith.subf %neg3A_750, %get3A_748 : vector<16xf32>
      %exp3A_752 = math.exp %neg3A_751 : vector<16xf32>
      %add3A_753 = arith.addf %add3A_741, %exp3A_752 : vector<16xf32>
      %min3A_754 = arith.minimumf %min3A_742, %get3A_748 : vector<16xf32>
      %get3A_755 = arith.constant 7 : i32
      %get3A_756 = arith.index_cast %scan3A_12 : i32 to index
      %get3A_757 = arith.index_cast %get3A_755 : i32 to index
      %get3A_758 = arith.constant 96 : index
      %get3A_759 = tpu.vector_load %arg5[%get3A_756, %get3A_757, %get3A_758] {strides = array<i32>} : memref<32x8x256xf32, #tpu.memory_space<vmem>>, vector<1x1x16xf32>,
      %get3A_760 = vector.shape_cast %get3A_759 : vector<1x1x16xf32> to vector<16xf32>
      %neg3A_761 = arith.constant 0.000000e+00 : f32
      %neg3A_762 = vector.broadcast %neg3A_761 : f32 to vector<16xf32>
      %neg3A_763 = arith.subf %neg3A_762, %get3A_760 : vector<16xf32>
      %exp3A_764 = math.exp %neg3A_763 : vector<16xf32>
      %add3A_765 = arith.addf %add3A_753, %exp3A_764 : vector<16xf32>
      %min3A_766 = arith.minimumf %min3A_754, %get3A_760 : vector<16xf32>
      %swap3A_767 = arith.index_cast %scan3A_12 : i32 to index
      %swap3A_768 = arith.constant 96 : index
      %swap3A_769 = tpu.vector_load %arg6[%swap3A_767, %swap3A_768] {strides = array<i32>} : memref<32x256xf32, #tpu.memory_space<vmem>>, vector<1x16xf32>,
      %swap3A_770 = vector.shape_cast %swap3A_769 : vector<1x16xf32> to vector<16xf32>
      %swap3A_771 = vector.shape_cast %add3A_765 : vector<16xf32> to vector<1x16xf32>
      tpu.vector_store %arg6[%swap3A_767, %swap3A_768], %swap3A_771 {strides = array<i32>} : memref<32x256xf32, #tpu.memory_space<vmem>>, vector<1x16xf32>,
      %swap3A_772 = arith.index_cast %scan3A_12 : i32 to index
      %swap3A_773 = arith.constant 96 : index
      %swap3A_774 = tpu.vector_load %arg7[%swap3A_772, %swap3A_773] {strides = array<i32>} : memref<32x256xf32, #tpu.memory_space<vmem>>, vector<1x16xf32>,
      %swap3A_775 = vector.shape_cast %swap3A_774 : vector<1x16xf32> to vector<16xf32>
      %swap3A_776 = vector.shape_cast %min3A_766 : vector<16xf32> to vector<1x16xf32>
      tpu.vector_store %arg7[%swap3A_772, %swap3A_773], %swap3A_776 {strides = array<i32>} : memref<32x256xf32, #tpu.memory_space<vmem>>, vector<1x16xf32>,
      %broadcast_in_dim3A_777 = arith.constant 0.000000e+00 : f32
      %broadcast_in_dim3A_778 = vector.broadcast %broadcast_in_dim3A_777 : f32 to vector<16xf32>
      %broadcast_in_dim3A_779 = arith.constant 0x7F800000 : f32
      %broadcast_in_dim3A_780 = vector.broadcast %broadcast_in_dim3A_779 : f32 to vector<16xf32>
      %get3A_781 = arith.constant 0 : i32
      %get3A_782 = arith.index_cast %scan3A_12 : i32 to index
      %get3A_783 = arith.index_cast %get3A_781 : i32 to index
      %get3A_784 = arith.constant 112 : index
      %get3A_785 = tpu.vector_load %arg5[%get3A_782, %get3A_783, %get3A_784] {strides = array<i32>} : memref<32x8x256xf32, #tpu.memory_space<vmem>>, vector<1x1x16xf32>,
      %get3A_786 = vector.shape_cast %get3A_785 : vector<1x1x16xf32> to vector<16xf32>
      %neg3A_787 = arith.constant 0.000000e+00 : f32
      %neg3A_788 = vector.broadcast %neg3A_787 : f32 to vector<16xf32>
      %neg3A_789 = arith.subf %neg3A_788, %get3A_786 : vector<16xf32>
      %exp3A_790 = math.exp %neg3A_789 : vector<16xf32>
      %add3A_791 = arith.addf %broadcast_in_dim3A_778, %exp3A_790 : vector<16xf32>
      %min3A_792 = arith.minimumf %broadcast_in_dim3A_780, %get3A_786 : vector<16xf32>
      %get3A_793 = arith.constant 1 : i32
      %get3A_794 = arith.index_cast %scan3A_12 : i32 to index
      %get3A_795 = arith.index_cast %get3A_793 : i32 to index
      %get3A_796 = arith.constant 112 : index
      %get3A_797 = tpu.vector_load %arg5[%get3A_794, %get3A_795, %get3A_796] {strides = array<i32>} : memref<32x8x256xf32, #tpu.memory_space<vmem>>, vector<1x1x16xf32>,
      %get3A_798 = vector.shape_cast %get3A_797 : vector<1x1x16xf32> to vector<16xf32>
      %neg3A_799 = arith.constant 0.000000e+00 : f32
      %neg3A_800 = vector.broadcast %neg3A_799 : f32 to vector<16xf32>
      %neg3A_801 = arith.subf %neg3A_800, %get3A_798 : vector<16xf32>
      %exp3A_802 = math.exp %neg3A_801 : vector<16xf32>
      %add3A_803 = arith.addf %add3A_791, %exp3A_802 : vector<16xf32>
      %min3A_804 = arith.minimumf %min3A_792, %get3A_798 : vector<16xf32>
      %get3A_805 = arith.constant 2 : i32
      %get3A_806 = arith.index_cast %scan3A_12 : i32 to index
      %get3A_807 = arith.index_cast %get3A_805 : i32 to index
      %get3A_808 = arith.constant 112 : index
      %get3A_809 = tpu.vector_load %arg5[%get3A_806, %get3A_807, %get3A_808] {strides = array<i32>} : memref<32x8x256xf32, #tpu.memory_space<vmem>>, vector<1x1x16xf32>,
      %get3A_810 = vector.shape_cast %get3A_809 : vector<1x1x16xf32> to vector<16xf32>
      %neg3A_811 = arith.constant 0.000000e+00 : f32
      %neg3A_812 = vector.broadcast %neg3A_811 : f32 to vector<16xf32>
      %neg3A_813 = arith.subf %neg3A_812, %get3A_810 : vector<16xf32>
      %exp3A_814 = math.exp %neg3A_813 : vector<16xf32>
      %add3A_815 = arith.addf %add3A_803, %exp3A_814 : vector<16xf32>
      %min3A_816 = arith.minimumf %min3A_804, %get3A_810 : vector<16xf32>
      %get3A_817 = arith.constant 3 : i32
      %get3A_818 = arith.index_cast %scan3A_12 : i32 to index
      %get3A_819 = arith.index_cast %get3A_817 : i32 to index
      %get3A_820 = arith.constant 112 : index
      %get3A_821 = tpu.vector_load %arg5[%get3A_818, %get3A_819, %get3A_820] {strides = array<i32>} : memref<32x8x256xf32, #tpu.memory_space<vmem>>, vector<1x1x16xf32>,
      %get3A_822 = vector.shape_cast %get3A_821 : vector<1x1x16xf32> to vector<16xf32>
      %neg3A_823 = arith.constant 0.000000e+00 : f32
      %neg3A_824 = vector.broadcast %neg3A_823 : f32 to vector<16xf32>
      %neg3A_825 = arith.subf %neg3A_824, %get3A_822 : vector<16xf32>
      %exp3A_826 = math.exp %neg3A_825 : vector<16xf32>
      %add3A_827 = arith.addf %add3A_815, %exp3A_826 : vector<16xf32>
      %min3A_828 = arith.minimumf %min3A_816, %get3A_822 : vector<16xf32>
      %get3A_829 = arith.constant 4 : i32
      %get3A_830 = arith.index_cast %scan3A_12 : i32 to index
      %get3A_831 = arith.index_cast %get3A_829 : i32 to index
      %get3A_832 = arith.constant 112 : index
      %get3A_833 = tpu.vector_load %arg5[%get3A_830, %get3A_831, %get3A_832] {strides = array<i32>} : memref<32x8x256xf32, #tpu.memory_space<vmem>>, vector<1x1x16xf32>,
      %get3A_834 = vector.shape_cast %get3A_833 : vector<1x1x16xf32> to vector<16xf32>
      %neg3A_835 = arith.constant 0.000000e+00 : f32
      %neg3A_836 = vector.broadcast %neg3A_835 : f32 to vector<16xf32>
      %neg3A_837 = arith.subf %neg3A_836, %get3A_834 : vector<16xf32>
      %exp3A_838 = math.exp %neg3A_837 : vector<16xf32>
      %add3A_839 = arith.addf %add3A_827, %exp3A_838 : vector<16xf32>
      %min3A_840 = arith.minimumf %min3A_828, %get3A_834 : vector<16xf32>
      %get3A_841 = arith.constant 5 : i32
      %get3A_842 = arith.index_cast %scan3A_12 : i32 to index
      %get3A_843 = arith.index_cast %get3A_841 : i32 to index
      %get3A_844 = arith.constant 112 : index
      %get3A_845 = tpu.vector_load %arg5[%get3A_842, %get3A_843, %get3A_844] {strides = array<i32>} : memref<32x8x256xf32, #tpu.memory_space<vmem>>, vector<1x1x16xf32>,
      %get3A_846 = vector.shape_cast %get3A_845 : vector<1x1x16xf32> to vector<16xf32>
      %neg3A_847 = arith.constant 0.000000e+00 : f32
      %neg3A_848 = vector.broadcast %neg3A_847 : f32 to vector<16xf32>
      %neg3A_849 = arith.subf %neg3A_848, %get3A_846 : vector<16xf32>
      %exp3A_850 = math.exp %neg3A_849 : vector<16xf32>
      %add3A_851 = arith.addf %add3A_839, %exp3A_850 : vector<16xf32>
      %min3A_852 = arith.minimumf %min3A_840, %get3A_846 : vector<16xf32>
      %get3A_853 = arith.constant 6 : i32
      %get3A_854 = arith.index_cast %scan3A_12 : i32 to index
      %get3A_855 = arith.index_cast %get3A_853 : i32 to index
      %get3A_856 = arith.constant 112 : index
      %get3A_857 = tpu.vector_load %arg5[%get3A_854, %get3A_855, %get3A_856] {strides = array<i32>} : memref<32x8x256xf32, #tpu.memory_space<vmem>>, vector<1x1x16xf32>,
      %get3A_858 = vector.shape_cast %get3A_857 : vector<1x1x16xf32> to vector<16xf32>
      %neg3A_859 = arith.constant 0.000000e+00 : f32
      %neg3A_860 = vector.broadcast %neg3A_859 : f32 to vector<16xf32>
      %neg3A_861 = arith.subf %neg3A_860, %get3A_858 : vector<16xf32>
      %exp3A_862 = math.exp %neg3A_861 : vector<16xf32>
      %add3A_863 = arith.addf %add3A_851, %exp3A_862 : vector<16xf32>
      %min3A_864 = arith.minimumf %min3A_852, %get3A_858 : vector<16xf32>
      %get3A_865 = arith.constant 7 : i32
      %get3A_866 = arith.index_cast %scan3A_12 : i32 to index
      %get3A_867 = arith.index_cast %get3A_865 : i32 to index
      %get3A_868 = arith.constant 112 : index
      %get3A_869 = tpu.vector_load %arg5[%get3A_866, %get3A_867, %get3A_868] {strides = array<i32>} : memref<32x8x256xf32, #tpu.memory_space<vmem>>, vector<1x1x16xf32>,
      %get3A_870 = vector.shape_cast %get3A_869 : vector<1x1x16xf32> to vector<16xf32>
      %neg3A_871 = arith.constant 0.000000e+00 : f32
      %neg3A_872 = vector.broadcast %neg3A_871 : f32 to vector<16xf32>
      %neg3A_873 = arith.subf %neg3A_872, %get3A_870 : vector<16xf32>
      %exp3A_874 = math.exp %neg3A_873 : vector<16xf32>
      %add3A_875 = arith.addf %add3A_863, %exp3A_874 : vector<16xf32>
      %min3A_876 = arith.minimumf %min3A_864, %get3A_870 : vector<16xf32>
      %swap3A_877 = arith.index_cast %scan3A_12 : i32 to index
      %swap3A_878 = arith.constant 112 : index
      %swap3A_879 = tpu.vector_load %arg6[%swap3A_877, %swap3A_878] {strides = array<i32>} : memref<32x256xf32, #tpu.memory_space<vmem>>, vector<1x16xf32>,
      %swap3A_880 = vector.shape_cast %swap3A_879 : vector<1x16xf32> to vector<16xf32>
      %swap3A_881 = vector.shape_cast %add3A_875 : vector<16xf32> to vector<1x16xf32>
      tpu.vector_store %arg6[%swap3A_877, %swap3A_878], %swap3A_881 {strides = array<i32>} : memref<32x256xf32, #tpu.memory_space<vmem>>, vector<1x16xf32>,
      %swap3A_882 = arith.index_cast %scan3A_12 : i32 to index
      %swap3A_883 = arith.constant 112 : index
      %swap3A_884 = tpu.vector_load %arg7[%swap3A_882, %swap3A_883] {strides = array<i32>} : memref<32x256xf32, #tpu.memory_space<vmem>>, vector<1x16xf32>,
      %swap3A_885 = vector.shape_cast %swap3A_884 : vector<1x16xf32> to vector<16xf32>
      %swap3A_886 = vector.shape_cast %min3A_876 : vector<16xf32> to vector<1x16xf32>
      tpu.vector_store %arg7[%swap3A_882, %swap3A_883], %swap3A_886 {strides = array<i32>} : memref<32x256xf32, #tpu.memory_space<vmem>>, vector<1x16xf32>,
      %broadcast_in_dim3A_887 = arith.constant 0.000000e+00 : f32
      %broadcast_in_dim3A_888 = vector.broadcast %broadcast_in_dim3A_887 : f32 to vector<16xf32>
      %broadcast_in_dim3A_889 = arith.constant 0x7F800000 : f32
      %broadcast_in_dim3A_890 = vector.broadcast %broadcast_in_dim3A_889 : f32 to vector<16xf32>
      %get3A_891 = arith.constant 0 : i32
      %get3A_892 = arith.index_cast %scan3A_12 : i32 to index
      %get3A_893 = arith.index_cast %get3A_891 : i32 to index
      %get3A_894 = arith.constant 128 : index
      %get3A_895 = tpu.vector_load %arg5[%get3A_892, %get3A_893, %get3A_894] {strides = array<i32>} : memref<32x8x256xf32, #tpu.memory_space<vmem>>, vector<1x1x16xf32>,
      %get3A_896 = vector.shape_cast %get3A_895 : vector<1x1x16xf32> to vector<16xf32>
      %neg3A_897 = arith.constant 0.000000e+00 : f32
      %neg3A_898 = vector.broadcast %neg3A_897 : f32 to vector<16xf32>
      %neg3A_899 = arith.subf %neg3A_898, %get3A_896 : vector<16xf32>
      %exp3A_900 = math.exp %neg3A_899 : vector<16xf32>
      %add3A_901 = arith.addf %broadcast_in_dim3A_888, %exp3A_900 : vector<16xf32>
      %min3A_902 = arith.minimumf %broadcast_in_dim3A_890, %get3A_896 : vector<16xf32>
      %get3A_903 = arith.constant 1 : i32
      %get3A_904 = arith.index_cast %scan3A_12 : i32 to index
      %get3A_905 = arith.index_cast %get3A_903 : i32 to index
      %get3A_906 = arith.constant 128 : index
      %get3A_907 = tpu.vector_load %arg5[%get3A_904, %get3A_905, %get3A_906] {strides = array<i32>} : memref<32x8x256xf32, #tpu.memory_space<vmem>>, vector<1x1x16xf32>,
      %get3A_908 = vector.shape_cast %get3A_907 : vector<1x1x16xf32> to vector<16xf32>
      %neg3A_909 = arith.constant 0.000000e+00 : f32
      %neg3A_910 = vector.broadcast %neg3A_909 : f32 to vector<16xf32>
      %neg3A_911 = arith.subf %neg3A_910, %get3A_908 : vector<16xf32>
      %exp3A_912 = math.exp %neg3A_911 : vector<16xf32>
      %add3A_913 = arith.addf %add3A_901, %exp3A_912 : vector<16xf32>
      %min3A_914 = arith.minimumf %min3A_902, %get3A_908 : vector<16xf32>
      %get3A_915 = arith.constant 2 : i32
      %get3A_916 = arith.index_cast %scan3A_12 : i32 to index
      %get3A_917 = arith.index_cast %get3A_915 : i32 to index
      %get3A_918 = arith.constant 128 : index
      %get3A_919 = tpu.vector_load %arg5[%get3A_916, %get3A_917, %get3A_918] {strides = array<i32>} : memref<32x8x256xf32, #tpu.memory_space<vmem>>, vector<1x1x16xf32>,
      %get3A_920 = vector.shape_cast %get3A_919 : vector<1x1x16xf32> to vector<16xf32>
      %neg3A_921 = arith.constant 0.000000e+00 : f32
      %neg3A_922 = vector.broadcast %neg3A_921 : f32 to vector<16xf32>
      %neg3A_923 = arith.subf %neg3A_922, %get3A_920 : vector<16xf32>
      %exp3A_924 = math.exp %neg3A_923 : vector<16xf32>
      %add3A_925 = arith.addf %add3A_913, %exp3A_924 : vector<16xf32>
      %min3A_926 = arith.minimumf %min3A_914, %get3A_920 : vector<16xf32>
      %get3A_927 = arith.constant 3 : i32
      %get3A_928 = arith.index_cast %scan3A_12 : i32 to index
      %get3A_929 = arith.index_cast %get3A_927 : i32 to index
      %get3A_930 = arith.constant 128 : index
      %get3A_931 = tpu.vector_load %arg5[%get3A_928, %get3A_929, %get3A_930] {strides = array<i32>} : memref<32x8x256xf32, #tpu.memory_space<vmem>>, vector<1x1x16xf32>,
      %get3A_932 = vector.shape_cast %get3A_931 : vector<1x1x16xf32> to vector<16xf32>
      %neg3A_933 = arith.constant 0.000000e+00 : f32
      %neg3A_934 = vector.broadcast %neg3A_933 : f32 to vector<16xf32>
      %neg3A_935 = arith.subf %neg3A_934, %get3A_932 : vector<16xf32>
      %exp3A_936 = math.exp %neg3A_935 : vector<16xf32>
      %add3A_937 = arith.addf %add3A_925, %exp3A_936 : vector<16xf32>
      %min3A_938 = arith.minimumf %min3A_926, %get3A_932 : vector<16xf32>
      %get3A_939 = arith.constant 4 : i32
      %get3A_940 = arith.index_cast %scan3A_12 : i32 to index
      %get3A_941 = arith.index_cast %get3A_939 : i32 to index
      %get3A_942 = arith.constant 128 : index
      %get3A_943 = tpu.vector_load %arg5[%get3A_940, %get3A_941, %get3A_942] {strides = array<i32>} : memref<32x8x256xf32, #tpu.memory_space<vmem>>, vector<1x1x16xf32>,
      %get3A_944 = vector.shape_cast %get3A_943 : vector<1x1x16xf32> to vector<16xf32>
      %neg3A_945 = arith.constant 0.000000e+00 : f32
      %neg3A_946 = vector.broadcast %neg3A_945 : f32 to vector<16xf32>
      %neg3A_947 = arith.subf %neg3A_946, %get3A_944 : vector<16xf32>
      %exp3A_948 = math.exp %neg3A_947 : vector<16xf32>
      %add3A_949 = arith.addf %add3A_937, %exp3A_948 : vector<16xf32>
      %min3A_950 = arith.minimumf %min3A_938, %get3A_944 : vector<16xf32>
      %get3A_951 = arith.constant 5 : i32
      %get3A_952 = arith.index_cast %scan3A_12 : i32 to index
      %get3A_953 = arith.index_cast %get3A_951 : i32 to index
      %get3A_954 = arith.constant 128 : index
      %get3A_955 = tpu.vector_load %arg5[%get3A_952, %get3A_953, %get3A_954] {strides = array<i32>} : memref<32x8x256xf32, #tpu.memory_space<vmem>>, vector<1x1x16xf32>,
      %get3A_956 = vector.shape_cast %get3A_955 : vector<1x1x16xf32> to vector<16xf32>
      %neg3A_957 = arith.constant 0.000000e+00 : f32
      %neg3A_958 = vector.broadcast %neg3A_957 : f32 to vector<16xf32>
      %neg3A_959 = arith.subf %neg3A_958, %get3A_956 : vector<16xf32>
      %exp3A_960 = math.exp %neg3A_959 : vector<16xf32>
      %add3A_961 = arith.addf %add3A_949, %exp3A_960 : vector<16xf32>
      %min3A_962 = arith.minimumf %min3A_950, %get3A_956 : vector<16xf32>
      %get3A_963 = arith.constant 6 : i32
      %get3A_964 = arith.index_cast %scan3A_12 : i32 to index
      %get3A_965 = arith.index_cast %get3A_963 : i32 to index
      %get3A_966 = arith.constant 128 : index
      %get3A_967 = tpu.vector_load %arg5[%get3A_964, %get3A_965, %get3A_966] {strides = array<i32>} : memref<32x8x256xf32, #tpu.memory_space<vmem>>, vector<1x1x16xf32>,
      %get3A_968 = vector.shape_cast %get3A_967 : vector<1x1x16xf32> to vector<16xf32>
      %neg3A_969 = arith.constant 0.000000e+00 : f32
      %neg3A_970 = vector.broadcast %neg3A_969 : f32 to vector<16xf32>
      %neg3A_971 = arith.subf %neg3A_970, %get3A_968 : vector<16xf32>
      %exp3A_972 = math.exp %neg3A_971 : vector<16xf32>
      %add3A_973 = arith.addf %add3A_961, %exp3A_972 : vector<16xf32>
      %min3A_974 = arith.minimumf %min3A_962, %get3A_968 : vector<16xf32>
      %get3A_975 = arith.constant 7 : i32
      %get3A_976 = arith.index_cast %scan3A_12 : i32 to index
      %get3A_977 = arith.index_cast %get3A_975 : i32 to index
      %get3A_978 = arith.constant 128 : index
      %get3A_979 = tpu.vector_load %arg5[%get3A_976, %get3A_977, %get3A_978] {strides = array<i32>} : memref<32x8x256xf32, #tpu.memory_space<vmem>>, vector<1x1x16xf32>,
      %get3A_980 = vector.shape_cast %get3A_979 : vector<1x1x16xf32> to vector<16xf32>
      %neg3A_981 = arith.constant 0.000000e+00 : f32
      %neg3A_982 = vector.broadcast %neg3A_981 : f32 to vector<16xf32>
      %neg3A_983 = arith.subf %neg3A_982, %get3A_980 : vector<16xf32>
      %exp3A_984 = math.exp %neg3A_983 : vector<16xf32>
      %add3A_985 = arith.addf %add3A_973, %exp3A_984 : vector<16xf32>
      %min3A_986 = arith.minimumf %min3A_974, %get3A_980 : vector<16xf32>
      %swap3A_987 = arith.index_cast %scan3A_12 : i32 to index
      %swap3A_988 = arith.constant 128 : index
      %swap3A_989 = tpu.vector_load %arg6[%swap3A_987, %swap3A_988] {strides = array<i32>} : memref<32x256xf32, #tpu.memory_space<vmem>>, vector<1x16xf32>,
      %swap3A_990 = vector.shape_cast %swap3A_989 : vector<1x16xf32> to vector<16xf32>
      %swap3A_991 = vector.shape_cast %add3A_985 : vector<16xf32> to vector<1x16xf32>
      tpu.vector_store %arg6[%swap3A_987, %swap3A_988], %swap3A_991 {strides = array<i32>} : memref<32x256xf32, #tpu.memory_space<vmem>>, vector<1x16xf32>,
      %swap3A_992 = arith.index_cast %scan3A_12 : i32 to index
      %swap3A_993 = arith.constant 128 : index
      %swap3A_994 = tpu.vector_load %arg7[%swap3A_992, %swap3A_993] {strides = array<i32>} : memref<32x256xf32, #tpu.memory_space<vmem>>, vector<1x16xf32>,
      %swap3A_995 = vector.shape_cast %swap3A_994 : vector<1x16xf32> to vector<16xf32>
      %swap3A_996 = vector.shape_cast %min3A_986 : vector<16xf32> to vector<1x16xf32>
      tpu.vector_store %arg7[%swap3A_992, %swap3A_993], %swap3A_996 {strides = array<i32>} : memref<32x256xf32, #tpu.memory_space<vmem>>, vector<1x16xf32>,
      %broadcast_in_dim3A_997 = arith.constant 0.000000e+00 : f32
      %broadcast_in_dim3A_998 = vector.broadcast %broadcast_in_dim3A_997 : f32 to vector<16xf32>
      %broadcast_in_dim3A_999 = arith.constant 0x7F800000 : f32
      %broadcast_in_dim3A_1000 = vector.broadcast %broadcast_in_dim3A_999 : f32 to vector<16xf32>
      %get3A_1001 = arith.constant 0 : i32
      %get3A_1002 = arith.index_cast %scan3A_12 : i32 to index
      %get3A_1003 = arith.index_cast %get3A_1001 : i32 to index
      %get3A_1004 = arith.constant 144 : index
      %get3A_1005 = tpu.vector_load %arg5[%get3A_1002, %get3A_1003, %get3A_1004] {strides = array<i32>} : memref<32x8x256xf32, #tpu.memory_space<vmem>>, vector<1x1x16xf32>,
      %get3A_1006 = vector.shape_cast %get3A_1005 : vector<1x1x16xf32> to vector<16xf32>
      %neg3A_1007 = arith.constant 0.000000e+00 : f32
      %neg3A_1008 = vector.broadcast %neg3A_1007 : f32 to vector<16xf32>
      %neg3A_1009 = arith.subf %neg3A_1008, %get3A_1006 : vector<16xf32>
      %exp3A_1010 = math.exp %neg3A_1009 : vector<16xf32>
      %add3A_1011 = arith.addf %broadcast_in_dim3A_998, %exp3A_1010 : vector<16xf32>
      %min3A_1012 = arith.minimumf %broadcast_in_dim3A_1000, %get3A_1006 : vector<16xf32>
      %get3A_1013 = arith.constant 1 : i32
      %get3A_1014 = arith.index_cast %scan3A_12 : i32 to index
      %get3A_1015 = arith.index_cast %get3A_1013 : i32 to index
      %get3A_1016 = arith.constant 144 : index
      %get3A_1017 = tpu.vector_load %arg5[%get3A_1014, %get3A_1015, %get3A_1016] {strides = array<i32>} : memref<32x8x256xf32, #tpu.memory_space<vmem>>, vector<1x1x16xf32>,
      %get3A_1018 = vector.shape_cast %get3A_1017 : vector<1x1x16xf32> to vector<16xf32>
      %neg3A_1019 = arith.constant 0.000000e+00 : f32
      %neg3A_1020 = vector.broadcast %neg3A_1019 : f32 to vector<16xf32>
      %neg3A_1021 = arith.subf %neg3A_1020, %get3A_1018 : vector<16xf32>
      %exp3A_1022 = math.exp %neg3A_1021 : vector<16xf32>
      %add3A_1023 = arith.addf %add3A_1011, %exp3A_1022 : vector<16xf32>
      %min3A_1024 = arith.minimumf %min3A_1012, %get3A_1018 : vector<16xf32>
      %get3A_1025 = arith.constant 2 : i32
      %get3A_1026 = arith.index_cast %scan3A_12 : i32 to index
      %get3A_1027 = arith.index_cast %get3A_1025 : i32 to index
      %get3A_1028 = arith.constant 144 : index
      %get3A_1029 = tpu.vector_load %arg5[%get3A_1026, %get3A_1027, %get3A_1028] {strides = array<i32>} : memref<32x8x256xf32, #tpu.memory_space<vmem>>, vector<1x1x16xf32>,
      %get3A_1030 = vector.shape_cast %get3A_1029 : vector<1x1x16xf32> to vector<16xf32>
      %neg3A_1031 = arith.constant 0.000000e+00 : f32
      %neg3A_1032 = vector.broadcast %neg3A_1031 : f32 to vector<16xf32>
      %neg3A_1033 = arith.subf %neg3A_1032, %get3A_1030 : vector<16xf32>
      %exp3A_1034 = math.exp %neg3A_1033 : vector<16xf32>
      %add3A_1035 = arith.addf %add3A_1023, %exp3A_1034 : vector<16xf32>
      %min3A_1036 = arith.minimumf %min3A_1024, %get3A_1030 : vector<16xf32>
      %get3A_1037 = arith.constant 3 : i32
      %get3A_1038 = arith.index_cast %scan3A_12 : i32 to index
      %get3A_1039 = arith.index_cast %get3A_1037 : i32 to index
      %get3A_1040 = arith.constant 144 : index
      %get3A_1041 = tpu.vector_load %arg5[%get3A_1038, %get3A_1039, %get3A_1040] {strides = array<i32>} : memref<32x8x256xf32, #tpu.memory_space<vmem>>, vector<1x1x16xf32>,
      %get3A_1042 = vector.shape_cast %get3A_1041 : vector<1x1x16xf32> to vector<16xf32>
      %neg3A_1043 = arith.constant 0.000000e+00 : f32
      %neg3A_1044 = vector.broadcast %neg3A_1043 : f32 to vector<16xf32>
      %neg3A_1045 = arith.subf %neg3A_1044, %get3A_1042 : vector<16xf32>
      %exp3A_1046 = math.exp %neg3A_1045 : vector<16xf32>
      %add3A_1047 = arith.addf %add3A_1035, %exp3A_1046 : vector<16xf32>
      %min3A_1048 = arith.minimumf %min3A_1036, %get3A_1042 : vector<16xf32>
      %get3A_1049 = arith.constant 4 : i32
      %get3A_1050 = arith.index_cast %scan3A_12 : i32 to index
      %get3A_1051 = arith.index_cast %get3A_1049 : i32 to index
      %get3A_1052 = arith.constant 144 : index
      %get3A_1053 = tpu.vector_load %arg5[%get3A_1050, %get3A_1051, %get3A_1052] {strides = array<i32>} : memref<32x8x256xf32, #tpu.memory_space<vmem>>, vector<1x1x16xf32>,
      %get3A_1054 = vector.shape_cast %get3A_1053 : vector<1x1x16xf32> to vector<16xf32>
      %neg3A_1055 = arith.constant 0.000000e+00 : f32
      %neg3A_1056 = vector.broadcast %neg3A_1055 : f32 to vector<16xf32>
      %neg3A_1057 = arith.subf %neg3A_1056, %get3A_1054 : vector<16xf32>
      %exp3A_1058 = math.exp %neg3A_1057 : vector<16xf32>
      %add3A_1059 = arith.addf %add3A_1047, %exp3A_1058 : vector<16xf32>
      %min3A_1060 = arith.minimumf %min3A_1048, %get3A_1054 : vector<16xf32>
      %get3A_1061 = arith.constant 5 : i32
      %get3A_1062 = arith.index_cast %scan3A_12 : i32 to index
      %get3A_1063 = arith.index_cast %get3A_1061 : i32 to index
      %get3A_1064 = arith.constant 144 : index
      %get3A_1065 = tpu.vector_load %arg5[%get3A_1062, %get3A_1063, %get3A_1064] {strides = array<i32>} : memref<32x8x256xf32, #tpu.memory_space<vmem>>, vector<1x1x16xf32>,
      %get3A_1066 = vector.shape_cast %get3A_1065 : vector<1x1x16xf32> to vector<16xf32>
      %neg3A_1067 = arith.constant 0.000000e+00 : f32
      %neg3A_1068 = vector.broadcast %neg3A_1067 : f32 to vector<16xf32>
      %neg3A_1069 = arith.subf %neg3A_1068, %get3A_1066 : vector<16xf32>
      %exp3A_1070 = math.exp %neg3A_1069 : vector<16xf32>
      %add3A_1071 = arith.addf %add3A_1059, %exp3A_1070 : vector<16xf32>
      %min3A_1072 = arith.minimumf %min3A_1060, %get3A_1066 : vector<16xf32>
      %get3A_1073 = arith.constant 6 : i32
      %get3A_1074 = arith.index_cast %scan3A_12 : i32 to index
      %get3A_1075 = arith.index_cast %get3A_1073 : i32 to index
      %get3A_1076 = arith.constant 144 : index
      %get3A_1077 = tpu.vector_load %arg5[%get3A_1074, %get3A_1075, %get3A_1076] {strides = array<i32>} : memref<32x8x256xf32, #tpu.memory_space<vmem>>, vector<1x1x16xf32>,
      %get3A_1078 = vector.shape_cast %get3A_1077 : vector<1x1x16xf32> to vector<16xf32>
      %neg3A_1079 = arith.constant 0.000000e+00 : f32
      %neg3A_1080 = vector.broadcast %neg3A_1079 : f32 to vector<16xf32>
      %neg3A_1081 = arith.subf %neg3A_1080, %get3A_1078 : vector<16xf32>
      %exp3A_1082 = math.exp %neg3A_1081 : vector<16xf32>
      %add3A_1083 = arith.addf %add3A_1071, %exp3A_1082 : vector<16xf32>
      %min3A_1084 = arith.minimumf %min3A_1072, %get3A_1078 : vector<16xf32>
      %get3A_1085 = arith.constant 7 : i32
      %get3A_1086 = arith.index_cast %scan3A_12 : i32 to index
      %get3A_1087 = arith.index_cast %get3A_1085 : i32 to index
      %get3A_1088 = arith.constant 144 : index
      %get3A_1089 = tpu.vector_load %arg5[%get3A_1086, %get3A_1087, %get3A_1088] {strides = array<i32>} : memref<32x8x256xf32, #tpu.memory_space<vmem>>, vector<1x1x16xf32>,
      %get3A_1090 = vector.shape_cast %get3A_1089 : vector<1x1x16xf32> to vector<16xf32>
      %neg3A_1091 = arith.constant 0.000000e+00 : f32
      %neg3A_1092 = vector.broadcast %neg3A_1091 : f32 to vector<16xf32>
      %neg3A_1093 = arith.subf %neg3A_1092, %get3A_1090 : vector<16xf32>
      %exp3A_1094 = math.exp %neg3A_1093 : vector<16xf32>
      %add3A_1095 = arith.addf %add3A_1083, %exp3A_1094 : vector<16xf32>
      %min3A_1096 = arith.minimumf %min3A_1084, %get3A_1090 : vector<16xf32>
      %swap3A_1097 = arith.index_cast %scan3A_12 : i32 to index
      %swap3A_1098 = arith.constant 144 : index
      %swap3A_1099 = tpu.vector_load %arg6[%swap3A_1097, %swap3A_1098] {strides = array<i32>} : memref<32x256xf32, #tpu.memory_space<vmem>>, vector<1x16xf32>,
      %swap3A_1100 = vector.shape_cast %swap3A_1099 : vector<1x16xf32> to vector<16xf32>
      %swap3A_1101 = vector.shape_cast %add3A_1095 : vector<16xf32> to vector<1x16xf32>
      tpu.vector_store %arg6[%swap3A_1097, %swap3A_1098], %swap3A_1101 {strides = array<i32>} : memref<32x256xf32, #tpu.memory_space<vmem>>, vector<1x16xf32>,
      %swap3A_1102 = arith.index_cast %scan3A_12 : i32 to index
      %swap3A_1103 = arith.constant 144 : index
      %swap3A_1104 = tpu.vector_load %arg7[%swap3A_1102, %swap3A_1103] {strides = array<i32>} : memref<32x256xf32, #tpu.memory_space<vmem>>, vector<1x16xf32>,
      %swap3A_1105 = vector.shape_cast %swap3A_1104 : vector<1x16xf32> to vector<16xf32>
      %swap3A_1106 = vector.shape_cast %min3A_1096 : vector<16xf32> to vector<1x16xf32>
      tpu.vector_store %arg7[%swap3A_1102, %swap3A_1103], %swap3A_1106 {strides = array<i32>} : memref<32x256xf32, #tpu.memory_space<vmem>>, vector<1x16xf32>,
      %broadcast_in_dim3A_1107 = arith.constant 0.000000e+00 : f32
      %broadcast_in_dim3A_1108 = vector.broadcast %broadcast_in_dim3A_1107 : f32 to vector<16xf32>
      %broadcast_in_dim3A_1109 = arith.constant 0x7F800000 : f32
      %broadcast_in_dim3A_1110 = vector.broadcast %broadcast_in_dim3A_1109 : f32 to vector<16xf32>
      %get3A_1111 = arith.constant 0 : i32
      %get3A_1112 = arith.index_cast %scan3A_12 : i32 to index
      %get3A_1113 = arith.index_cast %get3A_1111 : i32 to index
      %get3A_1114 = arith.constant 160 : index
      %get3A_1115 = tpu.vector_load %arg5[%get3A_1112, %get3A_1113, %get3A_1114] {strides = array<i32>} : memref<32x8x256xf32, #tpu.memory_space<vmem>>, vector<1x1x16xf32>,
      %get3A_1116 = vector.shape_cast %get3A_1115 : vector<1x1x16xf32> to vector<16xf32>
      %neg3A_1117 = arith.constant 0.000000e+00 : f32
      %neg3A_1118 = vector.broadcast %neg3A_1117 : f32 to vector<16xf32>
      %neg3A_1119 = arith.subf %neg3A_1118, %get3A_1116 : vector<16xf32>
      %exp3A_1120 = math.exp %neg3A_1119 : vector<16xf32>
      %add3A_1121 = arith.addf %broadcast_in_dim3A_1108, %exp3A_1120 : vector<16xf32>
      %min3A_1122 = arith.minimumf %broadcast_in_dim3A_1110, %get3A_1116 : vector<16xf32>
      %get3A_1123 = arith.constant 1 : i32
      %get3A_1124 = arith.index_cast %scan3A_12 : i32 to index
      %get3A_1125 = arith.index_cast %get3A_1123 : i32 to index
      %get3A_1126 = arith.constant 160 : index
      %get3A_1127 = tpu.vector_load %arg5[%get3A_1124, %get3A_1125, %get3A_1126] {strides = array<i32>} : memref<32x8x256xf32, #tpu.memory_space<vmem>>, vector<1x1x16xf32>,
      %get3A_1128 = vector.shape_cast %get3A_1127 : vector<1x1x16xf32> to vector<16xf32>
      %neg3A_1129 = arith.constant 0.000000e+00 : f32
      %neg3A_1130 = vector.broadcast %neg3A_1129 : f32 to vector<16xf32>
      %neg3A_1131 = arith.subf %neg3A_1130, %get3A_1128 : vector<16xf32>
      %exp3A_1132 = math.exp %neg3A_1131 : vector<16xf32>
      %add3A_1133 = arith.addf %add3A_1121, %exp3A_1132 : vector<16xf32>
      %min3A_1134 = arith.minimumf %min3A_1122, %get3A_1128 : vector<16xf32>
      %get3A_1135 = arith.constant 2 : i32
      %get3A_1136 = arith.index_cast %scan3A_12 : i32 to index
      %get3A_1137 = arith.index_cast %get3A_1135 : i32 to index
      %get3A_1138 = arith.constant 160 : index
      %get3A_1139 = tpu.vector_load %arg5[%get3A_1136, %get3A_1137, %get3A_1138] {strides = array<i32>} : memref<32x8x256xf32, #tpu.memory_space<vmem>>, vector<1x1x16xf32>,
      %get3A_1140 = vector.shape_cast %get3A_1139 : vector<1x1x16xf32> to vector<16xf32>
      %neg3A_1141 = arith.constant 0.000000e+00 : f32
      %neg3A_1142 = vector.broadcast %neg3A_1141 : f32 to vector<16xf32>
      %neg3A_1143 = arith.subf %neg3A_1142, %get3A_1140 : vector<16xf32>
      %exp3A_1144 = math.exp %neg3A_1143 : vector<16xf32>
      %add3A_1145 = arith.addf %add3A_1133, %exp3A_1144 : vector<16xf32>
      %min3A_1146 = arith.minimumf %min3A_1134, %get3A_1140 : vector<16xf32>
      %get3A_1147 = arith.constant 3 : i32
      %get3A_1148 = arith.index_cast %scan3A_12 : i32 to index
      %get3A_1149 = arith.index_cast %get3A_1147 : i32 to index
      %get3A_1150 = arith.constant 160 : index
      %get3A_1151 = tpu.vector_load %arg5[%get3A_1148, %get3A_1149, %get3A_1150] {strides = array<i32>} : memref<32x8x256xf32, #tpu.memory_space<vmem>>, vector<1x1x16xf32>,
      %get3A_1152 = vector.shape_cast %get3A_1151 : vector<1x1x16xf32> to vector<16xf32>
      %neg3A_1153 = arith.constant 0.000000e+00 : f32
      %neg3A_1154 = vector.broadcast %neg3A_1153 : f32 to vector<16xf32>
      %neg3A_1155 = arith.subf %neg3A_1154, %get3A_1152 : vector<16xf32>
      %exp3A_1156 = math.exp %neg3A_1155 : vector<16xf32>
      %add3A_1157 = arith.addf %add3A_1145, %exp3A_1156 : vector<16xf32>
      %min3A_1158 = arith.minimumf %min3A_1146, %get3A_1152 : vector<16xf32>
      %get3A_1159 = arith.constant 4 : i32
      %get3A_1160 = arith.index_cast %scan3A_12 : i32 to index
      %get3A_1161 = arith.index_cast %get3A_1159 : i32 to index
      %get3A_1162 = arith.constant 160 : index
      %get3A_1163 = tpu.vector_load %arg5[%get3A_1160, %get3A_1161, %get3A_1162] {strides = array<i32>} : memref<32x8x256xf32, #tpu.memory_space<vmem>>, vector<1x1x16xf32>,
      %get3A_1164 = vector.shape_cast %get3A_1163 : vector<1x1x16xf32> to vector<16xf32>
      %neg3A_1165 = arith.constant 0.000000e+00 : f32
      %neg3A_1166 = vector.broadcast %neg3A_1165 : f32 to vector<16xf32>
      %neg3A_1167 = arith.subf %neg3A_1166, %get3A_1164 : vector<16xf32>
      %exp3A_1168 = math.exp %neg3A_1167 : vector<16xf32>
      %add3A_1169 = arith.addf %add3A_1157, %exp3A_1168 : vector<16xf32>
      %min3A_1170 = arith.minimumf %min3A_1158, %get3A_1164 : vector<16xf32>
      %get3A_1171 = arith.constant 5 : i32
      %get3A_1172 = arith.index_cast %scan3A_12 : i32 to index
      %get3A_1173 = arith.index_cast %get3A_1171 : i32 to index
      %get3A_1174 = arith.constant 160 : index
      %get3A_1175 = tpu.vector_load %arg5[%get3A_1172, %get3A_1173, %get3A_1174] {strides = array<i32>} : memref<32x8x256xf32, #tpu.memory_space<vmem>>, vector<1x1x16xf32>,
      %get3A_1176 = vector.shape_cast %get3A_1175 : vector<1x1x16xf32> to vector<16xf32>
      %neg3A_1177 = arith.constant 0.000000e+00 : f32
      %neg3A_1178 = vector.broadcast %neg3A_1177 : f32 to vector<16xf32>
      %neg3A_1179 = arith.subf %neg3A_1178, %get3A_1176 : vector<16xf32>
      %exp3A_1180 = math.exp %neg3A_1179 : vector<16xf32>
      %add3A_1181 = arith.addf %add3A_1169, %exp3A_1180 : vector<16xf32>
      %min3A_1182 = arith.minimumf %min3A_1170, %get3A_1176 : vector<16xf32>
      %get3A_1183 = arith.constant 6 : i32
      %get3A_1184 = arith.index_cast %scan3A_12 : i32 to index
      %get3A_1185 = arith.index_cast %get3A_1183 : i32 to index
      %get3A_1186 = arith.constant 160 : index
      %get3A_1187 = tpu.vector_load %arg5[%get3A_1184, %get3A_1185, %get3A_1186] {strides = array<i32>} : memref<32x8x256xf32, #tpu.memory_space<vmem>>, vector<1x1x16xf32>,
      %get3A_1188 = vector.shape_cast %get3A_1187 : vector<1x1x16xf32> to vector<16xf32>
      %neg3A_1189 = arith.constant 0.000000e+00 : f32
      %neg3A_1190 = vector.broadcast %neg3A_1189 : f32 to vector<16xf32>
      %neg3A_1191 = arith.subf %neg3A_1190, %get3A_1188 : vector<16xf32>
      %exp3A_1192 = math.exp %neg3A_1191 : vector<16xf32>
      %add3A_1193 = arith.addf %add3A_1181, %exp3A_1192 : vector<16xf32>
      %min3A_1194 = arith.minimumf %min3A_1182, %get3A_1188 : vector<16xf32>
      %get3A_1195 = arith.constant 7 : i32
      %get3A_1196 = arith.index_cast %scan3A_12 : i32 to index
      %get3A_1197 = arith.index_cast %get3A_1195 : i32 to index
      %get3A_1198 = arith.constant 160 : index
      %get3A_1199 = tpu.vector_load %arg5[%get3A_1196, %get3A_1197, %get3A_1198] {strides = array<i32>} : memref<32x8x256xf32, #tpu.memory_space<vmem>>, vector<1x1x16xf32>,
      %get3A_1200 = vector.shape_cast %get3A_1199 : vector<1x1x16xf32> to vector<16xf32>
      %neg3A_1201 = arith.constant 0.000000e+00 : f32
      %neg3A_1202 = vector.broadcast %neg3A_1201 : f32 to vector<16xf32>
      %neg3A_1203 = arith.subf %neg3A_1202, %get3A_1200 : vector<16xf32>
      %exp3A_1204 = math.exp %neg3A_1203 : vector<16xf32>
      %add3A_1205 = arith.addf %add3A_1193, %exp3A_1204 : vector<16xf32>
      %min3A_1206 = arith.minimumf %min3A_1194, %get3A_1200 : vector<16xf32>
      %swap3A_1207 = arith.index_cast %scan3A_12 : i32 to index
      %swap3A_1208 = arith.constant 160 : index
      %swap3A_1209 = tpu.vector_load %arg6[%swap3A_1207, %swap3A_1208] {strides = array<i32>} : memref<32x256xf32, #tpu.memory_space<vmem>>, vector<1x16xf32>,
      %swap3A_1210 = vector.shape_cast %swap3A_1209 : vector<1x16xf32> to vector<16xf32>
      %swap3A_1211 = vector.shape_cast %add3A_1205 : vector<16xf32> to vector<1x16xf32>
      tpu.vector_store %arg6[%swap3A_1207, %swap3A_1208], %swap3A_1211 {strides = array<i32>} : memref<32x256xf32, #tpu.memory_space<vmem>>, vector<1x16xf32>,
      %swap3A_1212 = arith.index_cast %scan3A_12 : i32 to index
      %swap3A_1213 = arith.constant 160 : index
      %swap3A_1214 = tpu.vector_load %arg7[%swap3A_1212, %swap3A_1213] {strides = array<i32>} : memref<32x256xf32, #tpu.memory_space<vmem>>, vector<1x16xf32>,
      %swap3A_1215 = vector.shape_cast %swap3A_1214 : vector<1x16xf32> to vector<16xf32>
      %swap3A_1216 = vector.shape_cast %min3A_1206 : vector<16xf32> to vector<1x16xf32>
      tpu.vector_store %arg7[%swap3A_1212, %swap3A_1213], %swap3A_1216 {strides = array<i32>} : memref<32x256xf32, #tpu.memory_space<vmem>>, vector<1x16xf32>,
      %broadcast_in_dim3A_1217 = arith.constant 0.000000e+00 : f32
      %broadcast_in_dim3A_1218 = vector.broadcast %broadcast_in_dim3A_1217 : f32 to vector<16xf32>
      %broadcast_in_dim3A_1219 = arith.constant 0x7F800000 : f32
      %broadcast_in_dim3A_1220 = vector.broadcast %broadcast_in_dim3A_1219 : f32 to vector<16xf32>
      %get3A_1221 = arith.constant 0 : i32
      %get3A_1222 = arith.index_cast %scan3A_12 : i32 to index
      %get3A_1223 = arith.index_cast %get3A_1221 : i32 to index
      %get3A_1224 = arith.constant 176 : index
      %get3A_1225 = tpu.vector_load %arg5[%get3A_1222, %get3A_1223, %get3A_1224] {strides = array<i32>} : memref<32x8x256xf32, #tpu.memory_space<vmem>>, vector<1x1x16xf32>,
      %get3A_1226 = vector.shape_cast %get3A_1225 : vector<1x1x16xf32> to vector<16xf32>
      %neg3A_1227 = arith.constant 0.000000e+00 : f32
      %neg3A_1228 = vector.broadcast %neg3A_1227 : f32 to vector<16xf32>
      %neg3A_1229 = arith.subf %neg3A_1228, %get3A_1226 : vector<16xf32>
      %exp3A_1230 = math.exp %neg3A_1229 : vector<16xf32>
      %add3A_1231 = arith.addf %broadcast_in_dim3A_1218, %exp3A_1230 : vector<16xf32>
      %min3A_1232 = arith.minimumf %broadcast_in_dim3A_1220, %get3A_1226 : vector<16xf32>
      %get3A_1233 = arith.constant 1 : i32
      %get3A_1234 = arith.index_cast %scan3A_12 : i32 to index
      %get3A_1235 = arith.index_cast %get3A_1233 : i32 to index
      %get3A_1236 = arith.constant 176 : index
      %get3A_1237 = tpu.vector_load %arg5[%get3A_1234, %get3A_1235, %get3A_1236] {strides = array<i32>} : memref<32x8x256xf32, #tpu.memory_space<vmem>>, vector<1x1x16xf32>,
      %get3A_1238 = vector.shape_cast %get3A_1237 : vector<1x1x16xf32> to vector<16xf32>
      %neg3A_1239 = arith.constant 0.000000e+00 : f32
      %neg3A_1240 = vector.broadcast %neg3A_1239 : f32 to vector<16xf32>
      %neg3A_1241 = arith.subf %neg3A_1240, %get3A_1238 : vector<16xf32>
      %exp3A_1242 = math.exp %neg3A_1241 : vector<16xf32>
      %add3A_1243 = arith.addf %add3A_1231, %exp3A_1242 : vector<16xf32>
      %min3A_1244 = arith.minimumf %min3A_1232, %get3A_1238 : vector<16xf32>
      %get3A_1245 = arith.constant 2 : i32
      %get3A_1246 = arith.index_cast %scan3A_12 : i32 to index
      %get3A_1247 = arith.index_cast %get3A_1245 : i32 to index
      %get3A_1248 = arith.constant 176 : index
      %get3A_1249 = tpu.vector_load %arg5[%get3A_1246, %get3A_1247, %get3A_1248] {strides = array<i32>} : memref<32x8x256xf32, #tpu.memory_space<vmem>>, vector<1x1x16xf32>,
      %get3A_1250 = vector.shape_cast %get3A_1249 : vector<1x1x16xf32> to vector<16xf32>
      %neg3A_1251 = arith.constant 0.000000e+00 : f32
      %neg3A_1252 = vector.broadcast %neg3A_1251 : f32 to vector<16xf32>
      %neg3A_1253 = arith.subf %neg3A_1252, %get3A_1250 : vector<16xf32>
      %exp3A_1254 = math.exp %neg3A_1253 : vector<16xf32>
      %add3A_1255 = arith.addf %add3A_1243, %exp3A_1254 : vector<16xf32>
      %min3A_1256 = arith.minimumf %min3A_1244, %get3A_1250 : vector<16xf32>
      %get3A_1257 = arith.constant 3 : i32
      %get3A_1258 = arith.index_cast %scan3A_12 : i32 to index
      %get3A_1259 = arith.index_cast %get3A_1257 : i32 to index
      %get3A_1260 = arith.constant 176 : index
      %get3A_1261 = tpu.vector_load %arg5[%get3A_1258, %get3A_1259, %get3A_1260] {strides = array<i32>} : memref<32x8x256xf32, #tpu.memory_space<vmem>>, vector<1x1x16xf32>,
      %get3A_1262 = vector.shape_cast %get3A_1261 : vector<1x1x16xf32> to vector<16xf32>
      %neg3A_1263 = arith.constant 0.000000e+00 : f32
      %neg3A_1264 = vector.broadcast %neg3A_1263 : f32 to vector<16xf32>
      %neg3A_1265 = arith.subf %neg3A_1264, %get3A_1262 : vector<16xf32>
      %exp3A_1266 = math.exp %neg3A_1265 : vector<16xf32>
      %add3A_1267 = arith.addf %add3A_1255, %exp3A_1266 : vector<16xf32>
      %min3A_1268 = arith.minimumf %min3A_1256, %get3A_1262 : vector<16xf32>
      %get3A_1269 = arith.constant 4 : i32
      %get3A_1270 = arith.index_cast %scan3A_12 : i32 to index
      %get3A_1271 = arith.index_cast %get3A_1269 : i32 to index
      %get3A_1272 = arith.constant 176 : index
      %get3A_1273 = tpu.vector_load %arg5[%get3A_1270, %get3A_1271, %get3A_1272] {strides = array<i32>} : memref<32x8x256xf32, #tpu.memory_space<vmem>>, vector<1x1x16xf32>,
      %get3A_1274 = vector.shape_cast %get3A_1273 : vector<1x1x16xf32> to vector<16xf32>
      %neg3A_1275 = arith.constant 0.000000e+00 : f32
      %neg3A_1276 = vector.broadcast %neg3A_1275 : f32 to vector<16xf32>
      %neg3A_1277 = arith.subf %neg3A_1276, %get3A_1274 : vector<16xf32>
      %exp3A_1278 = math.exp %neg3A_1277 : vector<16xf32>
      %add3A_1279 = arith.addf %add3A_1267, %exp3A_1278 : vector<16xf32>
      %min3A_1280 = arith.minimumf %min3A_1268, %get3A_1274 : vector<16xf32>
      %get3A_1281 = arith.constant 5 : i32
      %get3A_1282 = arith.index_cast %scan3A_12 : i32 to index
      %get3A_1283 = arith.index_cast %get3A_1281 : i32 to index
      %get3A_1284 = arith.constant 176 : index
      %get3A_1285 = tpu.vector_load %arg5[%get3A_1282, %get3A_1283, %get3A_1284] {strides = array<i32>} : memref<32x8x256xf32, #tpu.memory_space<vmem>>, vector<1x1x16xf32>,
      %get3A_1286 = vector.shape_cast %get3A_1285 : vector<1x1x16xf32> to vector<16xf32>
      %neg3A_1287 = arith.constant 0.000000e+00 : f32
      %neg3A_1288 = vector.broadcast %neg3A_1287 : f32 to vector<16xf32>
      %neg3A_1289 = arith.subf %neg3A_1288, %get3A_1286 : vector<16xf32>
      %exp3A_1290 = math.exp %neg3A_1289 : vector<16xf32>
      %add3A_1291 = arith.addf %add3A_1279, %exp3A_1290 : vector<16xf32>
      %min3A_1292 = arith.minimumf %min3A_1280, %get3A_1286 : vector<16xf32>
      %get3A_1293 = arith.constant 6 : i32
      %get3A_1294 = arith.index_cast %scan3A_12 : i32 to index
      %get3A_1295 = arith.index_cast %get3A_1293 : i32 to index
      %get3A_1296 = arith.constant 176 : index
      %get3A_1297 = tpu.vector_load %arg5[%get3A_1294, %get3A_1295, %get3A_1296] {strides = array<i32>} : memref<32x8x256xf32, #tpu.memory_space<vmem>>, vector<1x1x16xf32>,
      %get3A_1298 = vector.shape_cast %get3A_1297 : vector<1x1x16xf32> to vector<16xf32>
      %neg3A_1299 = arith.constant 0.000000e+00 : f32
      %neg3A_1300 = vector.broadcast %neg3A_1299 : f32 to vector<16xf32>
      %neg3A_1301 = arith.subf %neg3A_1300, %get3A_1298 : vector<16xf32>
      %exp3A_1302 = math.exp %neg3A_1301 : vector<16xf32>
      %add3A_1303 = arith.addf %add3A_1291, %exp3A_1302 : vector<16xf32>
      %min3A_1304 = arith.minimumf %min3A_1292, %get3A_1298 : vector<16xf32>
      %get3A_1305 = arith.constant 7 : i32
      %get3A_1306 = arith.index_cast %scan3A_12 : i32 to index
      %get3A_1307 = arith.index_cast %get3A_1305 : i32 to index
      %get3A_1308 = arith.constant 176 : index
      %get3A_1309 = tpu.vector_load %arg5[%get3A_1306, %get3A_1307, %get3A_1308] {strides = array<i32>} : memref<32x8x256xf32, #tpu.memory_space<vmem>>, vector<1x1x16xf32>,
      %get3A_1310 = vector.shape_cast %get3A_1309 : vector<1x1x16xf32> to vector<16xf32>
      %neg3A_1311 = arith.constant 0.000000e+00 : f32
      %neg3A_1312 = vector.broadcast %neg3A_1311 : f32 to vector<16xf32>
      %neg3A_1313 = arith.subf %neg3A_1312, %get3A_1310 : vector<16xf32>
      %exp3A_1314 = math.exp %neg3A_1313 : vector<16xf32>
      %add3A_1315 = arith.addf %add3A_1303, %exp3A_1314 : vector<16xf32>
      %min3A_1316 = arith.minimumf %min3A_1304, %get3A_1310 : vector<16xf32>
      %swap3A_1317 = arith.index_cast %scan3A_12 : i32 to index
      %swap3A_1318 = arith.constant 176 : index
      %swap3A_1319 = tpu.vector_load %arg6[%swap3A_1317, %swap3A_1318] {strides = array<i32>} : memref<32x256xf32, #tpu.memory_space<vmem>>, vector<1x16xf32>,
      %swap3A_1320 = vector.shape_cast %swap3A_1319 : vector<1x16xf32> to vector<16xf32>
      %swap3A_1321 = vector.shape_cast %add3A_1315 : vector<16xf32> to vector<1x16xf32>
      tpu.vector_store %arg6[%swap3A_1317, %swap3A_1318], %swap3A_1321 {strides = array<i32>} : memref<32x256xf32, #tpu.memory_space<vmem>>, vector<1x16xf32>,
      %swap3A_1322 = arith.index_cast %scan3A_12 : i32 to index
      %swap3A_1323 = arith.constant 176 : index
      %swap3A_1324 = tpu.vector_load %arg7[%swap3A_1322, %swap3A_1323] {strides = array<i32>} : memref<32x256xf32, #tpu.memory_space<vmem>>, vector<1x16xf32>,
      %swap3A_1325 = vector.shape_cast %swap3A_1324 : vector<1x16xf32> to vector<16xf32>
      %swap3A_1326 = vector.shape_cast %min3A_1316 : vector<16xf32> to vector<1x16xf32>
      tpu.vector_store %arg7[%swap3A_1322, %swap3A_1323], %swap3A_1326 {strides = array<i32>} : memref<32x256xf32, #tpu.memory_space<vmem>>, vector<1x16xf32>,
      %broadcast_in_dim3A_1327 = arith.constant 0.000000e+00 : f32
      %broadcast_in_dim3A_1328 = vector.broadcast %broadcast_in_dim3A_1327 : f32 to vector<16xf32>
      %broadcast_in_dim3A_1329 = arith.constant 0x7F800000 : f32
      %broadcast_in_dim3A_1330 = vector.broadcast %broadcast_in_dim3A_1329 : f32 to vector<16xf32>
      %get3A_1331 = arith.constant 0 : i32
      %get3A_1332 = arith.index_cast %scan3A_12 : i32 to index
      %get3A_1333 = arith.index_cast %get3A_1331 : i32 to index
      %get3A_1334 = arith.constant 192 : index
      %get3A_1335 = tpu.vector_load %arg5[%get3A_1332, %get3A_1333, %get3A_1334] {strides = array<i32>} : memref<32x8x256xf32, #tpu.memory_space<vmem>>, vector<1x1x16xf32>,
      %get3A_1336 = vector.shape_cast %get3A_1335 : vector<1x1x16xf32> to vector<16xf32>
      %neg3A_1337 = arith.constant 0.000000e+00 : f32
      %neg3A_1338 = vector.broadcast %neg3A_1337 : f32 to vector<16xf32>
      %neg3A_1339 = arith.subf %neg3A_1338, %get3A_1336 : vector<16xf32>
      %exp3A_1340 = math.exp %neg3A_1339 : vector<16xf32>
      %add3A_1341 = arith.addf %broadcast_in_dim3A_1328, %exp3A_1340 : vector<16xf32>
      %min3A_1342 = arith.minimumf %broadcast_in_dim3A_1330, %get3A_1336 : vector<16xf32>
      %get3A_1343 = arith.constant 1 : i32
      %get3A_1344 = arith.index_cast %scan3A_12 : i32 to index
      %get3A_1345 = arith.index_cast %get3A_1343 : i32 to index
      %get3A_1346 = arith.constant 192 : index
      %get3A_1347 = tpu.vector_load %arg5[%get3A_1344, %get3A_1345, %get3A_1346] {strides = array<i32>} : memref<32x8x256xf32, #tpu.memory_space<vmem>>, vector<1x1x16xf32>,
      %get3A_1348 = vector.shape_cast %get3A_1347 : vector<1x1x16xf32> to vector<16xf32>
      %neg3A_1349 = arith.constant 0.000000e+00 : f32
      %neg3A_1350 = vector.broadcast %neg3A_1349 : f32 to vector<16xf32>
      %neg3A_1351 = arith.subf %neg3A_1350, %get3A_1348 : vector<16xf32>
      %exp3A_1352 = math.exp %neg3A_1351 : vector<16xf32>
      %add3A_1353 = arith.addf %add3A_1341, %exp3A_1352 : vector<16xf32>
      %min3A_1354 = arith.minimumf %min3A_1342, %get3A_1348 : vector<16xf32>
      %get3A_1355 = arith.constant 2 : i32
      %get3A_1356 = arith.index_cast %scan3A_12 : i32 to index
      %get3A_1357 = arith.index_cast %get3A_1355 : i32 to index
      %get3A_1358 = arith.constant 192 : index
      %get3A_1359 = tpu.vector_load %arg5[%get3A_1356, %get3A_1357, %get3A_1358] {strides = array<i32>} : memref<32x8x256xf32, #tpu.memory_space<vmem>>, vector<1x1x16xf32>,
      %get3A_1360 = vector.shape_cast %get3A_1359 : vector<1x1x16xf32> to vector<16xf32>
      %neg3A_1361 = arith.constant 0.000000e+00 : f32
      %neg3A_1362 = vector.broadcast %neg3A_1361 : f32 to vector<16xf32>
      %neg3A_1363 = arith.subf %neg3A_1362, %get3A_1360 : vector<16xf32>
      %exp3A_1364 = math.exp %neg3A_1363 : vector<16xf32>
      %add3A_1365 = arith.addf %add3A_1353, %exp3A_1364 : vector<16xf32>
      %min3A_1366 = arith.minimumf %min3A_1354, %get3A_1360 : vector<16xf32>
      %get3A_1367 = arith.constant 3 : i32
      %get3A_1368 = arith.index_cast %scan3A_12 : i32 to index
      %get3A_1369 = arith.index_cast %get3A_1367 : i32 to index
      %get3A_1370 = arith.constant 192 : index
      %get3A_1371 = tpu.vector_load %arg5[%get3A_1368, %get3A_1369, %get3A_1370] {strides = array<i32>} : memref<32x8x256xf32, #tpu.memory_space<vmem>>, vector<1x1x16xf32>,
      %get3A_1372 = vector.shape_cast %get3A_1371 : vector<1x1x16xf32> to vector<16xf32>
      %neg3A_1373 = arith.constant 0.000000e+00 : f32
      %neg3A_1374 = vector.broadcast %neg3A_1373 : f32 to vector<16xf32>
      %neg3A_1375 = arith.subf %neg3A_1374, %get3A_1372 : vector<16xf32>
      %exp3A_1376 = math.exp %neg3A_1375 : vector<16xf32>
      %add3A_1377 = arith.addf %add3A_1365, %exp3A_1376 : vector<16xf32>
      %min3A_1378 = arith.minimumf %min3A_1366, %get3A_1372 : vector<16xf32>
      %get3A_1379 = arith.constant 4 : i32
      %get3A_1380 = arith.index_cast %scan3A_12 : i32 to index
      %get3A_1381 = arith.index_cast %get3A_1379 : i32 to index
      %get3A_1382 = arith.constant 192 : index
      %get3A_1383 = tpu.vector_load %arg5[%get3A_1380, %get3A_1381, %get3A_1382] {strides = array<i32>} : memref<32x8x256xf32, #tpu.memory_space<vmem>>, vector<1x1x16xf32>,
      %get3A_1384 = vector.shape_cast %get3A_1383 : vector<1x1x16xf32> to vector<16xf32>
      %neg3A_1385 = arith.constant 0.000000e+00 : f32
      %neg3A_1386 = vector.broadcast %neg3A_1385 : f32 to vector<16xf32>
      %neg3A_1387 = arith.subf %neg3A_1386, %get3A_1384 : vector<16xf32>
      %exp3A_1388 = math.exp %neg3A_1387 : vector<16xf32>
      %add3A_1389 = arith.addf %add3A_1377, %exp3A_1388 : vector<16xf32>
      %min3A_1390 = arith.minimumf %min3A_1378, %get3A_1384 : vector<16xf32>
      %get3A_1391 = arith.constant 5 : i32
      %get3A_1392 = arith.index_cast %scan3A_12 : i32 to index
      %get3A_1393 = arith.index_cast %get3A_1391 : i32 to index
      %get3A_1394 = arith.constant 192 : index
      %get3A_1395 = tpu.vector_load %arg5[%get3A_1392, %get3A_1393, %get3A_1394] {strides = array<i32>} : memref<32x8x256xf32, #tpu.memory_space<vmem>>, vector<1x1x16xf32>,
      %get3A_1396 = vector.shape_cast %get3A_1395 : vector<1x1x16xf32> to vector<16xf32>
      %neg3A_1397 = arith.constant 0.000000e+00 : f32
      %neg3A_1398 = vector.broadcast %neg3A_1397 : f32 to vector<16xf32>
      %neg3A_1399 = arith.subf %neg3A_1398, %get3A_1396 : vector<16xf32>
      %exp3A_1400 = math.exp %neg3A_1399 : vector<16xf32>
      %add3A_1401 = arith.addf %add3A_1389, %exp3A_1400 : vector<16xf32>
      %min3A_1402 = arith.minimumf %min3A_1390, %get3A_1396 : vector<16xf32>
      %get3A_1403 = arith.constant 6 : i32
      %get3A_1404 = arith.index_cast %scan3A_12 : i32 to index
      %get3A_1405 = arith.index_cast %get3A_1403 : i32 to index
      %get3A_1406 = arith.constant 192 : index
      %get3A_1407 = tpu.vector_load %arg5[%get3A_1404, %get3A_1405, %get3A_1406] {strides = array<i32>} : memref<32x8x256xf32, #tpu.memory_space<vmem>>, vector<1x1x16xf32>,
      %get3A_1408 = vector.shape_cast %get3A_1407 : vector<1x1x16xf32> to vector<16xf32>
      %neg3A_1409 = arith.constant 0.000000e+00 : f32
      %neg3A_1410 = vector.broadcast %neg3A_1409 : f32 to vector<16xf32>
      %neg3A_1411 = arith.subf %neg3A_1410, %get3A_1408 : vector<16xf32>
      %exp3A_1412 = math.exp %neg3A_1411 : vector<16xf32>
      %add3A_1413 = arith.addf %add3A_1401, %exp3A_1412 : vector<16xf32>
      %min3A_1414 = arith.minimumf %min3A_1402, %get3A_1408 : vector<16xf32>
      %get3A_1415 = arith.constant 7 : i32
      %get3A_1416 = arith.index_cast %scan3A_12 : i32 to index
      %get3A_1417 = arith.index_cast %get3A_1415 : i32 to index
      %get3A_1418 = arith.constant 192 : index
      %get3A_1419 = tpu.vector_load %arg5[%get3A_1416, %get3A_1417, %get3A_1418] {strides = array<i32>} : memref<32x8x256xf32, #tpu.memory_space<vmem>>, vector<1x1x16xf32>,
      %get3A_1420 = vector.shape_cast %get3A_1419 : vector<1x1x16xf32> to vector<16xf32>
      %neg3A_1421 = arith.constant 0.000000e+00 : f32
      %neg3A_1422 = vector.broadcast %neg3A_1421 : f32 to vector<16xf32>
      %neg3A_1423 = arith.subf %neg3A_1422, %get3A_1420 : vector<16xf32>
      %exp3A_1424 = math.exp %neg3A_1423 : vector<16xf32>
      %add3A_1425 = arith.addf %add3A_1413, %exp3A_1424 : vector<16xf32>
      %min3A_1426 = arith.minimumf %min3A_1414, %get3A_1420 : vector<16xf32>
      %swap3A_1427 = arith.index_cast %scan3A_12 : i32 to index
      %swap3A_1428 = arith.constant 192 : index
      %swap3A_1429 = tpu.vector_load %arg6[%swap3A_1427, %swap3A_1428] {strides = array<i32>} : memref<32x256xf32, #tpu.memory_space<vmem>>, vector<1x16xf32>,
      %swap3A_1430 = vector.shape_cast %swap3A_1429 : vector<1x16xf32> to vector<16xf32>
      %swap3A_1431 = vector.shape_cast %add3A_1425 : vector<16xf32> to vector<1x16xf32>
      tpu.vector_store %arg6[%swap3A_1427, %swap3A_1428], %swap3A_1431 {strides = array<i32>} : memref<32x256xf32, #tpu.memory_space<vmem>>, vector<1x16xf32>,
      %swap3A_1432 = arith.index_cast %scan3A_12 : i32 to index
      %swap3A_1433 = arith.constant 192 : index
      %swap3A_1434 = tpu.vector_load %arg7[%swap3A_1432, %swap3A_1433] {strides = array<i32>} : memref<32x256xf32, #tpu.memory_space<vmem>>, vector<1x16xf32>,
      %swap3A_1435 = vector.shape_cast %swap3A_1434 : vector<1x16xf32> to vector<16xf32>
      %swap3A_1436 = vector.shape_cast %min3A_1426 : vector<16xf32> to vector<1x16xf32>
      tpu.vector_store %arg7[%swap3A_1432, %swap3A_1433], %swap3A_1436 {strides = array<i32>} : memref<32x256xf32, #tpu.memory_space<vmem>>, vector<1x16xf32>,
      %broadcast_in_dim3A_1437 = arith.constant 0.000000e+00 : f32
      %broadcast_in_dim3A_1438 = vector.broadcast %broadcast_in_dim3A_1437 : f32 to vector<16xf32>
      %broadcast_in_dim3A_1439 = arith.constant 0x7F800000 : f32
      %broadcast_in_dim3A_1440 = vector.broadcast %broadcast_in_dim3A_1439 : f32 to vector<16xf32>
      %get3A_1441 = arith.constant 0 : i32
      %get3A_1442 = arith.index_cast %scan3A_12 : i32 to index
      %get3A_1443 = arith.index_cast %get3A_1441 : i32 to index
      %get3A_1444 = arith.constant 208 : index
      %get3A_1445 = tpu.vector_load %arg5[%get3A_1442, %get3A_1443, %get3A_1444] {strides = array<i32>} : memref<32x8x256xf32, #tpu.memory_space<vmem>>, vector<1x1x16xf32>,
      %get3A_1446 = vector.shape_cast %get3A_1445 : vector<1x1x16xf32> to vector<16xf32>
      %neg3A_1447 = arith.constant 0.000000e+00 : f32
      %neg3A_1448 = vector.broadcast %neg3A_1447 : f32 to vector<16xf32>
      %neg3A_1449 = arith.subf %neg3A_1448, %get3A_1446 : vector<16xf32>
      %exp3A_1450 = math.exp %neg3A_1449 : vector<16xf32>
      %add3A_1451 = arith.addf %broadcast_in_dim3A_1438, %exp3A_1450 : vector<16xf32>
      %min3A_1452 = arith.minimumf %broadcast_in_dim3A_1440, %get3A_1446 : vector<16xf32>
      %get3A_1453 = arith.constant 1 : i32
      %get3A_1454 = arith.index_cast %scan3A_12 : i32 to index
      %get3A_1455 = arith.index_cast %get3A_1453 : i32 to index
      %get3A_1456 = arith.constant 208 : index
      %get3A_1457 = tpu.vector_load %arg5[%get3A_1454, %get3A_1455, %get3A_1456] {strides = array<i32>} : memref<32x8x256xf32, #tpu.memory_space<vmem>>, vector<1x1x16xf32>,
      %get3A_1458 = vector.shape_cast %get3A_1457 : vector<1x1x16xf32> to vector<16xf32>
      %neg3A_1459 = arith.constant 0.000000e+00 : f32
      %neg3A_1460 = vector.broadcast %neg3A_1459 : f32 to vector<16xf32>
      %neg3A_1461 = arith.subf %neg3A_1460, %get3A_1458 : vector<16xf32>
      %exp3A_1462 = math.exp %neg3A_1461 : vector<16xf32>
      %add3A_1463 = arith.addf %add3A_1451, %exp3A_1462 : vector<16xf32>
      %min3A_1464 = arith.minimumf %min3A_1452, %get3A_1458 : vector<16xf32>
      %get3A_1465 = arith.constant 2 : i32
      %get3A_1466 = arith.index_cast %scan3A_12 : i32 to index
      %get3A_1467 = arith.index_cast %get3A_1465 : i32 to index
      %get3A_1468 = arith.constant 208 : index
      %get3A_1469 = tpu.vector_load %arg5[%get3A_1466, %get3A_1467, %get3A_1468] {strides = array<i32>} : memref<32x8x256xf32, #tpu.memory_space<vmem>>, vector<1x1x16xf32>,
      %get3A_1470 = vector.shape_cast %get3A_1469 : vector<1x1x16xf32> to vector<16xf32>
      %neg3A_1471 = arith.constant 0.000000e+00 : f32
      %neg3A_1472 = vector.broadcast %neg3A_1471 : f32 to vector<16xf32>
      %neg3A_1473 = arith.subf %neg3A_1472, %get3A_1470 : vector<16xf32>
      %exp3A_1474 = math.exp %neg3A_1473 : vector<16xf32>
      %add3A_1475 = arith.addf %add3A_1463, %exp3A_1474 : vector<16xf32>
      %min3A_1476 = arith.minimumf %min3A_1464, %get3A_1470 : vector<16xf32>
      %get3A_1477 = arith.constant 3 : i32
      %get3A_1478 = arith.index_cast %scan3A_12 : i32 to index
      %get3A_1479 = arith.index_cast %get3A_1477 : i32 to index
      %get3A_1480 = arith.constant 208 : index
      %get3A_1481 = tpu.vector_load %arg5[%get3A_1478, %get3A_1479, %get3A_1480] {strides = array<i32>} : memref<32x8x256xf32, #tpu.memory_space<vmem>>, vector<1x1x16xf32>,
      %get3A_1482 = vector.shape_cast %get3A_1481 : vector<1x1x16xf32> to vector<16xf32>
      %neg3A_1483 = arith.constant 0.000000e+00 : f32
      %neg3A_1484 = vector.broadcast %neg3A_1483 : f32 to vector<16xf32>
      %neg3A_1485 = arith.subf %neg3A_1484, %get3A_1482 : vector<16xf32>
      %exp3A_1486 = math.exp %neg3A_1485 : vector<16xf32>
      %add3A_1487 = arith.addf %add3A_1475, %exp3A_1486 : vector<16xf32>
      %min3A_1488 = arith.minimumf %min3A_1476, %get3A_1482 : vector<16xf32>
      %get3A_1489 = arith.constant 4 : i32
      %get3A_1490 = arith.index_cast %scan3A_12 : i32 to index
      %get3A_1491 = arith.index_cast %get3A_1489 : i32 to index
      %get3A_1492 = arith.constant 208 : index
      %get3A_1493 = tpu.vector_load %arg5[%get3A_1490, %get3A_1491, %get3A_1492] {strides = array<i32>} : memref<32x8x256xf32, #tpu.memory_space<vmem>>, vector<1x1x16xf32>,
      %get3A_1494 = vector.shape_cast %get3A_1493 : vector<1x1x16xf32> to vector<16xf32>
      %neg3A_1495 = arith.constant 0.000000e+00 : f32
      %neg3A_1496 = vector.broadcast %neg3A_1495 : f32 to vector<16xf32>
      %neg3A_1497 = arith.subf %neg3A_1496, %get3A_1494 : vector<16xf32>
      %exp3A_1498 = math.exp %neg3A_1497 : vector<16xf32>
      %add3A_1499 = arith.addf %add3A_1487, %exp3A_1498 : vector<16xf32>
      %min3A_1500 = arith.minimumf %min3A_1488, %get3A_1494 : vector<16xf32>
      %get3A_1501 = arith.constant 5 : i32
      %get3A_1502 = arith.index_cast %scan3A_12 : i32 to index
      %get3A_1503 = arith.index_cast %get3A_1501 : i32 to index
      %get3A_1504 = arith.constant 208 : index
      %get3A_1505 = tpu.vector_load %arg5[%get3A_1502, %get3A_1503, %get3A_1504] {strides = array<i32>} : memref<32x8x256xf32, #tpu.memory_space<vmem>>, vector<1x1x16xf32>,
      %get3A_1506 = vector.shape_cast %get3A_1505 : vector<1x1x16xf32> to vector<16xf32>
      %neg3A_1507 = arith.constant 0.000000e+00 : f32
      %neg3A_1508 = vector.broadcast %neg3A_1507 : f32 to vector<16xf32>
      %neg3A_1509 = arith.subf %neg3A_1508, %get3A_1506 : vector<16xf32>
      %exp3A_1510 = math.exp %neg3A_1509 : vector<16xf32>
      %add3A_1511 = arith.addf %add3A_1499, %exp3A_1510 : vector<16xf32>
      %min3A_1512 = arith.minimumf %min3A_1500, %get3A_1506 : vector<16xf32>
      %get3A_1513 = arith.constant 6 : i32
      %get3A_1514 = arith.index_cast %scan3A_12 : i32 to index
      %get3A_1515 = arith.index_cast %get3A_1513 : i32 to index
      %get3A_1516 = arith.constant 208 : index
      %get3A_1517 = tpu.vector_load %arg5[%get3A_1514, %get3A_1515, %get3A_1516] {strides = array<i32>} : memref<32x8x256xf32, #tpu.memory_space<vmem>>, vector<1x1x16xf32>,
      %get3A_1518 = vector.shape_cast %get3A_1517 : vector<1x1x16xf32> to vector<16xf32>
      %neg3A_1519 = arith.constant 0.000000e+00 : f32
      %neg3A_1520 = vector.broadcast %neg3A_1519 : f32 to vector<16xf32>
      %neg3A_1521 = arith.subf %neg3A_1520, %get3A_1518 : vector<16xf32>
      %exp3A_1522 = math.exp %neg3A_1521 : vector<16xf32>
      %add3A_1523 = arith.addf %add3A_1511, %exp3A_1522 : vector<16xf32>
      %min3A_1524 = arith.minimumf %min3A_1512, %get3A_1518 : vector<16xf32>
      %get3A_1525 = arith.constant 7 : i32
      %get3A_1526 = arith.index_cast %scan3A_12 : i32 to index
      %get3A_1527 = arith.index_cast %get3A_1525 : i32 to index
      %get3A_1528 = arith.constant 208 : index
      %get3A_1529 = tpu.vector_load %arg5[%get3A_1526, %get3A_1527, %get3A_1528] {strides = array<i32>} : memref<32x8x256xf32, #tpu.memory_space<vmem>>, vector<1x1x16xf32>,
      %get3A_1530 = vector.shape_cast %get3A_1529 : vector<1x1x16xf32> to vector<16xf32>
      %neg3A_1531 = arith.constant 0.000000e+00 : f32
      %neg3A_1532 = vector.broadcast %neg3A_1531 : f32 to vector<16xf32>
      %neg3A_1533 = arith.subf %neg3A_1532, %get3A_1530 : vector<16xf32>
      %exp3A_1534 = math.exp %neg3A_1533 : vector<16xf32>
      %add3A_1535 = arith.addf %add3A_1523, %exp3A_1534 : vector<16xf32>
      %min3A_1536 = arith.minimumf %min3A_1524, %get3A_1530 : vector<16xf32>
      %swap3A_1537 = arith.index_cast %scan3A_12 : i32 to index
      %swap3A_1538 = arith.constant 208 : index
      %swap3A_1539 = tpu.vector_load %arg6[%swap3A_1537, %swap3A_1538] {strides = array<i32>} : memref<32x256xf32, #tpu.memory_space<vmem>>, vector<1x16xf32>,
      %swap3A_1540 = vector.shape_cast %swap3A_1539 : vector<1x16xf32> to vector<16xf32>
      %swap3A_1541 = vector.shape_cast %add3A_1535 : vector<16xf32> to vector<1x16xf32>
      tpu.vector_store %arg6[%swap3A_1537, %swap3A_1538], %swap3A_1541 {strides = array<i32>} : memref<32x256xf32, #tpu.memory_space<vmem>>, vector<1x16xf32>,
      %swap3A_1542 = arith.index_cast %scan3A_12 : i32 to index
      %swap3A_1543 = arith.constant 208 : index
      %swap3A_1544 = tpu.vector_load %arg7[%swap3A_1542, %swap3A_1543] {strides = array<i32>} : memref<32x256xf32, #tpu.memory_space<vmem>>, vector<1x16xf32>,
      %swap3A_1545 = vector.shape_cast %swap3A_1544 : vector<1x16xf32> to vector<16xf32>
      %swap3A_1546 = vector.shape_cast %min3A_1536 : vector<16xf32> to vector<1x16xf32>
      tpu.vector_store %arg7[%swap3A_1542, %swap3A_1543], %swap3A_1546 {strides = array<i32>} : memref<32x256xf32, #tpu.memory_space<vmem>>, vector<1x16xf32>,
      %broadcast_in_dim3A_1547 = arith.constant 0.000000e+00 : f32
      %broadcast_in_dim3A_1548 = vector.broadcast %broadcast_in_dim3A_1547 : f32 to vector<16xf32>
      %broadcast_in_dim3A_1549 = arith.constant 0x7F800000 : f32
      %broadcast_in_dim3A_1550 = vector.broadcast %broadcast_in_dim3A_1549 : f32 to vector<16xf32>
      %get3A_1551 = arith.constant 0 : i32
      %get3A_1552 = arith.index_cast %scan3A_12 : i32 to index
      %get3A_1553 = arith.index_cast %get3A_1551 : i32 to index
      %get3A_1554 = arith.constant 224 : index
      %get3A_1555 = tpu.vector_load %arg5[%get3A_1552, %get3A_1553, %get3A_1554] {strides = array<i32>} : memref<32x8x256xf32, #tpu.memory_space<vmem>>, vector<1x1x16xf32>,
      %get3A_1556 = vector.shape_cast %get3A_1555 : vector<1x1x16xf32> to vector<16xf32>
      %neg3A_1557 = arith.constant 0.000000e+00 : f32
      %neg3A_1558 = vector.broadcast %neg3A_1557 : f32 to vector<16xf32>
      %neg3A_1559 = arith.subf %neg3A_1558, %get3A_1556 : vector<16xf32>
      %exp3A_1560 = math.exp %neg3A_1559 : vector<16xf32>
      %add3A_1561 = arith.addf %broadcast_in_dim3A_1548, %exp3A_1560 : vector<16xf32>
      %min3A_1562 = arith.minimumf %broadcast_in_dim3A_1550, %get3A_1556 : vector<16xf32>
      %get3A_1563 = arith.constant 1 : i32
      %get3A_1564 = arith.index_cast %scan3A_12 : i32 to index
      %get3A_1565 = arith.index_cast %get3A_1563 : i32 to index
      %get3A_1566 = arith.constant 224 : index
      %get3A_1567 = tpu.vector_load %arg5[%get3A_1564, %get3A_1565, %get3A_1566] {strides = array<i32>} : memref<32x8x256xf32, #tpu.memory_space<vmem>>, vector<1x1x16xf32>,
      %get3A_1568 = vector.shape_cast %get3A_1567 : vector<1x1x16xf32> to vector<16xf32>
      %neg3A_1569 = arith.constant 0.000000e+00 : f32
      %neg3A_1570 = vector.broadcast %neg3A_1569 : f32 to vector<16xf32>
      %neg3A_1571 = arith.subf %neg3A_1570, %get3A_1568 : vector<16xf32>
      %exp3A_1572 = math.exp %neg3A_1571 : vector<16xf32>
      %add3A_1573 = arith.addf %add3A_1561, %exp3A_1572 : vector<16xf32>
      %min3A_1574 = arith.minimumf %min3A_1562, %get3A_1568 : vector<16xf32>
      %get3A_1575 = arith.constant 2 : i32
      %get3A_1576 = arith.index_cast %scan3A_12 : i32 to index
      %get3A_1577 = arith.index_cast %get3A_1575 : i32 to index
      %get3A_1578 = arith.constant 224 : index
      %get3A_1579 = tpu.vector_load %arg5[%get3A_1576, %get3A_1577, %get3A_1578] {strides = array<i32>} : memref<32x8x256xf32, #tpu.memory_space<vmem>>, vector<1x1x16xf32>,
      %get3A_1580 = vector.shape_cast %get3A_1579 : vector<1x1x16xf32> to vector<16xf32>
      %neg3A_1581 = arith.constant 0.000000e+00 : f32
      %neg3A_1582 = vector.broadcast %neg3A_1581 : f32 to vector<16xf32>
      %neg3A_1583 = arith.subf %neg3A_1582, %get3A_1580 : vector<16xf32>
      %exp3A_1584 = math.exp %neg3A_1583 : vector<16xf32>
      %add3A_1585 = arith.addf %add3A_1573, %exp3A_1584 : vector<16xf32>
      %min3A_1586 = arith.minimumf %min3A_1574, %get3A_1580 : vector<16xf32>
      %get3A_1587 = arith.constant 3 : i32
      %get3A_1588 = arith.index_cast %scan3A_12 : i32 to index
      %get3A_1589 = arith.index_cast %get3A_1587 : i32 to index
      %get3A_1590 = arith.constant 224 : index
      %get3A_1591 = tpu.vector_load %arg5[%get3A_1588, %get3A_1589, %get3A_1590] {strides = array<i32>} : memref<32x8x256xf32, #tpu.memory_space<vmem>>, vector<1x1x16xf32>,
      %get3A_1592 = vector.shape_cast %get3A_1591 : vector<1x1x16xf32> to vector<16xf32>
      %neg3A_1593 = arith.constant 0.000000e+00 : f32
      %neg3A_1594 = vector.broadcast %neg3A_1593 : f32 to vector<16xf32>
      %neg3A_1595 = arith.subf %neg3A_1594, %get3A_1592 : vector<16xf32>
      %exp3A_1596 = math.exp %neg3A_1595 : vector<16xf32>
      %add3A_1597 = arith.addf %add3A_1585, %exp3A_1596 : vector<16xf32>
      %min3A_1598 = arith.minimumf %min3A_1586, %get3A_1592 : vector<16xf32>
      %get3A_1599 = arith.constant 4 : i32
      %get3A_1600 = arith.index_cast %scan3A_12 : i32 to index
      %get3A_1601 = arith.index_cast %get3A_1599 : i32 to index
      %get3A_1602 = arith.constant 224 : index
      %get3A_1603 = tpu.vector_load %arg5[%get3A_1600, %get3A_1601, %get3A_1602] {strides = array<i32>} : memref<32x8x256xf32, #tpu.memory_space<vmem>>, vector<1x1x16xf32>,
      %get3A_1604 = vector.shape_cast %get3A_1603 : vector<1x1x16xf32> to vector<16xf32>
      %neg3A_1605 = arith.constant 0.000000e+00 : f32
      %neg3A_1606 = vector.broadcast %neg3A_1605 : f32 to vector<16xf32>
      %neg3A_1607 = arith.subf %neg3A_1606, %get3A_1604 : vector<16xf32>
      %exp3A_1608 = math.exp %neg3A_1607 : vector<16xf32>
      %add3A_1609 = arith.addf %add3A_1597, %exp3A_1608 : vector<16xf32>
      %min3A_1610 = arith.minimumf %min3A_1598, %get3A_1604 : vector<16xf32>
      %get3A_1611 = arith.constant 5 : i32
      %get3A_1612 = arith.index_cast %scan3A_12 : i32 to index
      %get3A_1613 = arith.index_cast %get3A_1611 : i32 to index
      %get3A_1614 = arith.constant 224 : index
      %get3A_1615 = tpu.vector_load %arg5[%get3A_1612, %get3A_1613, %get3A_1614] {strides = array<i32>} : memref<32x8x256xf32, #tpu.memory_space<vmem>>, vector<1x1x16xf32>,
      %get3A_1616 = vector.shape_cast %get3A_1615 : vector<1x1x16xf32> to vector<16xf32>
      %neg3A_1617 = arith.constant 0.000000e+00 : f32
      %neg3A_1618 = vector.broadcast %neg3A_1617 : f32 to vector<16xf32>
      %neg3A_1619 = arith.subf %neg3A_1618, %get3A_1616 : vector<16xf32>
      %exp3A_1620 = math.exp %neg3A_1619 : vector<16xf32>
      %add3A_1621 = arith.addf %add3A_1609, %exp3A_1620 : vector<16xf32>
      %min3A_1622 = arith.minimumf %min3A_1610, %get3A_1616 : vector<16xf32>
      %get3A_1623 = arith.constant 6 : i32
      %get3A_1624 = arith.index_cast %scan3A_12 : i32 to index
      %get3A_1625 = arith.index_cast %get3A_1623 : i32 to index
      %get3A_1626 = arith.constant 224 : index
      %get3A_1627 = tpu.vector_load %arg5[%get3A_1624, %get3A_1625, %get3A_1626] {strides = array<i32>} : memref<32x8x256xf32, #tpu.memory_space<vmem>>, vector<1x1x16xf32>,
      %get3A_1628 = vector.shape_cast %get3A_1627 : vector<1x1x16xf32> to vector<16xf32>
      %neg3A_1629 = arith.constant 0.000000e+00 : f32
      %neg3A_1630 = vector.broadcast %neg3A_1629 : f32 to vector<16xf32>
      %neg3A_1631 = arith.subf %neg3A_1630, %get3A_1628 : vector<16xf32>
      %exp3A_1632 = math.exp %neg3A_1631 : vector<16xf32>
      %add3A_1633 = arith.addf %add3A_1621, %exp3A_1632 : vector<16xf32>
      %min3A_1634 = arith.minimumf %min3A_1622, %get3A_1628 : vector<16xf32>
      %get3A_1635 = arith.constant 7 : i32
      %get3A_1636 = arith.index_cast %scan3A_12 : i32 to index
      %get3A_1637 = arith.index_cast %get3A_1635 : i32 to index
      %get3A_1638 = arith.constant 224 : index
      %get3A_1639 = tpu.vector_load %arg5[%get3A_1636, %get3A_1637, %get3A_1638] {strides = array<i32>} : memref<32x8x256xf32, #tpu.memory_space<vmem>>, vector<1x1x16xf32>,
      %get3A_1640 = vector.shape_cast %get3A_1639 : vector<1x1x16xf32> to vector<16xf32>
      %neg3A_1641 = arith.constant 0.000000e+00 : f32
      %neg3A_1642 = vector.broadcast %neg3A_1641 : f32 to vector<16xf32>
      %neg3A_1643 = arith.subf %neg3A_1642, %get3A_1640 : vector<16xf32>
      %exp3A_1644 = math.exp %neg3A_1643 : vector<16xf32>
      %add3A_1645 = arith.addf %add3A_1633, %exp3A_1644 : vector<16xf32>
      %min3A_1646 = arith.minimumf %min3A_1634, %get3A_1640 : vector<16xf32>
      %swap3A_1647 = arith.index_cast %scan3A_12 : i32 to index
      %swap3A_1648 = arith.constant 224 : index
      %swap3A_1649 = tpu.vector_load %arg6[%swap3A_1647, %swap3A_1648] {strides = array<i32>} : memref<32x256xf32, #tpu.memory_space<vmem>>, vector<1x16xf32>,
      %swap3A_1650 = vector.shape_cast %swap3A_1649 : vector<1x16xf32> to vector<16xf32>
      %swap3A_1651 = vector.shape_cast %add3A_1645 : vector<16xf32> to vector<1x16xf32>
      tpu.vector_store %arg6[%swap3A_1647, %swap3A_1648], %swap3A_1651 {strides = array<i32>} : memref<32x256xf32, #tpu.memory_space<vmem>>, vector<1x16xf32>,
      %swap3A_1652 = arith.index_cast %scan3A_12 : i32 to index
      %swap3A_1653 = arith.constant 224 : index
      %swap3A_1654 = tpu.vector_load %arg7[%swap3A_1652, %swap3A_1653] {strides = array<i32>} : memref<32x256xf32, #tpu.memory_space<vmem>>, vector<1x16xf32>,
      %swap3A_1655 = vector.shape_cast %swap3A_1654 : vector<1x16xf32> to vector<16xf32>
      %swap3A_1656 = vector.shape_cast %min3A_1646 : vector<16xf32> to vector<1x16xf32>
      tpu.vector_store %arg7[%swap3A_1652, %swap3A_1653], %swap3A_1656 {strides = array<i32>} : memref<32x256xf32, #tpu.memory_space<vmem>>, vector<1x16xf32>,
      %broadcast_in_dim3A_1657 = arith.constant 0.000000e+00 : f32
      %broadcast_in_dim3A_1658 = vector.broadcast %broadcast_in_dim3A_1657 : f32 to vector<16xf32>
      %broadcast_in_dim3A_1659 = arith.constant 0x7F800000 : f32
      %broadcast_in_dim3A_1660 = vector.broadcast %broadcast_in_dim3A_1659 : f32 to vector<16xf32>
      %get3A_1661 = arith.constant 0 : i32
      %get3A_1662 = arith.index_cast %scan3A_12 : i32 to index
      %get3A_1663 = arith.index_cast %get3A_1661 : i32 to index
      %get3A_1664 = arith.constant 240 : index
      %get3A_1665 = tpu.vector_load %arg5[%get3A_1662, %get3A_1663, %get3A_1664] {strides = array<i32>} : memref<32x8x256xf32, #tpu.memory_space<vmem>>, vector<1x1x16xf32>,
      %get3A_1666 = vector.shape_cast %get3A_1665 : vector<1x1x16xf32> to vector<16xf32>
      %neg3A_1667 = arith.constant 0.000000e+00 : f32
      %neg3A_1668 = vector.broadcast %neg3A_1667 : f32 to vector<16xf32>
      %neg3A_1669 = arith.subf %neg3A_1668, %get3A_1666 : vector<16xf32>
      %exp3A_1670 = math.exp %neg3A_1669 : vector<16xf32>
      %add3A_1671 = arith.addf %broadcast_in_dim3A_1658, %exp3A_1670 : vector<16xf32>
      %min3A_1672 = arith.minimumf %broadcast_in_dim3A_1660, %get3A_1666 : vector<16xf32>
      %get3A_1673 = arith.constant 1 : i32
      %get3A_1674 = arith.index_cast %scan3A_12 : i32 to index
      %get3A_1675 = arith.index_cast %get3A_1673 : i32 to index
      %get3A_1676 = arith.constant 240 : index
      %get3A_1677 = tpu.vector_load %arg5[%get3A_1674, %get3A_1675, %get3A_1676] {strides = array<i32>} : memref<32x8x256xf32, #tpu.memory_space<vmem>>, vector<1x1x16xf32>,
      %get3A_1678 = vector.shape_cast %get3A_1677 : vector<1x1x16xf32> to vector<16xf32>
      %neg3A_1679 = arith.constant 0.000000e+00 : f32
      %neg3A_1680 = vector.broadcast %neg3A_1679 : f32 to vector<16xf32>
      %neg3A_1681 = arith.subf %neg3A_1680, %get3A_1678 : vector<16xf32>
      %exp3A_1682 = math.exp %neg3A_1681 : vector<16xf32>
      %add3A_1683 = arith.addf %add3A_1671, %exp3A_1682 : vector<16xf32>
      %min3A_1684 = arith.minimumf %min3A_1672, %get3A_1678 : vector<16xf32>
      %get3A_1685 = arith.constant 2 : i32
      %get3A_1686 = arith.index_cast %scan3A_12 : i32 to index
      %get3A_1687 = arith.index_cast %get3A_1685 : i32 to index
      %get3A_1688 = arith.constant 240 : index
      %get3A_1689 = tpu.vector_load %arg5[%get3A_1686, %get3A_1687, %get3A_1688] {strides = array<i32>} : memref<32x8x256xf32, #tpu.memory_space<vmem>>, vector<1x1x16xf32>,
      %get3A_1690 = vector.shape_cast %get3A_1689 : vector<1x1x16xf32> to vector<16xf32>
      %neg3A_1691 = arith.constant 0.000000e+00 : f32
      %neg3A_1692 = vector.broadcast %neg3A_1691 : f32 to vector<16xf32>
      %neg3A_1693 = arith.subf %neg3A_1692, %get3A_1690 : vector<16xf32>
      %exp3A_1694 = math.exp %neg3A_1693 : vector<16xf32>
      %add3A_1695 = arith.addf %add3A_1683, %exp3A_1694 : vector<16xf32>
      %min3A_1696 = arith.minimumf %min3A_1684, %get3A_1690 : vector<16xf32>
      %get3A_1697 = arith.constant 3 : i32
      %get3A_1698 = arith.index_cast %scan3A_12 : i32 to index
      %get3A_1699 = arith.index_cast %get3A_1697 : i32 to index
      %get3A_1700 = arith.constant 240 : index
      %get3A_1701 = tpu.vector_load %arg5[%get3A_1698, %get3A_1699, %get3A_1700] {strides = array<i32>} : memref<32x8x256xf32, #tpu.memory_space<vmem>>, vector<1x1x16xf32>,
      %get3A_1702 = vector.shape_cast %get3A_1701 : vector<1x1x16xf32> to vector<16xf32>
      %neg3A_1703 = arith.constant 0.000000e+00 : f32
      %neg3A_1704 = vector.broadcast %neg3A_1703 : f32 to vector<16xf32>
      %neg3A_1705 = arith.subf %neg3A_1704, %get3A_1702 : vector<16xf32>
      %exp3A_1706 = math.exp %neg3A_1705 : vector<16xf32>
      %add3A_1707 = arith.addf %add3A_1695, %exp3A_1706 : vector<16xf32>
      %min3A_1708 = arith.minimumf %min3A_1696, %get3A_1702 : vector<16xf32>
      %get3A_1709 = arith.constant 4 : i32
      %get3A_1710 = arith.index_cast %scan3A_12 : i32 to index
      %get3A_1711 = arith.index_cast %get3A_1709 : i32 to index
      %get3A_1712 = arith.constant 240 : index
      %get3A_1713 = tpu.vector_load %arg5[%get3A_1710, %get3A_1711, %get3A_1712] {strides = array<i32>} : memref<32x8x256xf32, #tpu.memory_space<vmem>>, vector<1x1x16xf32>,
      %get3A_1714 = vector.shape_cast %get3A_1713 : vector<1x1x16xf32> to vector<16xf32>
      %neg3A_1715 = arith.constant 0.000000e+00 : f32
      %neg3A_1716 = vector.broadcast %neg3A_1715 : f32 to vector<16xf32>
      %neg3A_1717 = arith.subf %neg3A_1716, %get3A_1714 : vector<16xf32>
      %exp3A_1718 = math.exp %neg3A_1717 : vector<16xf32>
      %add3A_1719 = arith.addf %add3A_1707, %exp3A_1718 : vector<16xf32>
      %min3A_1720 = arith.minimumf %min3A_1708, %get3A_1714 : vector<16xf32>
      %get3A_1721 = arith.constant 5 : i32
      %get3A_1722 = arith.index_cast %scan3A_12 : i32 to index
      %get3A_1723 = arith.index_cast %get3A_1721 : i32 to index
      %get3A_1724 = arith.constant 240 : index
      %get3A_1725 = tpu.vector_load %arg5[%get3A_1722, %get3A_1723, %get3A_1724] {strides = array<i32>} : memref<32x8x256xf32, #tpu.memory_space<vmem>>, vector<1x1x16xf32>,
      %get3A_1726 = vector.shape_cast %get3A_1725 : vector<1x1x16xf32> to vector<16xf32>
      %neg3A_1727 = arith.constant 0.000000e+00 : f32
      %neg3A_1728 = vector.broadcast %neg3A_1727 : f32 to vector<16xf32>
      %neg3A_1729 = arith.subf %neg3A_1728, %get3A_1726 : vector<16xf32>
      %exp3A_1730 = math.exp %neg3A_1729 : vector<16xf32>
      %add3A_1731 = arith.addf %add3A_1719, %exp3A_1730 : vector<16xf32>
      %min3A_1732 = arith.minimumf %min3A_1720, %get3A_1726 : vector<16xf32>
      %get3A_1733 = arith.constant 6 : i32
      %get3A_1734 = arith.index_cast %scan3A_12 : i32 to index
      %get3A_1735 = arith.index_cast %get3A_1733 : i32 to index
      %get3A_1736 = arith.constant 240 : index
      %get3A_1737 = tpu.vector_load %arg5[%get3A_1734, %get3A_1735, %get3A_1736] {strides = array<i32>} : memref<32x8x256xf32, #tpu.memory_space<vmem>>, vector<1x1x16xf32>,
      %get3A_1738 = vector.shape_cast %get3A_1737 : vector<1x1x16xf32> to vector<16xf32>
      %neg3A_1739 = arith.constant 0.000000e+00 : f32
      %neg3A_1740 = vector.broadcast %neg3A_1739 : f32 to vector<16xf32>
      %neg3A_1741 = arith.subf %neg3A_1740, %get3A_1738 : vector<16xf32>
      %exp3A_1742 = math.exp %neg3A_1741 : vector<16xf32>
      %add3A_1743 = arith.addf %add3A_1731, %exp3A_1742 : vector<16xf32>
      %min3A_1744 = arith.minimumf %min3A_1732, %get3A_1738 : vector<16xf32>
      %get3A_1745 = arith.constant 7 : i32
      %get3A_1746 = arith.index_cast %scan3A_12 : i32 to index
      %get3A_1747 = arith.index_cast %get3A_1745 : i32 to index
      %get3A_1748 = arith.constant 240 : index
      %get3A_1749 = tpu.vector_load %arg5[%get3A_1746, %get3A_1747, %get3A_1748] {strides = array<i32>} : memref<32x8x256xf32, #tpu.memory_space<vmem>>, vector<1x1x16xf32>,
      %get3A_1750 = vector.shape_cast %get3A_1749 : vector<1x1x16xf32> to vector<16xf32>
      %neg3A_1751 = arith.constant 0.000000e+00 : f32
      %neg3A_1752 = vector.broadcast %neg3A_1751 : f32 to vector<16xf32>
      %neg3A_1753 = arith.subf %neg3A_1752, %get3A_1750 : vector<16xf32>
      %exp3A_1754 = math.exp %neg3A_1753 : vector<16xf32>
      %add3A_1755 = arith.addf %add3A_1743, %exp3A_1754 : vector<16xf32>
      %min3A_1756 = arith.minimumf %min3A_1744, %get3A_1750 : vector<16xf32>
      %swap3A_1757 = arith.index_cast %scan3A_12 : i32 to index
      %swap3A_1758 = arith.constant 240 : index
      %swap3A_1759 = tpu.vector_load %arg6[%swap3A_1757, %swap3A_1758] {strides = array<i32>} : memref<32x256xf32, #tpu.memory_space<vmem>>, vector<1x16xf32>,
      %swap3A_1760 = vector.shape_cast %swap3A_1759 : vector<1x16xf32> to vector<16xf32>
      %swap3A_1761 = vector.shape_cast %add3A_1755 : vector<16xf32> to vector<1x16xf32>
      tpu.vector_store %arg6[%swap3A_1757, %swap3A_1758], %swap3A_1761 {strides = array<i32>} : memref<32x256xf32, #tpu.memory_space<vmem>>, vector<1x16xf32>,
      %swap3A_1762 = arith.index_cast %scan3A_12 : i32 to index
      %swap3A_1763 = arith.constant 240 : index
      %swap3A_1764 = tpu.vector_load %arg7[%swap3A_1762, %swap3A_1763] {strides = array<i32>} : memref<32x256xf32, #tpu.memory_space<vmem>>, vector<1x16xf32>,
      %swap3A_1765 = vector.shape_cast %swap3A_1764 : vector<1x16xf32> to vector<16xf32>
      %swap3A_1766 = vector.shape_cast %min3A_1756 : vector<16xf32> to vector<1x16xf32>
      tpu.vector_store %arg7[%swap3A_1762, %swap3A_1763], %swap3A_1766 {strides = array<i32>} : memref<32x256xf32, #tpu.memory_space<vmem>>, vector<1x16xf32>,
    }
    %scan3A_11 = arith.constant 32 : i32
    "tpu.region"() ({
      %run_scoped3A = tpu.sem_alloc : memref<!tpu.dma_semaphore, #tpu.memory_space<semaphore_mem>>
      %dma_start3A = arith.constant 0 : i32
      %dma_start3A_12 = tpu.memref_slice %arg3[%mul3A_6, %dma_start3A] : memref<1024x256xf32, #tpu.memory_space<hbm>> -> memref<32x256xf32, #tpu.memory_space<hbm>>
      %dma_start3A_13 = arith.constant 0 : i32
      %dma_start3A_14 = tpu.memref_slice %arg3[%mul3A_6, %dma_start3A_13] : memref<1024x256xf32, #tpu.memory_space<hbm>> -> memref<32x256xf32, #tpu.memory_space<hbm>>
      tpu.enqueue_dma source(%arg6 : memref<32x256xf32, #tpu.memory_space<vmem>>) target(%dma_start3A_14 : memref<32x256xf32, #tpu.memory_space<hbm>>) target_semaphore(%run_scoped3A : memref<!tpu.dma_semaphore, #tpu.memory_space<semaphore_mem>>)
      %dma_wait3A = arith.constant 0 : i32
      %dma_wait3A_15 = tpu.memref_slice %arg3[%mul3A_6, %dma_wait3A] : memref<1024x256xf32, #tpu.memory_space<hbm>> -> memref<32x256xf32, #tpu.memory_space<hbm>>
      %dma_wait3A_16 = arith.constant 0 : i32
      %dma_wait3A_17 = tpu.memref_slice %arg3[%mul3A_6, %dma_wait3A_16] : memref<1024x256xf32, #tpu.memory_space<hbm>> -> memref<32x256xf32, #tpu.memory_space<hbm>>
      tpu.wait_dma2 semaphore(%run_scoped3A : memref<!tpu.dma_semaphore, #tpu.memory_space<semaphore_mem>>) src(%arg6 : memref<32x256xf32, #tpu.memory_space<vmem>>) dst(%dma_wait3A_17 : memref<32x256xf32, #tpu.memory_space<hbm>>)
      tpu.yield
    }) : () -> ()
    "tpu.region"() ({
      %run_scoped3A = tpu.sem_alloc : memref<!tpu.dma_semaphore, #tpu.memory_space<semaphore_mem>>
      %dma_start3A = arith.constant 0 : i32
      %dma_start3A_12 = tpu.memref_slice %arg4[%mul3A_6, %dma_start3A] : memref<1024x256xf32, #tpu.memory_space<hbm>> -> memref<32x256xf32, #tpu.memory_space<hbm>>
      %dma_start3A_13 = arith.constant 0 : i32
      %dma_start3A_14 = tpu.memref_slice %arg4[%mul3A_6, %dma_start3A_13] : memref<1024x256xf32, #tpu.memory_space<hbm>> -> memref<32x256xf32, #tpu.memory_space<hbm>>
      tpu.enqueue_dma source(%arg7 : memref<32x256xf32, #tpu.memory_space<vmem>>) target(%dma_start3A_14 : memref<32x256xf32, #tpu.memory_space<hbm>>) target_semaphore(%run_scoped3A : memref<!tpu.dma_semaphore, #tpu.memory_space<semaphore_mem>>)
      %dma_wait3A = arith.constant 0 : i32
      %dma_wait3A_15 = tpu.memref_slice %arg4[%mul3A_6, %dma_wait3A] : memref<1024x256xf32, #tpu.memory_space<hbm>> -> memref<32x256xf32, #tpu.memory_space<hbm>>
      %dma_wait3A_16 = arith.constant 0 : i32
      %dma_wait3A_17 = tpu.memref_slice %arg4[%mul3A_6, %dma_wait3A_16] : memref<1024x256xf32, #tpu.memory_space<hbm>> -> memref<32x256xf32, #tpu.memory_space<hbm>>
      tpu.wait_dma2 semaphore(%run_scoped3A : memref<!tpu.dma_semaphore, #tpu.memory_space<semaphore_mem>>) src(%arg7 : memref<32x256xf32, #tpu.memory_space<vmem>>) dst(%dma_wait3A_17 : memref<32x256xf32, #tpu.memory_space<hbm>>)
      tpu.yield
    }) : () -> ()
    return
  }
}

module attributes {stable_mosaic.version = 14 : i64} {
  func.func @_tc_tail_body(%arg0: memref<1024x256xf32, #tpu.memory_space<vmem>>, %arg1: memref<1024x256xf32, #tpu.memory_space<vmem>>, %arg2: memref<1x1024x1xi32, #tpu.memory_space<vmem>>, %arg3: memref<1x1xf32, #tpu.memory_space<smem>>, %arg4: memref<1x1xf32, #tpu.memory_space<smem>>) attributes {dimension_semantics = [], scalar_prefetch = 0 : i64, scratch_operands = 0 : i64, tpu.core_type = #tpu.core_type<tc>} {
    %get3A = arith.constant 0 : index
    %get3A_0 = arith.constant 0 : index
    %get3A_1 = vector.load %arg0[%get3A, %get3A_0] : memref<1024x256xf32, #tpu.memory_space<vmem>>, vector<1024x256xf32>
    %get3A_2 = arith.constant 0 : index
    %get3A_3 = arith.constant 0 : index
    %get3A_4 = vector.load %arg1[%get3A_2, %get3A_3] : memref<1024x256xf32, #tpu.memory_space<vmem>>, vector<1024x256xf32>
    %get3A_5 = arith.constant 0 : index
    %get3A_6 = arith.constant 0 : index
    %get3A_7 = arith.constant 0 : index
    %get3A_8 = vector.load %arg2[%get3A_5, %get3A_6, %get3A_7] : memref<1x1024x1xi32, #tpu.memory_space<vmem>>, vector<1x1024x1xi32>
    %get3A_9 = vector.shape_cast %get3A_8 : vector<1x1024x1xi32> to vector<1024x1xi32>
    %iota3A = tpu.iota {dimensions = array<i32: 1>} : vector<1024x256xi32>
    %eq3A = vector.broadcast %get3A_9 : vector<1024x1xi32> to vector<1024x256xi32>
    %eq3A_10 = arith.cmpi eq, %iota3A, %eq3A : vector<1024x256xi32>
    %jit3A = arith.constant 0x7F800000 : f32
    %broadcast_in_dim3A = vector.broadcast %jit3A : f32 to vector<1024x256xf32>
    %select_n3A = arith.select %eq3A_10, %get3A_4, %broadcast_in_dim3A : vector<1024x256xi1>, vector<1024x256xf32>
    %reduce_min3A = arith.constant dense<0x7F800000> : vector<1024xf32>
    %reduce_min3A_11 = vector.multi_reduction <minimumf>, %select_n3A, %reduce_min3A [1] : vector<1024x256xf32> to vector<1024xf32>
    %broadcast_in_dim3A_12 = vector.shape_cast %reduce_min3A_11 : vector<1024xf32> to vector<1024x1xf32>
    %add3A = arith.constant 5.000000e-01 : f32
    %add3A_13 = vector.broadcast %add3A : f32 to vector<1024x1xf32>
    %add3A_14 = arith.addf %add3A_13, %broadcast_in_dim3A_12 : vector<1024x1xf32>
    %log3A = math.log %get3A_1 : vector<1024x256xf32>
    %mul3A = arith.constant 1.000000e+00 : f32
    %mul3A_15 = vector.broadcast %mul3A : f32 to vector<1024x256xf32>
    %mul3A_16 = arith.mulf %mul3A_15, %log3A : vector<1024x256xf32>
    %add3A_17 = vector.broadcast %add3A_14 : vector<1024x1xf32> to vector<1024x256xf32>
    %add3A_18 = arith.addf %add3A_17, %mul3A_16 : vector<1024x256xf32>
    %max3A = arith.constant 0.000000e+00 : f32
    %max3A_19 = vector.broadcast %max3A : f32 to vector<1024x256xf32>
    %max3A_20 = arith.maximumf %add3A_18, %max3A_19 : vector<1024x256xf32>
    %jit3A_21 = arith.constant 0.000000e+00 : f32
    %broadcast_in_dim3A_22 = vector.broadcast %jit3A_21 : f32 to vector<1024x256xf32>
    %select_n3A_23 = arith.select %eq3A_10, %broadcast_in_dim3A_22, %max3A_20 : vector<1024x256xi1>, vector<1024x256xf32>
    %reduce_sum3A = vector.shape_cast %select_n3A_23 : vector<1024x256xf32> to vector<1x1024x256xf32>
    %reduce_sum3A_24 = arith.constant dense<0.000000e+00> : vector<1xf32>
    %reduce_sum3A_25 = vector.multi_reduction <add>, %reduce_sum3A, %reduce_sum3A_24 [1, 2] : vector<1x1024x256xf32> to vector<1xf32>
    %reduce_sum3A_26 = vector.shape_cast %reduce_sum3A_25 : vector<1xf32> to vector<1x1x1xf32>
    %reduce_sum3A_27 = vector.extract %reduce_sum3A_26[0, 0, 0] : f32 from vector<1x1x1xf32>
    %get3A_28 = arith.constant 0 : index
    %get3A_29 = arith.constant 0 : index
    %get3A_30 = memref.load %arg3[%get3A_28, %get3A_29] : memref<1x1xf32, #tpu.memory_space<smem>>
    %add3A_31 = arith.addf %get3A_30, %reduce_sum3A_27 : f32
    %mul3A_32 = arith.constant 9.57414272E-7 : f32
    %mul3A_33 = arith.mulf %add3A_31, %mul3A_32 : f32
    %swap3A = arith.constant 0 : index
    %swap3A_34 = arith.constant 0 : index
    %swap3A_35 = memref.load %arg4[%swap3A, %swap3A_34] : memref<1x1xf32, #tpu.memory_space<smem>>
    memref.store %mul3A_33, %arg4[%swap3A, %swap3A_34] : memref<1x1xf32, #tpu.memory_space<smem>>
    return
  }
}

module attributes {stable_mosaic.version = 14 : i64} {
  func.func @_tc_main_body(%arg0: i32, %arg1: memref<1024x8x256xf32, #tpu.memory_space<vmem>>, %arg2: memref<1x1024x1xi32, #tpu.memory_space<vmem>>, %arg3: memref<64x512xbf16, #tpu.memory_space<vmem>>, %arg4: memref<1x1xf32, #tpu.memory_space<smem>>) attributes {dimension_semantics = [#tpu.dimension_semantics<arbitrary>], iteration_bounds = array<i64: 3>, scalar_prefetch = 0 : i64, scratch_operands = 0 : i64, tpu.core_type = #tpu.core_type<tc>, window_params = [{transform_indices = @transform_0, window_bounds = array<i64: 1024, 8, 256>}, {transform_indices = @transform_1, window_bounds = array<i64: 1, 1024, 1>}, {pipeline_mode = #tpu.pipeline_mode<synchronous>, transform_indices = @transform_2, window_bounds = array<i64: 64, 512>}, {transform_indices = @transform_3, window_bounds = array<i64: 1, 1>}]} {
    %get3A = arith.constant 0 : index
    %get3A_0 = arith.constant 0 : index
    %get3A_1 = arith.constant 0 : index
    %get3A_2 = vector.load %arg1[%get3A, %get3A_0, %get3A_1] : memref<1024x8x256xf32, #tpu.memory_space<vmem>>, vector<1024x8x256xf32>
    %get3A_3 = arith.constant 0 : index
    %get3A_4 = arith.constant 0 : index
    %get3A_5 = arith.constant 0 : index
    %get3A_6 = vector.load %arg2[%get3A_3, %get3A_4, %get3A_5] : memref<1x1024x1xi32, #tpu.memory_space<vmem>>, vector<1x1024x1xi32>
    %get3A_7 = vector.shape_cast %get3A_6 : vector<1x1024x1xi32> to vector<1024x1xi32>
    %neg3A = arith.constant 0.000000e+00 : f32
    %neg3A_8 = vector.broadcast %neg3A : f32 to vector<1024x8x256xf32>
    %neg3A_9 = arith.subf %neg3A_8, %get3A_2 : vector<1024x8x256xf32>
    %exp3A = math.exp %neg3A_9 : vector<1024x8x256xf32>
    %convert_element_type3A = arith.truncf %exp3A : vector<1024x8x256xf32> to vector<1024x8x256xbf16>
    %reshape3A = vector.shape_cast %convert_element_type3A : vector<1024x8x256xbf16> to vector<8192x256xbf16>
    %get3A_10 = arith.constant 0 : index
    %get3A_11 = arith.constant 0 : index
    %get3A_12 = vector.load %arg3[%get3A_10, %get3A_11] : memref<64x512xbf16, #tpu.memory_space<vmem>>, vector<64x512xbf16>
    %slice3A = vector.extract_strided_slice %reshape3A {offsets = [0, 0], sizes = [512, 256], strides = [1, 1]} : vector<8192x256xbf16> to vector<512x256xbf16>
    %dot_general3A = arith.constant dense<0.000000e+00> : vector<64x256xf32>
    %dot_general3A_13 = tpu.matmul %get3A_12, %slice3A, %dot_general3A {dimension_numbers = #tpu.dot_dimension_numbers<[1], [0], [0], [1], [0, 0, 1, 1], [], []>, transpose_lhs_hint = false} : vector<64x512xbf16>, vector<512x256xbf16>, vector<64x256xf32> -> vector<64x256xf32>
    %slice3A_14 = vector.extract_strided_slice %reshape3A {offsets = [512, 0], sizes = [512, 256], strides = [1, 1]} : vector<8192x256xbf16> to vector<512x256xbf16>
    %dot_general3A_15 = arith.constant dense<0.000000e+00> : vector<64x256xf32>
    %dot_general3A_16 = tpu.matmul %get3A_12, %slice3A_14, %dot_general3A_15 {dimension_numbers = #tpu.dot_dimension_numbers<[1], [0], [0], [1], [0, 0, 1, 1], [], []>, transpose_lhs_hint = false} : vector<64x512xbf16>, vector<512x256xbf16>, vector<64x256xf32> -> vector<64x256xf32>
    %slice3A_17 = vector.extract_strided_slice %reshape3A {offsets = [1024, 0], sizes = [512, 256], strides = [1, 1]} : vector<8192x256xbf16> to vector<512x256xbf16>
    %dot_general3A_18 = arith.constant dense<0.000000e+00> : vector<64x256xf32>
    %dot_general3A_19 = tpu.matmul %get3A_12, %slice3A_17, %dot_general3A_18 {dimension_numbers = #tpu.dot_dimension_numbers<[1], [0], [0], [1], [0, 0, 1, 1], [], []>, transpose_lhs_hint = false} : vector<64x512xbf16>, vector<512x256xbf16>, vector<64x256xf32> -> vector<64x256xf32>
    %slice3A_20 = vector.extract_strided_slice %reshape3A {offsets = [1536, 0], sizes = [512, 256], strides = [1, 1]} : vector<8192x256xbf16> to vector<512x256xbf16>
    %dot_general3A_21 = arith.constant dense<0.000000e+00> : vector<64x256xf32>
    %dot_general3A_22 = tpu.matmul %get3A_12, %slice3A_20, %dot_general3A_21 {dimension_numbers = #tpu.dot_dimension_numbers<[1], [0], [0], [1], [0, 0, 1, 1], [], []>, transpose_lhs_hint = false} : vector<64x512xbf16>, vector<512x256xbf16>, vector<64x256xf32> -> vector<64x256xf32>
    %slice3A_23 = vector.extract_strided_slice %reshape3A {offsets = [2048, 0], sizes = [512, 256], strides = [1, 1]} : vector<8192x256xbf16> to vector<512x256xbf16>
    %dot_general3A_24 = arith.constant dense<0.000000e+00> : vector<64x256xf32>
    %dot_general3A_25 = tpu.matmul %get3A_12, %slice3A_23, %dot_general3A_24 {dimension_numbers = #tpu.dot_dimension_numbers<[1], [0], [0], [1], [0, 0, 1, 1], [], []>, transpose_lhs_hint = false} : vector<64x512xbf16>, vector<512x256xbf16>, vector<64x256xf32> -> vector<64x256xf32>
    %slice3A_26 = vector.extract_strided_slice %reshape3A {offsets = [2560, 0], sizes = [512, 256], strides = [1, 1]} : vector<8192x256xbf16> to vector<512x256xbf16>
    %dot_general3A_27 = arith.constant dense<0.000000e+00> : vector<64x256xf32>
    %dot_general3A_28 = tpu.matmul %get3A_12, %slice3A_26, %dot_general3A_27 {dimension_numbers = #tpu.dot_dimension_numbers<[1], [0], [0], [1], [0, 0, 1, 1], [], []>, transpose_lhs_hint = false} : vector<64x512xbf16>, vector<512x256xbf16>, vector<64x256xf32> -> vector<64x256xf32>
    %slice3A_29 = vector.extract_strided_slice %reshape3A {offsets = [3072, 0], sizes = [512, 256], strides = [1, 1]} : vector<8192x256xbf16> to vector<512x256xbf16>
    %dot_general3A_30 = arith.constant dense<0.000000e+00> : vector<64x256xf32>
    %dot_general3A_31 = tpu.matmul %get3A_12, %slice3A_29, %dot_general3A_30 {dimension_numbers = #tpu.dot_dimension_numbers<[1], [0], [0], [1], [0, 0, 1, 1], [], []>, transpose_lhs_hint = false} : vector<64x512xbf16>, vector<512x256xbf16>, vector<64x256xf32> -> vector<64x256xf32>
    %slice3A_32 = vector.extract_strided_slice %reshape3A {offsets = [3584, 0], sizes = [512, 256], strides = [1, 1]} : vector<8192x256xbf16> to vector<512x256xbf16>
    %dot_general3A_33 = arith.constant dense<0.000000e+00> : vector<64x256xf32>
    %dot_general3A_34 = tpu.matmul %get3A_12, %slice3A_32, %dot_general3A_33 {dimension_numbers = #tpu.dot_dimension_numbers<[1], [0], [0], [1], [0, 0, 1, 1], [], []>, transpose_lhs_hint = false} : vector<64x512xbf16>, vector<512x256xbf16>, vector<64x256xf32> -> vector<64x256xf32>
    %slice3A_35 = vector.extract_strided_slice %reshape3A {offsets = [4096, 0], sizes = [512, 256], strides = [1, 1]} : vector<8192x256xbf16> to vector<512x256xbf16>
    %dot_general3A_36 = arith.constant dense<0.000000e+00> : vector<64x256xf32>
    %dot_general3A_37 = tpu.matmul %get3A_12, %slice3A_35, %dot_general3A_36 {dimension_numbers = #tpu.dot_dimension_numbers<[1], [0], [0], [1], [0, 0, 1, 1], [], []>, transpose_lhs_hint = false} : vector<64x512xbf16>, vector<512x256xbf16>, vector<64x256xf32> -> vector<64x256xf32>
    %slice3A_38 = vector.extract_strided_slice %reshape3A {offsets = [4608, 0], sizes = [512, 256], strides = [1, 1]} : vector<8192x256xbf16> to vector<512x256xbf16>
    %dot_general3A_39 = arith.constant dense<0.000000e+00> : vector<64x256xf32>
    %dot_general3A_40 = tpu.matmul %get3A_12, %slice3A_38, %dot_general3A_39 {dimension_numbers = #tpu.dot_dimension_numbers<[1], [0], [0], [1], [0, 0, 1, 1], [], []>, transpose_lhs_hint = false} : vector<64x512xbf16>, vector<512x256xbf16>, vector<64x256xf32> -> vector<64x256xf32>
    %slice3A_41 = vector.extract_strided_slice %reshape3A {offsets = [5120, 0], sizes = [512, 256], strides = [1, 1]} : vector<8192x256xbf16> to vector<512x256xbf16>
    %dot_general3A_42 = arith.constant dense<0.000000e+00> : vector<64x256xf32>
    %dot_general3A_43 = tpu.matmul %get3A_12, %slice3A_41, %dot_general3A_42 {dimension_numbers = #tpu.dot_dimension_numbers<[1], [0], [0], [1], [0, 0, 1, 1], [], []>, transpose_lhs_hint = false} : vector<64x512xbf16>, vector<512x256xbf16>, vector<64x256xf32> -> vector<64x256xf32>
    %slice3A_44 = vector.extract_strided_slice %reshape3A {offsets = [5632, 0], sizes = [512, 256], strides = [1, 1]} : vector<8192x256xbf16> to vector<512x256xbf16>
    %dot_general3A_45 = arith.constant dense<0.000000e+00> : vector<64x256xf32>
    %dot_general3A_46 = tpu.matmul %get3A_12, %slice3A_44, %dot_general3A_45 {dimension_numbers = #tpu.dot_dimension_numbers<[1], [0], [0], [1], [0, 0, 1, 1], [], []>, transpose_lhs_hint = false} : vector<64x512xbf16>, vector<512x256xbf16>, vector<64x256xf32> -> vector<64x256xf32>
    %slice3A_47 = vector.extract_strided_slice %reshape3A {offsets = [6144, 0], sizes = [512, 256], strides = [1, 1]} : vector<8192x256xbf16> to vector<512x256xbf16>
    %dot_general3A_48 = arith.constant dense<0.000000e+00> : vector<64x256xf32>
    %dot_general3A_49 = tpu.matmul %get3A_12, %slice3A_47, %dot_general3A_48 {dimension_numbers = #tpu.dot_dimension_numbers<[1], [0], [0], [1], [0, 0, 1, 1], [], []>, transpose_lhs_hint = false} : vector<64x512xbf16>, vector<512x256xbf16>, vector<64x256xf32> -> vector<64x256xf32>
    %slice3A_50 = vector.extract_strided_slice %reshape3A {offsets = [6656, 0], sizes = [512, 256], strides = [1, 1]} : vector<8192x256xbf16> to vector<512x256xbf16>
    %dot_general3A_51 = arith.constant dense<0.000000e+00> : vector<64x256xf32>
    %dot_general3A_52 = tpu.matmul %get3A_12, %slice3A_50, %dot_general3A_51 {dimension_numbers = #tpu.dot_dimension_numbers<[1], [0], [0], [1], [0, 0, 1, 1], [], []>, transpose_lhs_hint = false} : vector<64x512xbf16>, vector<512x256xbf16>, vector<64x256xf32> -> vector<64x256xf32>
    %slice3A_53 = vector.extract_strided_slice %reshape3A {offsets = [7168, 0], sizes = [512, 256], strides = [1, 1]} : vector<8192x256xbf16> to vector<512x256xbf16>
    %dot_general3A_54 = arith.constant dense<0.000000e+00> : vector<64x256xf32>
    %dot_general3A_55 = tpu.matmul %get3A_12, %slice3A_53, %dot_general3A_54 {dimension_numbers = #tpu.dot_dimension_numbers<[1], [0], [0], [1], [0, 0, 1, 1], [], []>, transpose_lhs_hint = false} : vector<64x512xbf16>, vector<512x256xbf16>, vector<64x256xf32> -> vector<64x256xf32>
    %slice3A_56 = vector.extract_strided_slice %reshape3A {offsets = [7680, 0], sizes = [512, 256], strides = [1, 1]} : vector<8192x256xbf16> to vector<512x256xbf16>
    %dot_general3A_57 = arith.constant dense<0.000000e+00> : vector<64x256xf32>
    %dot_general3A_58 = tpu.matmul %get3A_12, %slice3A_56, %dot_general3A_57 {dimension_numbers = #tpu.dot_dimension_numbers<[1], [0], [0], [1], [0, 0, 1, 1], [], []>, transpose_lhs_hint = false} : vector<64x512xbf16>, vector<512x256xbf16>, vector<64x256xf32> -> vector<64x256xf32>
    %concatenate3A = tpu.concatenate %dot_general3A_13, %dot_general3A_16, %dot_general3A_19, %dot_general3A_22, %dot_general3A_25, %dot_general3A_28, %dot_general3A_31, %dot_general3A_34, %dot_general3A_37, %dot_general3A_40, %dot_general3A_43, %dot_general3A_46, %dot_general3A_49, %dot_general3A_52, %dot_general3A_55, %dot_general3A_58 in 0 : vector<64x256xf32>, vector<64x256xf32>, vector<64x256xf32>, vector<64x256xf32>, vector<64x256xf32>, vector<64x256xf32>, vector<64x256xf32>, vector<64x256xf32>, vector<64x256xf32>, vector<64x256xf32>, vector<64x256xf32>, vector<64x256xf32>, vector<64x256xf32>, vector<64x256xf32>, vector<64x256xf32>, vector<64x256xf32> -> vector<1024x256xf32>
    %iota3A = tpu.iota {dimensions = array<i32: 2>} : vector<1024x8x256xi32>
    %reshape3A_59 = vector.shape_cast %get3A_7 : vector<1024x1xi32> to vector<1024x1x1xi32>
    %eq3A = vector.broadcast %reshape3A_59 : vector<1024x1x1xi32> to vector<1024x8x256xi32>
    %eq3A_60 = arith.cmpi eq, %iota3A, %eq3A : vector<1024x8x256xi32>
    %jit3A = arith.constant 0x7F800000 : f32
    %broadcast_in_dim3A = vector.broadcast %jit3A : f32 to vector<1024x8x256xf32>
    %select_n3A = arith.select %eq3A_60, %get3A_2, %broadcast_in_dim3A : vector<1024x8x256xi1>, vector<1024x8x256xf32>
    %reduce_min3A = arith.constant dense<0x7F800000> : vector<1024x8xf32>
    %reduce_min3A_61 = vector.multi_reduction <minimumf>, %select_n3A, %reduce_min3A [2] : vector<1024x8x256xf32> to vector<1024x8xf32>
    %reduce_min3A_62 = arith.constant dense<0x7F800000> : vector<1024xf32>
    %reduce_min3A_63 = vector.multi_reduction <minimumf>, %reduce_min3A_61, %reduce_min3A_62 [1] : vector<1024x8xf32> to vector<1024xf32>
    %broadcast_in_dim3A_64 = vector.shape_cast %reduce_min3A_63 : vector<1024xf32> to vector<1024x1xf32>
    %iota3A_65 = tpu.iota {dimensions = array<i32: 1>} : vector<1024x256xi32>
    %eq3A_66 = vector.broadcast %get3A_7 : vector<1024x1xi32> to vector<1024x256xi32>
    %eq3A_67 = arith.cmpi eq, %iota3A_65, %eq3A_66 : vector<1024x256xi32>
    %add3A = arith.constant 5.000000e-01 : f32
    %add3A_68 = vector.broadcast %add3A : f32 to vector<1024x1xf32>
    %add3A_69 = arith.addf %add3A_68, %broadcast_in_dim3A_64 : vector<1024x1xf32>
    %log3A = math.log %concatenate3A : vector<1024x256xf32>
    %mul3A = arith.constant 1.000000e+00 : f32
    %mul3A_70 = vector.broadcast %mul3A : f32 to vector<1024x256xf32>
    %mul3A_71 = arith.mulf %mul3A_70, %log3A : vector<1024x256xf32>
    %add3A_72 = vector.broadcast %add3A_69 : vector<1024x1xf32> to vector<1024x256xf32>
    %add3A_73 = arith.addf %add3A_72, %mul3A_71 : vector<1024x256xf32>
    %max3A = arith.constant 0.000000e+00 : f32
    %max3A_74 = vector.broadcast %max3A : f32 to vector<1024x256xf32>
    %max3A_75 = arith.maximumf %add3A_73, %max3A_74 : vector<1024x256xf32>
    %jit3A_76 = arith.constant 0.000000e+00 : f32
    %broadcast_in_dim3A_77 = vector.broadcast %jit3A_76 : f32 to vector<1024x256xf32>
    %select_n3A_78 = arith.select %eq3A_67, %broadcast_in_dim3A_77, %max3A_75 : vector<1024x256xi1>, vector<1024x256xf32>
    %reduce_sum3A = vector.shape_cast %select_n3A_78 : vector<1024x256xf32> to vector<1x1024x256xf32>
    %reduce_sum3A_79 = arith.constant dense<0.000000e+00> : vector<1xf32>
    %reduce_sum3A_80 = vector.multi_reduction <add>, %reduce_sum3A, %reduce_sum3A_79 [1, 2] : vector<1x1024x256xf32> to vector<1xf32>
    %reduce_sum3A_81 = vector.shape_cast %reduce_sum3A_80 : vector<1xf32> to vector<1x1x1xf32>
    %reduce_sum3A_82 = vector.extract %reduce_sum3A_81[0, 0, 0] : f32 from vector<1x1x1xf32>
    %eq3A_83 = arith.constant 0 : i32
    %eq3A_84 = arith.cmpi eq, %arg0, %eq3A_83 : i32
    %convert_element_type3A_85 = arith.extui %eq3A_84 : i1 to i32
    %cond3A = arith.constant 0 : i32
    %cond3A_86 = arith.cmpi ne, %convert_element_type3A_85, %cond3A : i32
    scf.if %cond3A_86 {
      %swap3A_93 = arith.constant 0.000000e+00 : f32
      %swap3A_94 = arith.constant 0 : index
      %swap3A_95 = arith.constant 0 : index
      %swap3A_96 = memref.load %arg4[%swap3A_94, %swap3A_95] : memref<1x1xf32, #tpu.memory_space<smem>>
      memref.store %swap3A_93, %arg4[%swap3A_94, %swap3A_95] : memref<1x1xf32, #tpu.memory_space<smem>>
    } else {
    }
    %get3A_87 = arith.constant 0 : index
    %get3A_88 = arith.constant 0 : index
    %get3A_89 = memref.load %arg4[%get3A_87, %get3A_88] : memref<1x1xf32, #tpu.memory_space<smem>>
    %add3A_90 = arith.addf %get3A_89, %reduce_sum3A_82 : f32
    %swap3A = arith.constant 0 : index
    %swap3A_91 = arith.constant 0 : index
    %swap3A_92 = memref.load %arg4[%swap3A, %swap3A_91] : memref<1x1xf32, #tpu.memory_space<smem>>
    memref.store %add3A_90, %arg4[%swap3A, %swap3A_91] : memref<1x1xf32, #tpu.memory_space<smem>>
    return
  }
  func.func @transform_0(%arg0: i32) -> (i32, i32, i32) {
    %c0_i32 = arith.constant 0 : i32
    %c0_i32_0 = arith.constant 0 : i32
    %c0_i32_1 = arith.constant 0 : i32
    return %arg0, %c0_i32, %c0_i32_0 : i32, i32, i32
  }
  func.func @transform_1(%arg0: i32) -> (i32, i32, i32) {
    %c0_i32 = arith.constant 0 : i32
    %c0_i32_0 = arith.constant 0 : i32
    %c0_i32_1 = arith.constant 0 : i32
    return %arg0, %c0_i32, %c0_i32_0 : i32, i32, i32
  }
  func.func @transform_2(%arg0: i32) -> (i32, i32) {
    %c0_i32 = arith.constant 0 : i32
    %c0_i32_0 = arith.constant 0 : i32
    %c0_i32_1 = arith.constant 0 : i32
    return %c0_i32, %c0_i32_0 : i32, i32
  }
  func.func @transform_3(%arg0: i32) -> (i32, i32) {
    %c0_i32 = arith.constant 0 : i32
    %c0_i32_0 = arith.constant 0 : i32
    %c0_i32_1 = arith.constant 0 : i32
    return %c0_i32, %c0_i32_0 : i32, i32
  }
}

</mosaic_0001>

<sc_bundles>
// kernel: kernel.5.cloned.1.call-start
scs
__scs_entry_jumppad:
0x0: {  	(pc) =	sbr.rel $0x88, $3  }
0x1: {  	(tag) =	ssettag $0x0;
	lr =	simm.s32 $0x1  }
0x2: {  	[smem:$0x3F9F] =	sst lr;
	_ =	strace $0xD0000000  }
0x3: {  	_ = 	snop  }
0x4: {  	_ = 	snop  }
0x5: {  	_ = 	snop  }
0x6: {  	_ = 	snop  }
0x7: {  	_ = 	snop  }
__scs_overlays_trampoline_lowered:
0x8: {  	[smem:$0x3FAE] =	sst s0  }
0x9: {  	[smem:$0x3FAF] =	sst s1  }
0xa: {  	[smem:$0x3FB0] =	sst s2  }
0xb: {  	[smem:$0x3FB1] =	sst s3  }
0xc: {  	[smem:$0x3FB2] =	sst s4  }
0xd: {  	[smem:$0x3FB3] =	sst s5  }
0xe: {  	[smem:$0x3FB4] =	sst s6  }
0xf: {  	[smem:$0x3FB5] =	sst s7  }
0x10: {  	[smem:$0x3FB6] =	sst s8  }
0x11: {  	[smem:$0x3FB7] =	sst s9;
	s0 =	simm.s32 @!p0 $0x0  }
0x12: {  	s1 =	sld [smem:$0x3F9D];
	s0 =	simm.s32 @p0 $0x1  }
0x13: {  	[smem:$0x3FB8] =	sst s0;
	s0 =	simm.s32 @!p1 $0x0  }
0x14: {  	s2 =	sld [smem:$0x3F9C];
	s0 =	simm.s32 @p1 $0x1  }
0x15: {  	[smem:$0x3FB9] =	sst s0;
	s0 =	simm.s32 @!p2 $0x0  }
0x16: {  	s3 =	sld [smem:$0x3FDB];
	s0 =	simm.s32 @p2 $0x1  }
0x17: {  	s4 =	simm.s32 $0x1BF5;
	[smem:$0x3FBB] =	sst s0  }
0x18: {  	s0 =	sld [smem:$0x3F9E];
	_ =	swait.ge [sflag:s4], $0x0  }
0x19: {  	s7 =	sld [smem:$0x3F9F]  }
0x1a: {  	s8 =	sadd.s32 $0xFFFFE003, lr  }
0x1b: {  	s9 =	sadd.s32 $0xFFFFFEF7, lr;
	s5 =	simm.s32 $0xFFFFFFFF;
	p2 =	slt.u32 s8, $0xFFFFF086  }
0x1c: {  	p1 =	slt.u32 s9, $0xF7A;
	s5 =	simm.s32 @!p2 $0x0  }
0x1d: {  	s5 =	simm.s32 @p1 $0x1;
	p0 =	seq.s32 s7, s2  }
0x1e: {  	s7 =	smul.u32 @!p0 $0xF7A, s2;
	p2 =	seq.s32 @!p0 s5, $0x0  }
0x1f: {  	s9 =	smul.u32 $0xF7A, s1;
	s8 =	simm.s32 @!p0 $0x1BF5;
	p2 =	por !p2, p0  }
0x20: {  	[sflag:s8] =	ssyncset.s32 @!p0 $0xFFFFF086;
	s6 =	sadd.s32 @!p0 s3, s7;
	s7 =	simm.s32 @!p0 $0x108  }
0x21: {  	s3 =	sadd.s32 s3, s9;
	s6 =	sadd.s32 @!p0 $0x88, s6;
	s7 =	simm.s32 @p2 $0x1082  }
0x22: {  	[simem:s7], [sflag:s8] =	dma.local @!p0 [hbm:s6], $0xF7A  }
0x23: {  	s9 =	sor.u32 $0xD0000000, s2;
	s6 =	simm.s32 $0x108;
	_ =	swait.ge @!p0 [sflag:s8], $0x0  }
0x24: {  	s3 =	sadd.s32 $0x88, s3;
	s6 =	simm.s32 @!p1 $0x1082;
	[sflag:s4] =	ssyncset.s32 $0xFFFFF086  }
0x25: {  	[simem:s6], [sflag:s4] =	dma.local [hbm:s3], $0xF7A  }
0x26: {  	[smem:$0x3F9F] =	sst s1;
	(tag) =	ssettag s2;
	_ =	strace s9  }
0x27: {  	s1 =	sld [smem:$0x3FAF]  }
0x28: {  	s2 =	sld [smem:$0x3FB0]  }
0x29: {  	s4 =	sld [smem:$0x3FB2]  }
0x2a: {  	p0 =	seq.s32 s5, $0x0;
	s5 =	sld [smem:$0x3FB3]  }
0x2b: {  	s6 =	sld [smem:$0x3FB4]  }
0x2c: {  	s7 =	sld [smem:$0x3FB5]  }
0x2d: {  	s3 =	simm.s32 $0x108;
	s8 =	sld [smem:$0x3FB6]  }
0x2e: {  	s3 =	simm.s32 @!p0 $0x1082;
	s9 =	sld [smem:$0x3FB7]  }
0x2f: {  	lr =	sadd.s32 s0, s3;
	s0 =	sld [smem:$0x3FAE]  }
0x30: {  	s3 =	sld [smem:$0x3FB1]  }
0x31: {  	[smem:$0x3FBA] =	sst s10  }
0x32: {  	s10 =	sld [smem:$0x3FB8];
	_ =	sdelay $0x3  }
0x33: {  	p0 =	seq.s32 s10, $0x1;
	s10 =	sld [smem:$0x3FBA];
	_ =	sdelay $0x3  }
0x34: {  	[smem:$0x3FBA] =	sst s10  }
0x35: {  	s10 =	sld [smem:$0x3FB9];
	_ =	sdelay $0x3  }
0x36: {  	p1 =	seq.s32 s10, $0x1;
	s10 =	sld [smem:$0x3FBA];
	_ =	sdelay $0x3  }
0x37: {  	[smem:$0x3FBA] =	sst s10  }
0x38: {  	s10 =	sld [smem:$0x3FBB]  }
0x39: {  	_ = 	snop;
	(pc) =	sbr.ind lr, $3  }
0x3a: {  	_ = 	snop  }
0x3b: {  	_ = 	snop  }
0x3c: {  	p2 =	seq.s32 s10, $0x1;
	s10 =	sld [smem:$0x3FBA]  }
0x3d: {  	_ =	shalt  }
0x3e: {  	_ =	shalt  }
0x3f: {  	_ =	shalt  }
0x40: {  	_ =	shalt  }
0x41: {  	_ =	shalt  }
0x42: {  	_ =	shalt  }
0x43: {  	_ =	shalt  }
0x44: {  	_ =	shalt  }
0x45: {  	_ =	shalt  }
0x46: {  	_ =	shalt  }
0x47: {  	_ =	shalt  }
0x48: {  	_ =	shalt  }
0x49: {  	_ =	shalt  }
0x4a: {  	_ =	shalt  }
0x4b: {  	_ =	shalt  }
0x4c: {  	_ =	shalt  }
0x4d: {  	_ =	shalt  }
0x4e: {  	_ =	shalt  }
0x4f: {  	_ =	shalt  }
0x50: {  	_ =	shalt  }
0x51: {  	_ =	shalt  }
0x52: {  	_ =	shalt  }
0x53: {  	_ =	shalt  }
0x54: {  	_ =	shalt  }
0x55: {  	_ =	shalt  }
0x56: {  	_ =	shalt  }
0x57: {  	_ =	shalt  }
0x58: {  	_ =	shalt  }
0x59: {  	_ =	shalt  }
0x5a: {  	_ =	shalt  }
0x5b: {  	_ =	shalt  }
0x5c: {  	_ =	shalt  }
0x5d: {  	_ =	shalt  }
0x5e: {  	_ =	shalt  }
0x5f: {  	_ =	shalt  }
0x60: {  	_ =	shalt  }
0x61: {  	_ =	shalt  }
0x62: {  	_ =	shalt  }
0x63: {  	_ =	shalt  }
0x64: {  	_ =	shalt  }
0x65: {  	_ =	shalt  }
0x66: {  	_ =	shalt  }
0x67: {  	_ =	shalt  }
0x68: {  	_ =	shalt  }
0x69: {  	_ =	shalt  }
0x6a: {  	_ =	shalt  }
0x6b: {  	_ =	shalt  }
0x6c: {  	_ =	shalt  }
0x6d: {  	_ =	shalt  }
0x6e: {  	_ =	shalt  }
0x6f: {  	_ =	shalt  }
0x70: {  	_ =	shalt  }
0x71: {  	_ =	shalt  }
0x72: {  	_ =	shalt  }
0x73: {  	_ =	shalt  }
0x74: {  	_ =	shalt  }
0x75: {  	_ =	shalt  }
0x76: {  	_ =	shalt  }
0x77: {  	_ =	shalt  }
0x78: {  	_ =	shalt  }
0x79: {  	_ =	shalt  }
0x7a: {  	_ =	shalt  }
0x7b: {  	_ =	shalt  }
0x7c: {  	_ =	shalt  }
0x7d: {  	_ =	shalt  }
0x7e: {  	_ =	shalt  }
0x7f: {  	_ =	shalt  }
0x80: {  	_ =	shalt  }
0x81: {  	_ =	shalt  }
0x82: {  	_ =	shalt  }
0x83: {  	_ =	shalt  }
0x84: {  	_ =	shalt  }
0x85: {  	_ =	shalt  }
0x86: {  	_ =	shalt  }
0x87: {  	_ =	shalt  }
.Lfunc_end0:
.L_simem_size_0:
called_computation_lowered:
.L_overlay_start_0:
0x88: {  	s2 =	sld [smem:$0x3FD9]  }
0x89: {  	s3 =	sld [smem:$0x3FFE];
	_ =	sdelay $0x1  }
0x8a: {  	s1 =	srdreg.scid  }
0x8b: {  	s0 =	sand.u32 $0x1, s1  }
0x8c: {  	s17 =	sshll.u32 s0, $0xA;
	s2 =	sadd.s32 s3, s2  }
0x8d: {  	s2 =	sadd.s32 s2, s17  }
0x8e: {  	[smem:$0x3FC6] =	sst s2  }
0x8f: {  	_ = 	snop  }
0x90: {  	s2 =	sld [smem:$0x3FC9];
	(tm) =	ssettm $0x1  }
0x91: {  	s18 =	sld [smem:$0x3FFB];
	_ =	sdelay $0x3  }
0x92: {  	_ =	strace s18  }
0x93: {  	s3 =	sld [smem:$0x3FFC];
	_ =	sdelay $0x3  }
0x94: {  	_ =	strace s3  }
0x95: {  	s3 =	sld [smem:$0x3FFD];
	_ =	sdelay $0x3  }
0x96: {  	_ =	strace s3  }
0x97: {  	_ =	strace $0x8FFFFFFF  }
0x98: {  	s19 =	sld [smem:$0x3FDB];
	_ =	sdelay $0x1  }
0x99: {  	s4 =	simm.s32 $_scs_section_size  }
0x9a: {  	s5 =	simm.s32 $_size__tile_overlayer_lowered;
	s6 =	simm.s32 $_tile_overlayer_lowered  }
0x9b: {  	s22 =	simm.s32 $0x1BFF;
	s21 =	sshll.u32 s6, $0x1;
	s3 =	sadd.s32 s4, s19  }
0x9c: {  	s7 =	simm.s32 $0x0;
	s20 =	sshll.u32 s5, $0x1;
	s5 =	sadd.s32 s21, s3  }
0x9d: {  	[timem:s7], [sflag:s22] =	dma.local [hbm:s5], s20  }
0x9e: {  	_ =	swait.ge [sflag:s22], s20  }
0x9f: {  	s4 =	ssub.s32 $0x0, s20;
	[sflag:s22] =	ssyncset.done $0x0  }
0xa0: {  	[sflag:s22] =	ssyncadd.s32 s4;
	_ =	sdelay $0x1  }
0xa1: {  	s23 =	simm.s32 $0x1B8B  }
0xa2: {  	_ =	swait.ge [sflag:s23], $0x1  }
0xa3: {  	[sflag:s23] =	ssyncset.done $0x0  }
0xa4: {  	s25 =	simm.s32 $0x1B8E;
	s24 =	sld [smem:$0x3FFE];
	[sflag:s23] =	ssyncadd.s32 $0xFFFFFFFF  }
0xa5: {  	s26 =	simm.s32 $execute0_lowered;
	[smem:$0x3FD2] =	sst s25  }
0xa6: {  	s5 =	sshll.u32 s26, $0x1;
	_ =	strace $0x80000046;
	[dreg:$0x1] =	wrdreg $0xFFFFFFFF  }
0xa7: {  	s28 =	simm.s32 $_size_execute0_lowered;
	s3 =	sadd.s32 s3, s5;
	[dreg:$0x0] =	wrdreg $0x0  }
0xa8: {  	s5 =	sshll.u32 s28, $0x1;
	[dreg:$0x2] =	wrdreg s3  }
0xa9: {  	[dreg:$0x3] =	wrdreg s5  }
0xaa: {  	[dreg:$0x4] =	wrdreg $0xC0  }
0xab: {  	_ =	task [dreg:s7], $0x5FFFF  }
0xac: {  	[dreg:$0x1] =	wrdreg $0xFFFFFFFF  }
0xad: {  	[dreg:$0x0] =	wrdreg $0x60  }
0xae: {  	[dreg:$0x2] =	wrdreg s2  }
0xaf: {  	[dreg:$0x3] =	wrdreg s24  }
0xb0: {  	[dreg:$0x4] =	wrdreg $0x9  }
0xb1: {  	_ =	task.clear_ibuf [dreg:s7], $0x5FFFF;
	_ =	strace $0x90000046  }
0xb2: {  	s29 =	simm.s32 $0x9;
	_ =	strace $0x80000048  }
0xb3: {  	_ =	swait.ge [sflag:s29], $0x1  }
0xb4: {  	[sflag:s29] =	ssyncadd.s32 $0xFFFFFFFF  }
0xb5: {  	_ =	strace $0x90000048  }
0xb6: {  	_ =	sfence  }
0xb7: {  	s30 =	sld [smem:$0x0];
	_ =	sdelay $0x2  }
0xb8: {  	s31 =	sshll.u32 s1, $0xD;
	s1 =	sshrl.u32 s1, $0x2  }
0xb9: {  	s3 =	sand.u32 $0x4000, s31;
	s1 =	sadd.s32 s1, s30  }
0xba: {  	s0 =	sor.u32 s3, s0;
	s1 =	sshll.u32 s1, $0x11  }
0xbb: {  	s0 =	sor.u32 s1, s0  }
0xbc: {  	s0 =	sadd.s32 $0x8F2B, s0  }
0xbd: {  	[sflag:s0] =	ssyncadd.remote.s32 $0x1  }
0xbe: {  	_ =	sfence.sel $0xFFFF  }
0xbf: {  	[dreg:$0x0] =	wrdreg $0xFFFFFFFF;
	(pc) =	sbr.abs _section_cstart, $3  }
0xc0: {  	[dreg:$0x1] =	wrdreg $0xFFFFFFFF  }
0xc1: {  	_ =	task.clear_ibuf [dreg:s7], $0x2FFFF;
	_ =	strace $0x9FFFFFFF  }
0xc2: {  	(tm) =	ssettm $0x7FFFFFFF  }
0xc3: {  	_ =	shalt  }
tec
execute0_lowered:
.L_overlay_start_1:
0x0: {  	(tag) =	ssettag $0x1  }
0x1: {  	s3 =	rddreg [dreg:$0x0]  }
0x2: {  	s4 =	rddreg [dreg:$0x1]  }
0x3: {  	s0 =	rddreg [dreg:$0x2]  }
0x4: {  	s5 =	srdreg.scid;
	s2 =	simm.s32 $0x0;
	s1 =	stileid.u32  }
0x5: {  	s8 =	simm.s32 $0x10000;
	s9 =	simm.s32 $0x12000;
	s5 =	sand.u32 $0x1, s5  }
0x6: {  	s10 =	simm.s32 $0x0;
	s6 =	sshll.u32 s1, $0x6;
	s7 =	sshll.u32 s5, $0x5  }
0x7: {  	[smem:$0x7FF] =	sst s2;
	s5 =	ssub.s32 $0x2, s5;
	s6 =	sor.u32 s7, s6  }
0x8: {  	s30 =	sshrl.u32 s5, $0x1;
	s7 =	sshll.u32 s6, $0x5;
	s6 =	sshll.u32 s6, $0x8  }
0x9: {  	_ =	strace $0x80000047;
	s31 =	ssub.s32 s5, s30;
	s3 =	sadd.s32 s6, s3  }
0xa: {  	s7 =	sadd.s32 s7, s4;
	s6 =	smax.u32 s31, $0x1;
	s3 =	sadd.s32 $0xC0000, s3  }
0xb: {  	s4 =	sadd.s32 $0x1400, s7;
	s5 =	sadd.s32 $0x9400, s7;
	s7 =	simm.s32 $0x1  }
.LBB2_1:
0xc: {  	[tilespmem:s2], [sflag:$0x1] =	stream.linear.gather [hbm4b:s3+s2], $0x10000, $0x38;
	[tilespmem:$0x14000] =	vst v63  }
0xd: {  	_ =	swait.ge [sflag:s7], $0x10000  }
0xe: {  	s11 =	simm.s32 $0x400;
	[sflag:s7] =	ssyncset.done $0x0  }
0xf: {  	s12 =	simm.s32 $0x0;
	s13 =	simm.s32 $0x0;
	[sflag:s7] =	ssyncadd.s32 $0xFFFF0000  }
.LBB2_2:
0x10: {  	v0 =	vld [tilespmem:s11+$0xFFFFFC00];
	_ =	sdelay $0x2  }
0x11: {  	v1 =	vld [tilespmem:s11+$0xFFFFFC80];
	_ =	sdelay $0x1  }
0x12: {  	v3 =	vld [tilespmem:s11+$0xFFFFFD00];
	v2 =	vsub.f32 $0.0e+00, v0;
	_ =	sdelay $0x1  }
0x13: {  	v4 =	vld [tilespmem:s11+$0xFFFFFD80];
	v2 =	vmul.f32 $1.442695020e+00, v2  }
0x14: {  	v5 =	vsub.f32 $0.0e+00, v1  }
0x15: {  	v30 =	vld [tilespmem:s11+$0xFFFFFE00];
	(erf) = vpow2.f32 v2  }
0x16: {  	v6 =	vsub.f32 $0.0e+00, v3;
	v5 =	vmul.f32 $1.442695020e+00, v5  }
0x17: {  	v7 =	vld [tilespmem:s11+$0xFFFFFE80]  }
0x18: {  	v32 =	vsub.f32 $0.0e+00, v4;
	v31 =	vmul.f32 $1.442695020e+00, v6;
	(erf) = vpow2.f32 v5  }
0x19: {  	v8 =	vld [tilespmem:s11+$0xFFFFFF00]  }
0x1a: {  	v9 =	vld [tilespmem:s11+$0xFFFFFF80];
	v34 =	vsub.f32 $0.0e+00, v30;
	v33 =	vmul.f32 $1.442695020e+00, v32;
	(erf) = vpow2.f32 v31;
	_ =	sdelay $0x1  }
0x1b: {  	v36 =	vsub.f32 $0.0e+00, v7;
	v35 =	vmul.f32 $1.442695020e+00, v34;
	(erf) = vpow2.f32 v33;
	_ =	sdelay $0x1  }
0x1c: {  	v38 =	vsub.f32 $0.0e+00, v8;
	v37 =	vmul.f32 $1.442695020e+00, v36;
	v10 =	vpop (erf);
	(erf) = vpow2.f32 v35  }
0x1d: {  	v40 =	vsub.f32 $0.0e+00, v9  }
0x1e: {  	v39 =	vmul.f32 $1.442695020e+00, v38;
	v10 =	vadd.f32 $0.0e+00, v10;
	(erf) = vpow2.f32 v37  }
0x1f: {  	v11 =	vpop (erf)  }
0x20: {  	v41 =	vmul.f32 $1.442695020e+00, v40;
	(erf) = vpow2.f32 v39;
	v10 =	vadd.f32 v11, v10  }
0x21: {  	v42 =	vpop (erf)  }
0x22: {  	(erf) = vpow2.f32 v41;
	v6 =	vadd.f32 v42, v10  }
0x23: {  	v43 =	vpop (erf)  }
0x24: {  	v5 =	vadd.f32 v43, v6  }
0x25: {  	v44 =	vpop (erf)  }
0x26: {  	v0 =	vmin.f32 v0, v1;
	v5 =	vadd.f32 v44, v5  }
0x27: {  	v0 =	vmin.f32 v0, v3;
	v45 =	vpop (erf)  }
0x28: {  	v0 =	vmin.f32 v0, v4;
	v46 =	vadd.f32 v45, v5  }
0x29: {  	v0 =	vmin.f32 v0, v30;
	v47 =	vpop (erf)  }
0x2a: {  	v0 =	vmin.f32 v0, v7;
	v1 =	vadd.f32 v47, v46  }
0x2b: {  	s14 =	sand.u32 $0x1800, s13;
	s15 =	sand.u32 $0x380, s12;
	v0 =	vmin.f32 v0, v8;
	v48 =	vpop (erf)  }
0x2c: {  	s14 =	sor.u32 s15, s14;
	v0 =	vmin.f32 v0, v9;
	v1 =	vadd.f32 v48, v1  }
0x2d: {  	[tilespmem:s14+$0x12000] =	vst v0  }
0x2e: {  	[tilespmem:s14+$0x10000] =	vst v1  }
0x2f: {  	v0 =	vld [tilespmem:s11+$0xFFFFFC10];
	_ =	sdelay $0x1  }
0x30: {  	v1 =	vld [tilespmem:s11+$0xFFFFFC90];
	_ =	sdelay $0x1  }
0x31: {  	v50 =	vld [tilespmem:s11+$0xFFFFFD10]  }
0x32: {  	v49 =	vsub.f32 $0.0e+00, v0  }
0x33: {  	v51 =	vld [tilespmem:s11+$0xFFFFFD90]  }
0x34: {  	v52 =	vsub.f32 $0.0e+00, v1;
	v2 =	vmul.f32 $1.442695020e+00, v49  }
0x35: {  	v53 =	vld [tilespmem:s11+$0xFFFFFE10]  }
0x36: {  	v54 =	vsub.f32 $0.0e+00, v50;
	v5 =	vmul.f32 $1.442695020e+00, v52;
	(erf) = vpow2.f32 v2  }
0x37: {  	v55 =	vld [tilespmem:s11+$0xFFFFFE90]  }
0x38: {  	v57 =	vsub.f32 $0.0e+00, v51;
	v56 =	vmul.f32 $1.442695020e+00, v54;
	(erf) = vpow2.f32 v5  }
0x39: {  	v58 =	vld [tilespmem:s11+$0xFFFFFF10]  }
0x3a: {  	v61 =	vld [tilespmem:s11+$0xFFFFFF90];
	v60 =	vsub.f32 $0.0e+00, v53;
	v59 =	vmul.f32 $1.442695020e+00, v57;
	(erf) = vpow2.f32 v56;
	_ =	sdelay $0x1  }
0x3b: {  	v63 =	vsub.f32 $0.0e+00, v55;
	v62 =	vmul.f32 $1.442695020e+00, v60;
	(erf) = vpow2.f32 v59;
	_ =	sdelay $0x1  }
0x3c: {  	v14 =	vsub.f32 $0.0e+00, v58;
	v13 =	vmul.f32 $1.442695020e+00, v63;
	(erf) = vpow2.f32 v62  }
0x3d: {  	v16 =	vsub.f32 $0.0e+00, v61;
	v12 =	vpop (erf)  }
0x3e: {  	v15 =	vmul.f32 $1.442695020e+00, v14;
	(erf) = vpow2.f32 v13;
	v10 =	vadd.f32 $0.0e+00, v12  }
0x3f: {  	v17 =	vpop (erf)  }
0x40: {  	v18 =	vmul.f32 $1.442695020e+00, v16;
	(erf) = vpow2.f32 v15;
	v10 =	vadd.f32 v17, v10  }
0x41: {  	v19 =	vpop (erf)  }
0x42: {  	(erf) = vpow2.f32 v18;
	v6 =	vadd.f32 v19, v10  }
0x43: {  	v20 =	vpop (erf)  }
0x44: {  	v5 =	vadd.f32 v20, v6  }
0x45: {  	v21 =	vpop (erf)  }
0x46: {  	v0 =	vmin.f32 v0, v1;
	v5 =	vadd.f32 v21, v5  }
0x47: {  	v0 =	vmin.f32 v0, v50;
	v22 =	vpop (erf)  }
0x48: {  	v0 =	vmin.f32 v0, v51;
	v23 =	vadd.f32 v22, v5  }
0x49: {  	v0 =	vmin.f32 v0, v53;
	v24 =	vpop (erf)  }
0x4a: {  	v0 =	vmin.f32 v0, v55;
	v1 =	vadd.f32 v24, v23  }
0x4b: {  	v0 =	vmin.f32 v0, v58;
	v25 =	vpop (erf)  }
0x4c: {  	v0 =	vmin.f32 v0, v61;
	v1 =	vadd.f32 v25, v1  }
0x4d: {  	[tilespmem:s14+$0x12010] =	vst v0  }
0x4e: {  	[tilespmem:s14+$0x10010] =	vst v1  }
0x4f: {  	v0 =	vld [tilespmem:s11+$0xFFFFFC20];
	_ =	sdelay $0x1  }
0x50: {  	v1 =	vld [tilespmem:s11+$0xFFFFFCA0];
	_ =	sdelay $0x1  }
0x51: {  	v27 =	vld [tilespmem:s11+$0xFFFFFD20]  }
0x52: {  	v26 =	vsub.f32 $0.0e+00, v0  }
0x53: {  	v28 =	vld [tilespmem:s11+$0xFFFFFDA0]  }
0x54: {  	v29 =	vsub.f32 $0.0e+00, v1;
	v2 =	vmul.f32 $1.442695020e+00, v26  }
0x55: {  	v30 =	vld [tilespmem:s11+$0xFFFFFE20]  }
0x56: {  	v31 =	vsub.f32 $0.0e+00, v27;
	v5 =	vmul.f32 $1.442695020e+00, v29;
	(erf) = vpow2.f32 v2  }
0x57: {  	v32 =	vld [tilespmem:s11+$0xFFFFFEA0]  }
0x58: {  	v34 =	vsub.f32 $0.0e+00, v28;
	v33 =	vmul.f32 $1.442695020e+00, v31;
	(erf) = vpow2.f32 v5  }
0x59: {  	v35 =	vld [tilespmem:s11+$0xFFFFFF20]  }
0x5a: {  	v38 =	vld [tilespmem:s11+$0xFFFFFFA0];
	v37 =	vsub.f32 $0.0e+00, v30;
	v36 =	vmul.f32 $1.442695020e+00, v34;
	(erf) = vpow2.f32 v33;
	_ =	sdelay $0x1  }
0x5b: {  	v40 =	vsub.f32 $0.0e+00, v32;
	v39 =	vmul.f32 $1.442695020e+00, v37;
	(erf) = vpow2.f32 v36;
	_ =	sdelay $0x1  }
0x5c: {  	v43 =	vsub.f32 $0.0e+00, v35;
	v42 =	vmul.f32 $1.442695020e+00, v40;
	(erf) = vpow2.f32 v39  }
0x5d: {  	v45 =	vsub.f32 $0.0e+00, v38;
	v41 =	vpop (erf)  }
0x5e: {  	v44 =	vmul.f32 $1.442695020e+00, v43;
	(erf) = vpow2.f32 v42;
	v10 =	vadd.f32 $0.0e+00, v41  }
0x5f: {  	v46 =	vpop (erf)  }
0x60: {  	v47 =	vmul.f32 $1.442695020e+00, v45;
	(erf) = vpow2.f32 v44;
	v10 =	vadd.f32 v46, v10  }
0x61: {  	v48 =	vpop (erf)  }
0x62: {  	(erf) = vpow2.f32 v47;
	v6 =	vadd.f32 v48, v10  }
0x63: {  	v49 =	vpop (erf)  }
0x64: {  	v5 =	vadd.f32 v49, v6  }
0x65: {  	v50 =	vpop (erf)  }
0x66: {  	v0 =	vmin.f32 v0, v1;
	v5 =	vadd.f32 v50, v5  }
0x67: {  	v0 =	vmin.f32 v0, v27;
	v51 =	vpop (erf)  }
0x68: {  	v0 =	vmin.f32 v0, v28;
	v52 =	vadd.f32 v51, v5  }
0x69: {  	v0 =	vmin.f32 v0, v30;
	v53 =	vpop (erf)  }
0x6a: {  	v0 =	vmin.f32 v0, v32;
	v1 =	vadd.f32 v53, v52  }
0x6b: {  	v0 =	vmin.f32 v0, v35;
	v54 =	vpop (erf)  }
0x6c: {  	v0 =	vmin.f32 v0, v38;
	v1 =	vadd.f32 v54, v1  }
0x6d: {  	[tilespmem:s14+$0x12020] =	vst v0  }
0x6e: {  	[tilespmem:s14+$0x10020] =	vst v1  }
0x6f: {  	v0 =	vld [tilespmem:s11+$0xFFFFFC30];
	_ =	sdelay $0x1  }
0x70: {  	v1 =	vld [tilespmem:s11+$0xFFFFFCB0];
	_ =	sdelay $0x1  }
0x71: {  	v56 =	vld [tilespmem:s11+$0xFFFFFD30]  }
0x72: {  	v55 =	vsub.f32 $0.0e+00, v0  }
0x73: {  	v57 =	vld [tilespmem:s11+$0xFFFFFDB0]  }
0x74: {  	v58 =	vsub.f32 $0.0e+00, v1;
	v2 =	vmul.f32 $1.442695020e+00, v55  }
0x75: {  	v59 =	vld [tilespmem:s11+$0xFFFFFE30]  }
0x76: {  	v60 =	vsub.f32 $0.0e+00, v56;
	v5 =	vmul.f32 $1.442695020e+00, v58;
	(erf) = vpow2.f32 v2  }
0x77: {  	v61 =	vld [tilespmem:s11+$0xFFFFFEB0]  }
0x78: {  	v63 =	vsub.f32 $0.0e+00, v57;
	v62 =	vmul.f32 $1.442695020e+00, v60;
	(erf) = vpow2.f32 v5  }
0x79: {  	v12 =	vld [tilespmem:s11+$0xFFFFFF30]  }
0x7a: {  	v15 =	vld [tilespmem:s11+$0xFFFFFFB0];
	v14 =	vsub.f32 $0.0e+00, v59;
	v13 =	vmul.f32 $1.442695020e+00, v63;
	(erf) = vpow2.f32 v62;
	_ =	sdelay $0x1  }
0x7b: {  	v17 =	vsub.f32 $0.0e+00, v61;
	v16 =	vmul.f32 $1.442695020e+00, v14;
	(erf) = vpow2.f32 v13;
	_ =	sdelay $0x1  }
0x7c: {  	v20 =	vsub.f32 $0.0e+00, v12;
	v19 =	vmul.f32 $1.442695020e+00, v17;
	(erf) = vpow2.f32 v16  }
0x7d: {  	v22 =	vsub.f32 $0.0e+00, v15;
	v18 =	vpop (erf)  }
0x7e: {  	v21 =	vmul.f32 $1.442695020e+00, v20;
	(erf) = vpow2.f32 v19;
	v10 =	vadd.f32 $0.0e+00, v18  }
0x7f: {  	v23 =	vpop (erf)  }
0x80: {  	v24 =	vmul.f32 $1.442695020e+00, v22;
	(erf) = vpow2.f32 v21;
	v10 =	vadd.f32 v23, v10  }
0x81: {  	v25 =	vpop (erf)  }
0x82: {  	(erf) = vpow2.f32 v24;
	v6 =	vadd.f32 v25, v10  }
0x83: {  	v26 =	vpop (erf)  }
0x84: {  	v5 =	vadd.f32 v26, v6  }
0x85: {  	v27 =	vpop (erf)  }
0x86: {  	v0 =	vmin.f32 v0, v1;
	v5 =	vadd.f32 v27, v5  }
0x87: {  	v0 =	vmin.f32 v0, v56;
	v28 =	vpop (erf)  }
0x88: {  	v0 =	vmin.f32 v0, v57;
	v29 =	vadd.f32 v28, v5  }
0x89: {  	v0 =	vmin.f32 v0, v59;
	v30 =	vpop (erf)  }
0x8a: {  	v0 =	vmin.f32 v0, v61;
	v1 =	vadd.f32 v30, v29  }
0x8b: {  	v0 =	vmin.f32 v0, v12;
	v31 =	vpop (erf)  }
0x8c: {  	v0 =	vmin.f32 v0, v15;
	v1 =	vadd.f32 v31, v1  }
0x8d: {  	[tilespmem:s14+$0x12030] =	vst v0  }
0x8e: {  	[tilespmem:s14+$0x10030] =	vst v1  }
0x8f: {  	v0 =	vld [tilespmem:s11+$0xFFFFFC40];
	_ =	sdelay $0x1  }
0x90: {  	v1 =	vld [tilespmem:s11+$0xFFFFFCC0];
	_ =	sdelay $0x1  }
0x91: {  	v33 =	vld [tilespmem:s11+$0xFFFFFD40]  }
0x92: {  	v32 =	vsub.f32 $0.0e+00, v0  }
0x93: {  	v34 =	vld [tilespmem:s11+$0xFFFFFDC0]  }
0x94: {  	v35 =	vsub.f32 $0.0e+00, v1;
	v2 =	vmul.f32 $1.442695020e+00, v32  }
0x95: {  	v36 =	vld [tilespmem:s11+$0xFFFFFE40]  }
0x96: {  	v37 =	vsub.f32 $0.0e+00, v33;
	v5 =	vmul.f32 $1.442695020e+00, v35;
	(erf) = vpow2.f32 v2  }
0x97: {  	v38 =	vld [tilespmem:s11+$0xFFFFFEC0]  }
0x98: {  	v40 =	vsub.f32 $0.0e+00, v34;
	v39 =	vmul.f32 $1.442695020e+00, v37;
	(erf) = vpow2.f32 v5  }
0x99: {  	v41 =	vld [tilespmem:s11+$0xFFFFFF40]  }
0x9a: {  	v44 =	vld [tilespmem:s11+$0xFFFFFFC0];
	v43 =	vsub.f32 $0.0e+00, v36;
	v42 =	vmul.f32 $1.442695020e+00, v40;
	(erf) = vpow2.f32 v39;
	_ =	sdelay $0x1  }
0x9b: {  	v46 =	vsub.f32 $0.0e+00, v38;
	v45 =	vmul.f32 $1.442695020e+00, v43;
	(erf) = vpow2.f32 v42;
	_ =	sdelay $0x1  }
0x9c: {  	v49 =	vsub.f32 $0.0e+00, v41;
	v48 =	vmul.f32 $1.442695020e+00, v46;
	(erf) = vpow2.f32 v45  }
0x9d: {  	v51 =	vsub.f32 $0.0e+00, v44;
	v47 =	vpop (erf)  }
0x9e: {  	v50 =	vmul.f32 $1.442695020e+00, v49;
	(erf) = vpow2.f32 v48;
	v10 =	vadd.f32 $0.0e+00, v47  }
0x9f: {  	v52 =	vpop (erf)  }
0xa0: {  	v53 =	vmul.f32 $1.442695020e+00, v51;
	(erf) = vpow2.f32 v50;
	v10 =	vadd.f32 v52, v10  }
0xa1: {  	v54 =	vpop (erf)  }
0xa2: {  	(erf) = vpow2.f32 v53;
	v6 =	vadd.f32 v54, v10  }
0xa3: {  	v55 =	vpop (erf)  }
0xa4: {  	v5 =	vadd.f32 v55, v6  }
0xa5: {  	v56 =	vpop (erf)  }
0xa6: {  	v0 =	vmin.f32 v0, v1;
	v5 =	vadd.f32 v56, v5  }
0xa7: {  	v0 =	vmin.f32 v0, v33;
	v57 =	vpop (erf)  }
0xa8: {  	v0 =	vmin.f32 v0, v34;
	v58 =	vadd.f32 v57, v5  }
0xa9: {  	v0 =	vmin.f32 v0, v36;
	v59 =	vpop (erf)  }
0xaa: {  	v0 =	vmin.f32 v0, v38;
	v1 =	vadd.f32 v59, v58  }
0xab: {  	v0 =	vmin.f32 v0, v41;
	v60 =	vpop (erf)  }
0xac: {  	v0 =	vmin.f32 v0, v44;
	v1 =	vadd.f32 v60, v1  }
0xad: {  	[tilespmem:s14+$0x12040] =	vst v0  }
0xae: {  	[tilespmem:s14+$0x10040] =	vst v1  }
0xaf: {  	v0 =	vld [tilespmem:s11+$0xFFFFFC50];
	_ =	sdelay $0x1  }
0xb0: {  	v1 =	vld [tilespmem:s11+$0xFFFFFCD0];
	_ =	sdelay $0x1  }
0xb1: {  	v62 =	vld [tilespmem:s11+$0xFFFFFD50]  }
0xb2: {  	v61 =	vsub.f32 $0.0e+00, v0  }
0xb3: {  	v63 =	vld [tilespmem:s11+$0xFFFFFDD0]  }
0xb4: {  	v12 =	vsub.f32 $0.0e+00, v1;
	v2 =	vmul.f32 $1.442695020e+00, v61  }
0xb5: {  	v13 =	vld [tilespmem:s11+$0xFFFFFE50]  }
0xb6: {  	v14 =	vsub.f32 $0.0e+00, v62;
	v5 =	vmul.f32 $1.442695020e+00, v12;
	(erf) = vpow2.f32 v2  }
0xb7: {  	v15 =	vld [tilespmem:s11+$0xFFFFFED0]  }
0xb8: {  	v17 =	vsub.f32 $0.0e+00, v63;
	v16 =	vmul.f32 $1.442695020e+00, v14;
	(erf) = vpow2.f32 v5  }
0xb9: {  	v18 =	vld [tilespmem:s11+$0xFFFFFF50]  }
0xba: {  	v21 =	vld [tilespmem:s11+$0xFFFFFFD0];
	v20 =	vsub.f32 $0.0e+00, v13;
	v19 =	vmul.f32 $1.442695020e+00, v17;
	(erf) = vpow2.f32 v16;
	_ =	sdelay $0x1  }
0xbb: {  	v23 =	vsub.f32 $0.0e+00, v15;
	v22 =	vmul.f32 $1.442695020e+00, v20;
	(erf) = vpow2.f32 v19;
	_ =	sdelay $0x1  }
0xbc: {  	v26 =	vsub.f32 $0.0e+00, v18;
	v25 =	vmul.f32 $1.442695020e+00, v23;
	(erf) = vpow2.f32 v22  }
0xbd: {  	v28 =	vsub.f32 $0.0e+00, v21;
	v24 =	vpop (erf)  }
0xbe: {  	v27 =	vmul.f32 $1.442695020e+00, v26;
	(erf) = vpow2.f32 v25;
	v10 =	vadd.f32 $0.0e+00, v24  }
0xbf: {  	v29 =	vpop (erf)  }
0xc0: {  	v30 =	vmul.f32 $1.442695020e+00, v28;
	(erf) = vpow2.f32 v27;
	v10 =	vadd.f32 v29, v10  }
0xc1: {  	v31 =	vpop (erf)  }
0xc2: {  	(erf) = vpow2.f32 v30;
	v6 =	vadd.f32 v31, v10  }
0xc3: {  	v32 =	vpop (erf)  }
0xc4: {  	v5 =	vadd.f32 v32, v6  }
0xc5: {  	v33 =	vpop (erf)  }
0xc6: {  	v0 =	vmin.f32 v0, v1;
	v5 =	vadd.f32 v33, v5  }
0xc7: {  	v0 =	vmin.f32 v0, v62;
	v34 =	vpop (erf)  }
0xc8: {  	v0 =	vmin.f32 v0, v63;
	v35 =	vadd.f32 v34, v5  }
0xc9: {  	v0 =	vmin.f32 v0, v13;
	v36 =	vpop (erf)  }
0xca: {  	v0 =	vmin.f32 v0, v15;
	v1 =	vadd.f32 v36, v35  }
0xcb: {  	v0 =	vmin.f32 v0, v18;
	v37 =	vpop (erf)  }
0xcc: {  	v0 =	vmin.f32 v0, v21;
	v1 =	vadd.f32 v37, v1  }
0xcd: {  	[tilespmem:s14+$0x12050] =	vst v0  }
0xce: {  	[tilespmem:s14+$0x10050] =	vst v1  }
0xcf: {  	v0 =	vld [tilespmem:s11+$0xFFFFFC60];
	_ =	sdelay $0x1  }
0xd0: {  	v1 =	vld [tilespmem:s11+$0xFFFFFCE0];
	_ =	sdelay $0x1  }
0xd1: {  	v39 =	vld [tilespmem:s11+$0xFFFFFD60]  }
0xd2: {  	v38 =	vsub.f32 $0.0e+00, v0  }
0xd3: {  	v40 =	vld [tilespmem:s11+$0xFFFFFDE0]  }
0xd4: {  	v41 =	vsub.f32 $0.0e+00, v1;
	v2 =	vmul.f32 $1.442695020e+00, v38  }
0xd5: {  	v42 =	vld [tilespmem:s11+$0xFFFFFE60]  }
0xd6: {  	v43 =	vsub.f32 $0.0e+00, v39;
	v5 =	vmul.f32 $1.442695020e+00, v41;
	(erf) = vpow2.f32 v2  }
0xd7: {  	v44 =	vld [tilespmem:s11+$0xFFFFFEE0]  }
0xd8: {  	v46 =	vsub.f32 $0.0e+00, v40;
	v45 =	vmul.f32 $1.442695020e+00, v43;
	(erf) = vpow2.f32 v5  }
0xd9: {  	v47 =	vld [tilespmem:s11+$0xFFFFFF60]  }
0xda: {  	v50 =	vld [tilespmem:s11+$0xFFFFFFE0];
	v49 =	vsub.f32 $0.0e+00, v42;
	v48 =	vmul.f32 $1.442695020e+00, v46;
	(erf) = vpow2.f32 v45;
	_ =	sdelay $0x1  }
0xdb: {  	v52 =	vsub.f32 $0.0e+00, v44;
	v51 =	vmul.f32 $1.442695020e+00, v49;
	(erf) = vpow2.f32 v48;
	_ =	sdelay $0x1  }
0xdc: {  	v55 =	vsub.f32 $0.0e+00, v47;
	v54 =	vmul.f32 $1.442695020e+00, v52;
	(erf) = vpow2.f32 v51  }
0xdd: {  	v57 =	vsub.f32 $0.0e+00, v50;
	v53 =	vpop (erf)  }
0xde: {  	v56 =	vmul.f32 $1.442695020e+00, v55;
	(erf) = vpow2.f32 v54;
	v10 =	vadd.f32 $0.0e+00, v53  }
0xdf: {  	v58 =	vpop (erf)  }
0xe0: {  	v59 =	vmul.f32 $1.442695020e+00, v57;
	(erf) = vpow2.f32 v56;
	v10 =	vadd.f32 v58, v10  }
0xe1: {  	v60 =	vpop (erf)  }
0xe2: {  	(erf) = vpow2.f32 v59;
	v6 =	vadd.f32 v60, v10  }
0xe3: {  	v61 =	vpop (erf)  }
0xe4: {  	v5 =	vadd.f32 v61, v6  }
0xe5: {  	v62 =	vpop (erf)  }
0xe6: {  	v0 =	vmin.f32 v0, v1;
	v5 =	vadd.f32 v62, v5  }
0xe7: {  	v0 =	vmin.f32 v0, v39;
	v63 =	vpop (erf)  }
0xe8: {  	v0 =	vmin.f32 v0, v40;
	v10 =	vadd.f32 v63, v5  }
0xe9: {  	v0 =	vmin.f32 v0, v42;
	v11 =	vpop (erf)  }
0xea: {  	v0 =	vmin.f32 v0, v44;
	v1 =	vadd.f32 v11, v10  }
0xeb: {  	v0 =	vmin.f32 v0, v47;
	v12 =	vpop (erf)  }
0xec: {  	v0 =	vmin.f32 v0, v50;
	v1 =	vadd.f32 v12, v1  }
0xed: {  	[tilespmem:s14+$0x12060] =	vst v0  }
0xee: {  	[tilespmem:s14+$0x10060] =	vst v1  }
0xef: {  	v0 =	vld [tilespmem:s11+$0xFFFFFC70];
	_ =	sdelay $0x1  }
0xf0: {  	v1 =	vld [tilespmem:s11+$0xFFFFFCF0];
	_ =	sdelay $0x1  }
0xf1: {  	v14 =	vld [tilespmem:s11+$0xFFFFFD70]  }
0xf2: {  	v13 =	vsub.f32 $0.0e+00, v0  }
0xf3: {  	v15 =	vld [tilespmem:s11+$0xFFFFFDF0]  }
0xf4: {  	v16 =	vsub.f32 $0.0e+00, v1;
	v2 =	vmul.f32 $1.442695020e+00, v13  }
0xf5: {  	v17 =	vld [tilespmem:s11+$0xFFFFFE70]  }
0xf6: {  	v18 =	vsub.f32 $0.0e+00, v14;
	v5 =	vmul.f32 $1.442695020e+00, v16;
	(erf) = vpow2.f32 v2  }
0xf7: {  	v19 =	vld [tilespmem:s11+$0xFFFFFEF0]  }
0xf8: {  	v21 =	vsub.f32 $0.0e+00, v15;
	v20 =	vmul.f32 $1.442695020e+00, v18;
	(erf) = vpow2.f32 v5  }
0xf9: {  	v22 =	vld [tilespmem:s11+$0xFFFFFF70]  }
0xfa: {  	v25 =	vld [tilespmem:s11+$0xFFFFFFF0];
	v24 =	vsub.f32 $0.0e+00, v17;
	v23 =	vmul.f32 $1.442695020e+00, v21;
	(erf) = vpow2.f32 v20;
	_ =	sdelay $0x1  }
0xfb: {  	v27 =	vsub.f32 $0.0e+00, v19;
	v26 =	vmul.f32 $1.442695020e+00, v24;
	(erf) = vpow2.f32 v23;
	_ =	sdelay $0x1  }
0xfc: {  	v30 =	vsub.f32 $0.0e+00, v22;
	v29 =	vmul.f32 $1.442695020e+00, v27;
	(erf) = vpow2.f32 v26  }
0xfd: {  	v32 =	vsub.f32 $0.0e+00, v25;
	v28 =	vpop (erf)  }
0xfe: {  	v31 =	vmul.f32 $1.442695020e+00, v30;
	(erf) = vpow2.f32 v29;
	v10 =	vadd.f32 $0.0e+00, v28  }
0xff: {  	v33 =	vpop (erf)  }
0x100: {  	v34 =	vmul.f32 $1.442695020e+00, v32;
	(erf) = vpow2.f32 v31;
	v10 =	vadd.f32 v33, v10  }
0x101: {  	v35 =	vpop (erf)  }
0x102: {  	(erf) = vpow2.f32 v34;
	v6 =	vadd.f32 v35, v10  }
0x103: {  	v36 =	vpop (erf)  }
0x104: {  	v5 =	vadd.f32 v36, v6  }
0x105: {  	v37 =	vpop (erf)  }
0x106: {  	v0 =	vmin.f32 v0, v1;
	v5 =	vadd.f32 v37, v5  }
0x107: {  	v0 =	vmin.f32 v0, v14;
	v38 =	vpop (erf)  }
0x108: {  	v0 =	vmin.f32 v0, v15;
	v39 =	vadd.f32 v38, v5  }
0x109: {  	v0 =	vmin.f32 v0, v17;
	v40 =	vpop (erf)  }
0x10a: {  	v0 =	vmin.f32 v0, v19;
	v1 =	vadd.f32 v40, v39  }
0x10b: {  	v0 =	vmin.f32 v0, v22;
	v41 =	vpop (erf)  }
0x10c: {  	v0 =	vmin.f32 v0, v25;
	v1 =	vadd.f32 v41, v1  }
0x10d: {  	[tilespmem:s14+$0x12070] =	vst v0  }
0x10e: {  	[tilespmem:s14+$0x10070] =	vst v1  }
0x10f: {  	v0 =	vld [tilespmem:s11+$0x0];
	_ =	sdelay $0x1  }
0x110: {  	v1 =	vld [tilespmem:s11+$0x80];
	_ =	sdelay $0x1  }
0x111: {  	v43 =	vld [tilespmem:s11+$0x100]  }
0x112: {  	v42 =	vsub.f32 $0.0e+00, v0  }
0x113: {  	v44 =	vld [tilespmem:s11+$0x180]  }
0x114: {  	v45 =	vsub.f32 $0.0e+00, v1;
	v2 =	vmul.f32 $1.442695020e+00, v42  }
0x115: {  	v46 =	vld [tilespmem:s11+$0x200]  }
0x116: {  	v47 =	vsub.f32 $0.0e+00, v43;
	v5 =	vmul.f32 $1.442695020e+00, v45;
	(erf) = vpow2.f32 v2  }
0x117: {  	v48 =	vld [tilespmem:s11+$0x280]  }
0x118: {  	v50 =	vsub.f32 $0.0e+00, v44;
	v49 =	vmul.f32 $1.442695020e+00, v47;
	(erf) = vpow2.f32 v5  }
0x119: {  	v51 =	vld [tilespmem:s11+$0x300]  }
0x11a: {  	v54 =	vld [tilespmem:s11+$0x380];
	v53 =	vsub.f32 $0.0e+00, v46;
	v52 =	vmul.f32 $1.442695020e+00, v50;
	(erf) = vpow2.f32 v49;
	_ =	sdelay $0x1  }
0x11b: {  	v56 =	vsub.f32 $0.0e+00, v48;
	v55 =	vmul.f32 $1.442695020e+00, v53;
	(erf) = vpow2.f32 v52;
	_ =	sdelay $0x1  }
0x11c: {  	v59 =	vsub.f32 $0.0e+00, v51;
	v58 =	vmul.f32 $1.442695020e+00, v56;
	(erf) = vpow2.f32 v55  }
0x11d: {  	v61 =	vsub.f32 $0.0e+00, v54;
	v57 =	vpop (erf)  }
0x11e: {  	v60 =	vmul.f32 $1.442695020e+00, v59;
	(erf) = vpow2.f32 v58;
	v10 =	vadd.f32 $0.0e+00, v57  }
0x11f: {  	v62 =	vpop (erf)  }
0x120: {  	v63 =	vmul.f32 $1.442695020e+00, v61;
	(erf) = vpow2.f32 v60;
	v10 =	vadd.f32 v62, v10  }
0x121: {  	v11 =	vpop (erf)  }
0x122: {  	(erf) = vpow2.f32 v63;
	v6 =	vadd.f32 v11, v10  }
0x123: {  	v12 =	vpop (erf)  }
0x124: {  	v5 =	vadd.f32 v12, v6  }
0x125: {  	v13 =	vpop (erf)  }
0x126: {  	v0 =	vmin.f32 v0, v1;
	v5 =	vadd.f32 v13, v5  }
0x127: {  	v0 =	vmin.f32 v0, v43;
	v14 =	vpop (erf)  }
0x128: {  	v0 =	vmin.f32 v0, v44;
	v15 =	vadd.f32 v14, v5  }
0x129: {  	v0 =	vmin.f32 v0, v46;
	v16 =	vpop (erf)  }
0x12a: {  	v0 =	vmin.f32 v0, v48;
	v1 =	vadd.f32 v16, v15  }
0x12b: {  	v0 =	vmin.f32 v0, v51;
	v17 =	vpop (erf)  }
0x12c: {  	v0 =	vmin.f32 v0, v54;
	v1 =	vadd.f32 v17, v1  }
0x12d: {  	[tilespmem:s14+$0x12400] =	vst v0  }
0x12e: {  	[tilespmem:s14+$0x10400] =	vst v1  }
0x12f: {  	v0 =	vld [tilespmem:s11+$0x10];
	_ =	sdelay $0x1  }
0x130: {  	v1 =	vld [tilespmem:s11+$0x90];
	_ =	sdelay $0x1  }
0x131: {  	v19 =	vld [tilespmem:s11+$0x110]  }
0x132: {  	v18 =	vsub.f32 $0.0e+00, v0  }
0x133: {  	v20 =	vld [tilespmem:s11+$0x190]  }
0x134: {  	v21 =	vsub.f32 $0.0e+00, v1;
	v2 =	vmul.f32 $1.442695020e+00, v18  }
0x135: {  	v22 =	vld [tilespmem:s11+$0x210]  }
0x136: {  	v23 =	vsub.f32 $0.0e+00, v19;
	v5 =	vmul.f32 $1.442695020e+00, v21;
	(erf) = vpow2.f32 v2  }
0x137: {  	v24 =	vld [tilespmem:s11+$0x290]  }
0x138: {  	v26 =	vsub.f32 $0.0e+00, v20;
	v25 =	vmul.f32 $1.442695020e+00, v23;
	(erf) = vpow2.f32 v5  }
0x139: {  	v27 =	vld [tilespmem:s11+$0x310]  }
0x13a: {  	v30 =	vld [tilespmem:s11+$0x390];
	v29 =	vsub.f32 $0.0e+00, v22;
	v28 =	vmul.f32 $1.442695020e+00, v26;
	(erf) = vpow2.f32 v25;
	_ =	sdelay $0x1  }
0x13b: {  	v32 =	vsub.f32 $0.0e+00, v24;
	v31 =	vmul.f32 $1.442695020e+00, v29;
	(erf) = vpow2.f32 v28;
	_ =	sdelay $0x1  }
0x13c: {  	v35 =	vsub.f32 $0.0e+00, v27;
	v34 =	vmul.f32 $1.442695020e+00, v32;
	(erf) = vpow2.f32 v31  }
0x13d: {  	v37 =	vsub.f32 $0.0e+00, v30;
	v33 =	vpop (erf)  }
0x13e: {  	v36 =	vmul.f32 $1.442695020e+00, v35;
	(erf) = vpow2.f32 v34;
	v10 =	vadd.f32 $0.0e+00, v33  }
0x13f: {  	v38 =	vpop (erf)  }
0x140: {  	v39 =	vmul.f32 $1.442695020e+00, v37;
	(erf) = vpow2.f32 v36;
	v10 =	vadd.f32 v38, v10  }
0x141: {  	v40 =	vpop (erf)  }
0x142: {  	(erf) = vpow2.f32 v39;
	v6 =	vadd.f32 v40, v10  }
0x143: {  	v41 =	vpop (erf)  }
0x144: {  	v5 =	vadd.f32 v41, v6  }
0x145: {  	v42 =	vpop (erf)  }
0x146: {  	v0 =	vmin.f32 v0, v1;
	v5 =	vadd.f32 v42, v5  }
0x147: {  	v0 =	vmin.f32 v0, v19;
	v43 =	vpop (erf)  }
0x148: {  	v0 =	vmin.f32 v0, v20;
	v44 =	vadd.f32 v43, v5  }
0x149: {  	v0 =	vmin.f32 v0, v22;
	v45 =	vpop (erf)  }
0x14a: {  	v0 =	vmin.f32 v0, v24;
	v1 =	vadd.f32 v45, v44  }
0x14b: {  	v0 =	vmin.f32 v0, v27;
	v46 =	vpop (erf)  }
0x14c: {  	v0 =	vmin.f32 v0, v30;
	v1 =	vadd.f32 v46, v1  }
0x14d: {  	[tilespmem:s14+$0x12410] =	vst v0  }
0x14e: {  	[tilespmem:s14+$0x10410] =	vst v1  }
0x14f: {  	v0 =	vld [tilespmem:s11+$0x20];
	_ =	sdelay $0x1  }
0x150: {  	v1 =	vld [tilespmem:s11+$0xA0];
	_ =	sdelay $0x1  }
0x151: {  	v48 =	vld [tilespmem:s11+$0x120]  }
0x152: {  	v47 =	vsub.f32 $0.0e+00, v0  }
0x153: {  	v49 =	vld [tilespmem:s11+$0x1A0]  }
0x154: {  	v50 =	vsub.f32 $0.0e+00, v1;
	v2 =	vmul.f32 $1.442695020e+00, v47  }
0x155: {  	v51 =	vld [tilespmem:s11+$0x220]  }
0x156: {  	v52 =	vsub.f32 $0.0e+00, v48;
	v5 =	vmul.f32 $1.442695020e+00, v50;
	(erf) = vpow2.f32 v2  }
0x157: {  	v53 =	vld [tilespmem:s11+$0x2A0]  }
0x158: {  	v55 =	vsub.f32 $0.0e+00, v49;
	v54 =	vmul.f32 $1.442695020e+00, v52;
	(erf) = vpow2.f32 v5  }
0x159: {  	v56 =	vld [tilespmem:s11+$0x320]  }
0x15a: {  	v59 =	vld [tilespmem:s11+$0x3A0];
	v58 =	vsub.f32 $0.0e+00, v51;
	v57 =	vmul.f32 $1.442695020e+00, v55;
	(erf) = vpow2.f32 v54;
	_ =	sdelay $0x1  }
0x15b: {  	v61 =	vsub.f32 $0.0e+00, v53;
	v60 =	vmul.f32 $1.442695020e+00, v58;
	(erf) = vpow2.f32 v57;
	_ =	sdelay $0x1  }
0x15c: {  	v12 =	vsub.f32 $0.0e+00, v56;
	v63 =	vmul.f32 $1.442695020e+00, v61;
	(erf) = vpow2.f32 v60  }
0x15d: {  	v14 =	vsub.f32 $0.0e+00, v59;
	v62 =	vpop (erf)  }
0x15e: {  	v13 =	vmul.f32 $1.442695020e+00, v12;
	(erf) = vpow2.f32 v63;
	v10 =	vadd.f32 $0.0e+00, v62  }
0x15f: {  	v15 =	vpop (erf)  }
0x160: {  	v16 =	vmul.f32 $1.442695020e+00, v14;
	(erf) = vpow2.f32 v13;
	v10 =	vadd.f32 v15, v10  }
0x161: {  	v17 =	vpop (erf)  }
0x162: {  	(erf) = vpow2.f32 v16;
	v6 =	vadd.f32 v17, v10  }
0x163: {  	v18 =	vpop (erf)  }
0x164: {  	v5 =	vadd.f32 v18, v6  }
0x165: {  	v19 =	vpop (erf)  }
0x166: {  	v0 =	vmin.f32 v0, v1;
	v5 =	vadd.f32 v19, v5  }
0x167: {  	v0 =	vmin.f32 v0, v48;
	v20 =	vpop (erf)  }
0x168: {  	v0 =	vmin.f32 v0, v49;
	v21 =	vadd.f32 v20, v5  }
0x169: {  	v0 =	vmin.f32 v0, v51;
	v22 =	vpop (erf)  }
0x16a: {  	v0 =	vmin.f32 v0, v53;
	v1 =	vadd.f32 v22, v21  }
0x16b: {  	v0 =	vmin.f32 v0, v56;
	v23 =	vpop (erf)  }
0x16c: {  	v0 =	vmin.f32 v0, v59;
	v1 =	vadd.f32 v23, v1  }
0x16d: {  	[tilespmem:s14+$0x12420] =	vst v0  }
0x16e: {  	[tilespmem:s14+$0x10420] =	vst v1  }
0x16f: {  	v0 =	vld [tilespmem:s11+$0x30];
	_ =	sdelay $0x1  }
0x170: {  	v1 =	vld [tilespmem:s11+$0xB0];
	_ =	sdelay $0x1  }
0x171: {  	v25 =	vld [tilespmem:s11+$0x130]  }
0x172: {  	v24 =	vsub.f32 $0.0e+00, v0  }
0x173: {  	v26 =	vld [tilespmem:s11+$0x1B0]  }
0x174: {  	v27 =	vsub.f32 $0.0e+00, v1;
	v2 =	vmul.f32 $1.442695020e+00, v24  }
0x175: {  	v28 =	vld [tilespmem:s11+$0x230]  }
0x176: {  	v29 =	vsub.f32 $0.0e+00, v25;
	v5 =	vmul.f32 $1.442695020e+00, v27;
	(erf) = vpow2.f32 v2  }
0x177: {  	v30 =	vld [tilespmem:s11+$0x2B0]  }
0x178: {  	v32 =	vsub.f32 $0.0e+00, v26;
	v31 =	vmul.f32 $1.442695020e+00, v29;
	(erf) = vpow2.f32 v5  }
0x179: {  	v33 =	vld [tilespmem:s11+$0x330]  }
0x17a: {  	v36 =	vld [tilespmem:s11+$0x3B0];
	v35 =	vsub.f32 $0.0e+00, v28;
	v34 =	vmul.f32 $1.442695020e+00, v32;
	(erf) = vpow2.f32 v31;
	_ =	sdelay $0x1  }
0x17b: {  	v38 =	vsub.f32 $0.0e+00, v30;
	v37 =	vmul.f32 $1.442695020e+00, v35;
	(erf) = vpow2.f32 v34;
	_ =	sdelay $0x1  }
0x17c: {  	v41 =	vsub.f32 $0.0e+00, v33;
	v40 =	vmul.f32 $1.442695020e+00, v38;
	(erf) = vpow2.f32 v37  }
0x17d: {  	v43 =	vsub.f32 $0.0e+00, v36;
	v39 =	vpop (erf)  }
0x17e: {  	v42 =	vmul.f32 $1.442695020e+00, v41;
	(erf) = vpow2.f32 v40;
	v10 =	vadd.f32 $0.0e+00, v39  }
0x17f: {  	v44 =	vpop (erf)  }
0x180: {  	v45 =	vmul.f32 $1.442695020e+00, v43;
	(erf) = vpow2.f32 v42;
	v10 =	vadd.f32 v44, v10  }
0x181: {  	v46 =	vpop (erf)  }
0x182: {  	(erf) = vpow2.f32 v45;
	v6 =	vadd.f32 v46, v10  }
0x183: {  	v47 =	vpop (erf)  }
0x184: {  	v5 =	vadd.f32 v47, v6  }
0x185: {  	v48 =	vpop (erf)  }
0x186: {  	v0 =	vmin.f32 v0, v1;
	v5 =	vadd.f32 v48, v5  }
0x187: {  	v0 =	vmin.f32 v0, v25;
	v49 =	vpop (erf)  }
0x188: {  	v0 =	vmin.f32 v0, v26;
	v50 =	vadd.f32 v49, v5  }
0x189: {  	v0 =	vmin.f32 v0, v28;
	v51 =	vpop (erf)  }
0x18a: {  	v0 =	vmin.f32 v0, v30;
	v1 =	vadd.f32 v51, v50  }
0x18b: {  	v0 =	vmin.f32 v0, v33;
	v52 =	vpop (erf)  }
0x18c: {  	v0 =	vmin.f32 v0, v36;
	v1 =	vadd.f32 v52, v1  }
0x18d: {  	[tilespmem:s14+$0x12430] =	vst v0  }
0x18e: {  	[tilespmem:s14+$0x10430] =	vst v1  }
0x18f: {  	v0 =	vld [tilespmem:s11+$0x40];
	_ =	sdelay $0x1  }
0x190: {  	v1 =	vld [tilespmem:s11+$0xC0];
	_ =	sdelay $0x1  }
0x191: {  	v54 =	vld [tilespmem:s11+$0x140]  }
0x192: {  	v53 =	vsub.f32 $0.0e+00, v0  }
0x193: {  	v55 =	vld [tilespmem:s11+$0x1C0]  }
0x194: {  	v56 =	vsub.f32 $0.0e+00, v1;
	v2 =	vmul.f32 $1.442695020e+00, v53  }
0x195: {  	v57 =	vld [tilespmem:s11+$0x240]  }
0x196: {  	v58 =	vsub.f32 $0.0e+00, v54;
	v5 =	vmul.f32 $1.442695020e+00, v56;
	(erf) = vpow2.f32 v2  }
0x197: {  	v59 =	vld [tilespmem:s11+$0x2C0]  }
0x198: {  	v61 =	vsub.f32 $0.0e+00, v55;
	v60 =	vmul.f32 $1.442695020e+00, v58;
	(erf) = vpow2.f32 v5  }
0x199: {  	v62 =	vld [tilespmem:s11+$0x340]  }
0x19a: {  	v13 =	vld [tilespmem:s11+$0x3C0];
	v12 =	vsub.f32 $0.0e+00, v57;
	v63 =	vmul.f32 $1.442695020e+00, v61;
	(erf) = vpow2.f32 v60;
	_ =	sdelay $0x1  }
0x19b: {  	v15 =	vsub.f32 $0.0e+00, v59;
	v14 =	vmul.f32 $1.442695020e+00, v12;
	(erf) = vpow2.f32 v63;
	_ =	sdelay $0x1  }
0x19c: {  	v18 =	vsub.f32 $0.0e+00, v62;
	v17 =	vmul.f32 $1.442695020e+00, v15;
	(erf) = vpow2.f32 v14  }
0x19d: {  	v20 =	vsub.f32 $0.0e+00, v13;
	v16 =	vpop (erf)  }
0x19e: {  	v19 =	vmul.f32 $1.442695020e+00, v18;
	(erf) = vpow2.f32 v17;
	v10 =	vadd.f32 $0.0e+00, v16  }
0x19f: {  	v21 =	vpop (erf)  }
0x1a0: {  	v22 =	vmul.f32 $1.442695020e+00, v20;
	(erf) = vpow2.f32 v19;
	v10 =	vadd.f32 v21, v10  }
0x1a1: {  	v23 =	vpop (erf)  }
0x1a2: {  	(erf) = vpow2.f32 v22;
	v6 =	vadd.f32 v23, v10  }
0x1a3: {  	v24 =	vpop (erf)  }
0x1a4: {  	v5 =	vadd.f32 v24, v6  }
0x1a5: {  	v25 =	vpop (erf)  }
0x1a6: {  	v0 =	vmin.f32 v0, v1;
	v5 =	vadd.f32 v25, v5  }
0x1a7: {  	v0 =	vmin.f32 v0, v54;
	v26 =	vpop (erf)  }
0x1a8: {  	v0 =	vmin.f32 v0, v55;
	v27 =	vadd.f32 v26, v5  }
0x1a9: {  	v0 =	vmin.f32 v0, v57;
	v28 =	vpop (erf)  }
0x1aa: {  	v0 =	vmin.f32 v0, v59;
	v1 =	vadd.f32 v28, v27  }
0x1ab: {  	v0 =	vmin.f32 v0, v62;
	v29 =	vpop (erf)  }
0x1ac: {  	v0 =	vmin.f32 v0, v13;
	v1 =	vadd.f32 v29, v1  }
0x1ad: {  	[tilespmem:s14+$0x12440] =	vst v0  }
0x1ae: {  	[tilespmem:s14+$0x10440] =	vst v1  }
0x1af: {  	v0 =	vld [tilespmem:s11+$0x50];
	_ =	sdelay $0x1  }
0x1b0: {  	v1 =	vld [tilespmem:s11+$0xD0];
	_ =	sdelay $0x1  }
0x1b1: {  	v31 =	vld [tilespmem:s11+$0x150]  }
0x1b2: {  	v30 =	vsub.f32 $0.0e+00, v0  }
0x1b3: {  	v32 =	vld [tilespmem:s11+$0x1D0]  }
0x1b4: {  	v33 =	vsub.f32 $0.0e+00, v1;
	v2 =	vmul.f32 $1.442695020e+00, v30  }
0x1b5: {  	v34 =	vld [tilespmem:s11+$0x250]  }
0x1b6: {  	v35 =	vsub.f32 $0.0e+00, v31;
	v5 =	vmul.f32 $1.442695020e+00, v33;
	(erf) = vpow2.f32 v2  }
0x1b7: {  	v36 =	vld [tilespmem:s11+$0x2D0]  }
0x1b8: {  	v38 =	vsub.f32 $0.0e+00, v32;
	v37 =	vmul.f32 $1.442695020e+00, v35;
	(erf) = vpow2.f32 v5  }
0x1b9: {  	v39 =	vld [tilespmem:s11+$0x350]  }
0x1ba: {  	v42 =	vld [tilespmem:s11+$0x3D0];
	v41 =	vsub.f32 $0.0e+00, v34;
	v40 =	vmul.f32 $1.442695020e+00, v38;
	(erf) = vpow2.f32 v37;
	_ =	sdelay $0x1  }
0x1bb: {  	v44 =	vsub.f32 $0.0e+00, v36;
	v43 =	vmul.f32 $1.442695020e+00, v41;
	(erf) = vpow2.f32 v40;
	_ =	sdelay $0x1  }
0x1bc: {  	v47 =	vsub.f32 $0.0e+00, v39;
	v46 =	vmul.f32 $1.442695020e+00, v44;
	(erf) = vpow2.f32 v43  }
0x1bd: {  	v49 =	vsub.f32 $0.0e+00, v42;
	v45 =	vpop (erf)  }
0x1be: {  	v48 =	vmul.f32 $1.442695020e+00, v47;
	(erf) = vpow2.f32 v46;
	v10 =	vadd.f32 $0.0e+00, v45  }
0x1bf: {  	v50 =	vpop (erf)  }
0x1c0: {  	v51 =	vmul.f32 $1.442695020e+00, v49;
	(erf) = vpow2.f32 v48;
	v10 =	vadd.f32 v50, v10  }
0x1c1: {  	v52 =	vpop (erf)  }
0x1c2: {  	(erf) = vpow2.f32 v51;
	v6 =	vadd.f32 v52, v10  }
0x1c3: {  	v53 =	vpop (erf)  }
0x1c4: {  	v5 =	vadd.f32 v53, v6  }
0x1c5: {  	v54 =	vpop (erf)  }
0x1c6: {  	v0 =	vmin.f32 v0, v1;
	v5 =	vadd.f32 v54, v5  }
0x1c7: {  	v0 =	vmin.f32 v0, v31;
	v55 =	vpop (erf)  }
0x1c8: {  	v0 =	vmin.f32 v0, v32;
	v56 =	vadd.f32 v55, v5  }
0x1c9: {  	v0 =	vmin.f32 v0, v34;
	v57 =	vpop (erf)  }
0x1ca: {  	v0 =	vmin.f32 v0, v36;
	v1 =	vadd.f32 v57, v56  }
0x1cb: {  	v0 =	vmin.f32 v0, v39;
	v58 =	vpop (erf)  }
0x1cc: {  	v0 =	vmin.f32 v0, v42;
	v1 =	vadd.f32 v58, v1  }
0x1cd: {  	[tilespmem:s14+$0x12450] =	vst v0  }
0x1ce: {  	[tilespmem:s14+$0x10450] =	vst v1  }
0x1cf: {  	v0 =	vld [tilespmem:s11+$0x60];
	_ =	sdelay $0x1  }
0x1d0: {  	v1 =	vld [tilespmem:s11+$0xE0];
	_ =	sdelay $0x1  }
0x1d1: {  	v60 =	vld [tilespmem:s11+$0x160]  }
0x1d2: {  	v59 =	vsub.f32 $0.0e+00, v0  }
0x1d3: {  	v61 =	vld [tilespmem:s11+$0x1E0]  }
0x1d4: {  	v62 =	vsub.f32 $0.0e+00, v1;
	v2 =	vmul.f32 $1.442695020e+00, v59  }
0x1d5: {  	v63 =	vld [tilespmem:s11+$0x260]  }
0x1d6: {  	v11 =	vsub.f32 $0.0e+00, v60;
	v5 =	vmul.f32 $1.442695020e+00, v62;
	(erf) = vpow2.f32 v2  }
0x1d7: {  	v12 =	vld [tilespmem:s11+$0x2E0]  }
0x1d8: {  	v14 =	vsub.f32 $0.0e+00, v61;
	v13 =	vmul.f32 $1.442695020e+00, v11;
	(erf) = vpow2.f32 v5  }
0x1d9: {  	v15 =	vld [tilespmem:s11+$0x360]  }
0x1da: {  	v18 =	vld [tilespmem:s11+$0x3E0];
	v17 =	vsub.f32 $0.0e+00, v63;
	v16 =	vmul.f32 $1.442695020e+00, v14;
	(erf) = vpow2.f32 v13;
	_ =	sdelay $0x1  }
0x1db: {  	v20 =	vsub.f32 $0.0e+00, v12;
	v19 =	vmul.f32 $1.442695020e+00, v17;
	(erf) = vpow2.f32 v16;
	_ =	sdelay $0x1  }
0x1dc: {  	v23 =	vsub.f32 $0.0e+00, v15;
	v22 =	vmul.f32 $1.442695020e+00, v20;
	(erf) = vpow2.f32 v19  }
0x1dd: {  	v25 =	vsub.f32 $0.0e+00, v18;
	v21 =	vpop (erf)  }
0x1de: {  	v24 =	vmul.f32 $1.442695020e+00, v23;
	(erf) = vpow2.f32 v22;
	v10 =	vadd.f32 $0.0e+00, v21  }
0x1df: {  	v26 =	vpop (erf)  }
0x1e0: {  	v27 =	vmul.f32 $1.442695020e+00, v25;
	(erf) = vpow2.f32 v24;
	v10 =	vadd.f32 v26, v10  }
0x1e1: {  	v28 =	vpop (erf)  }
0x1e2: {  	(erf) = vpow2.f32 v27;
	v6 =	vadd.f32 v28, v10  }
0x1e3: {  	v29 =	vpop (erf)  }
0x1e4: {  	v5 =	vadd.f32 v29, v6  }
0x1e5: {  	v30 =	vpop (erf)  }
0x1e6: {  	v0 =	vmin.f32 v0, v1;
	v5 =	vadd.f32 v30, v5  }
0x1e7: {  	v0 =	vmin.f32 v0, v60;
	v31 =	vpop (erf)  }
0x1e8: {  	v0 =	vmin.f32 v0, v61;
	v32 =	vadd.f32 v31, v5  }
0x1e9: {  	v0 =	vmin.f32 v0, v63;
	v33 =	vpop (erf)  }
0x1ea: {  	v0 =	vmin.f32 v0, v12;
	v1 =	vadd.f32 v33, v32  }
0x1eb: {  	v0 =	vmin.f32 v0, v15;
	v34 =	vpop (erf)  }
0x1ec: {  	v0 =	vmin.f32 v0, v18;
	v1 =	vadd.f32 v34, v1  }
0x1ed: {  	[tilespmem:s14+$0x12460] =	vst v0  }
0x1ee: {  	[tilespmem:s14+$0x10460] =	vst v1  }
0x1ef: {  	v0 =	vld [tilespmem:s11+$0x70];
	_ =	sdelay $0x1  }
0x1f0: {  	v1 =	vld [tilespmem:s11+$0xF0];
	_ =	sdelay $0x1  }
0x1f1: {  	v36 =	vld [tilespmem:s11+$0x170]  }
0x1f2: {  	v35 =	vsub.f32 $0.0e+00, v0  }
0x1f3: {  	v37 =	vld [tilespmem:s11+$0x1F0]  }
0x1f4: {  	v38 =	vsub.f32 $0.0e+00, v1;
	v2 =	vmul.f32 $1.442695020e+00, v35  }
0x1f5: {  	v39 =	vld [tilespmem:s11+$0x270]  }
0x1f6: {  	v40 =	vsub.f32 $0.0e+00, v36;
	v5 =	vmul.f32 $1.442695020e+00, v38;
	(erf) = vpow2.f32 v2  }
0x1f7: {  	v41 =	vld [tilespmem:s11+$0x2F0]  }
0x1f8: {  	v43 =	vsub.f32 $0.0e+00, v37;
	v42 =	vmul.f32 $1.442695020e+00, v40;
	(erf) = vpow2.f32 v5  }
0x1f9: {  	v44 =	vld [tilespmem:s11+$0x370]  }
0x1fa: {  	v47 =	vld [tilespmem:s11+$0x3F0];
	v46 =	vsub.f32 $0.0e+00, v39;
	v45 =	vmul.f32 $1.442695020e+00, v43;
	(erf) = vpow2.f32 v42;
	_ =	sdelay $0x1  }
0x1fb: {  	v49 =	vsub.f32 $0.0e+00, v41;
	v48 =	vmul.f32 $1.442695020e+00, v46;
	(erf) = vpow2.f32 v45;
	_ =	sdelay $0x1  }
0x1fc: {  	v52 =	vsub.f32 $0.0e+00, v44;
	v51 =	vmul.f32 $1.442695020e+00, v49;
	(erf) = vpow2.f32 v48  }
0x1fd: {  	v54 =	vsub.f32 $0.0e+00, v47;
	v50 =	vpop (erf)  }
0x1fe: {  	v53 =	vmul.f32 $1.442695020e+00, v52;
	(erf) = vpow2.f32 v51;
	v10 =	vadd.f32 $0.0e+00, v50  }
0x1ff: {  	v55 =	vpop (erf)  }
0x200: {  	v56 =	vmul.f32 $1.442695020e+00, v54;
	(erf) = vpow2.f32 v53;
	v10 =	vadd.f32 v55, v10  }
0x201: {  	v57 =	vpop (erf)  }
0x202: {  	(erf) = vpow2.f32 v56;
	v6 =	vadd.f32 v57, v10  }
0x203: {  	v58 =	vpop (erf)  }
0x204: {  	v5 =	vadd.f32 v58, v6  }
0x205: {  	v59 =	vpop (erf)  }
0x206: {  	v0 =	vmin.f32 v0, v1;
	v5 =	vadd.f32 v59, v5  }
0x207: {  	v0 =	vmin.f32 v0, v36;
	v60 =	vpop (erf)  }
0x208: {  	v0 =	vmin.f32 v0, v37;
	v61 =	vadd.f32 v60, v5  }
0x209: {  	p0 =	sne.s32 s13, $0x1F00;
	v0 =	vmin.f32 v0, v39;
	v62 =	vpop (erf)  }
.Ltmp0:
0x20a: {  	v0 =	vmin.f32 v0, v41;
	v1 =	vadd.f32 v62, v61;
	(pc) =	sbr.rel @p0 .LBB2_2-.Ltmp0, $4  }
0x20b: {  	v0 =	vmin.f32 v0, v44;
	v63 =	vpop (erf)  }
0x20c: {  	v0 =	vmin.f32 v0, v47;
	v1 =	vadd.f32 v63, v1  }
0x20d: {  	[tilespmem:s14+$0x12470] =	vst v0  }
0x20e: {  	s12 =	sadd.s32 $0x80, s12;
	s13 =	sadd.s32 $0x100, s13;
	s11 =	sadd.s32 $0x800, s11;
	[tilespmem:s14+$0x10470] =	vst v1  }
0x20f: {  	[hbm4b:s4+s2] =	stream.linear.scatter [tilespmem:s8], [sflag:$0x1], $0x2000, $0x38;
	[tilespmem:$0x14000] =	vst v63  }
0x210: {  	s10 =	sadd.s32 $0x1, s10;
	_ =	swait.ge [sflag:s7], $0x2000  }
0x211: {  	p0 =	sne.s32 s10, s6;
	[sflag:s7] =	ssyncset.done $0x0  }
.Ltmp1:
0x212: {  	[sflag:s7] =	ssyncadd.s32 $0xFFFFE000;
	(pc) =	sbr.rel @p0 .LBB2_1-.Ltmp1, $4  }
0x213: {  	[hbm4b:s5+s2] =	stream.linear.scatter [tilespmem:s9], [sflag:$0x1], $0x2000, $0x38;
	[tilespmem:$0x14000] =	vst v63  }
0x214: {  	_ =	swait.ge [sflag:s7], $0x2000  }
0x215: {  	[sflag:s7] =	ssyncset.done $0x0  }
0x216: {  	[sflag:s7] =	ssyncadd.s32 $0xFFFFE000  }
0x217: {  	_ =	sfence.sel $0x180000  }
0x218: {  	[bflag:$0x0] =	sbarrier.arrive $0xFFFF  }
0x219: {  	p0 =	sne.s32 s1, $0x0;
	_ =	strace $0x90000047  }
0x21a: {  	s0 =	sadd.s32 @!p0 $0x100000, s0;
	[bflag:$0x2] =	sbarrier.arrive $0xFFFF  }
0x21b: {  	[sflag:s0] =	ssyncadd.tile.s32 @!p0 $0x1;
	_ =	shalt  }
.Lfunc_end2:
_tile_overlayer_lowered:
.L_overlay_start_2:
0x21c: {  	(tag) =	ssettag $0x2  }
0x21d: {  	s0 =	rddreg [dreg:$0x0];
	s2 =	stileid.u32  }
0x21e: {  	s1 =	rddreg [dreg:$0x1];
	p0 =	sne.s32 s2, $0x0  }
0x21f: {  	s3 =	rddreg [dreg:$0x2];
	[bflag:$0x3] =	sbarrier.arrive $0xFFFF;
	s2 =	simm.s32 @!p0 $0x1C01  }
0x220: {  	[timem:s3], [sflag:s2] =	dma.local @!p0 [hbm:s0], s1  }
0x221: {  	s0 =	simm.s32 @!p0 $0x1  }
0x222: {  	_ =	swait.ge @!p0 [sflag:s0], s1  }
0x223: {  	s1 =	ssub.s32 @!p0 $0x0, s1;
	[sflag:s0] =	ssyncset.done @!p0 $0x0  }
0x224: {  	[sflag:s0] =	ssyncadd.s32 @!p0 s1  }
0x225: {  	[bflag:$0x3] =	sbarrier.arrive $0xFFFF  }
0x226: {  	_ =	shalt  }

</sc_bundles>
